<compile_context>
chip_gen: v7x
topology: tpu7x:2x2x1
jax: 0.10.2.dev20260603
libtpu: 0.0.44.dev20260713+nightly
codegen_flags: <defaults>
</compile_context>

<pallas_src>
import functools
import numpy as np
import jax
import jax.numpy as jnp
from jax import lax
from jax.experimental import pallas as pl
from jax.experimental.pallas import tpu as pltpu
from jax.experimental.pallas import tpu_sc as plsc

N = 10000
E = 320000
IN_DIM = 128
H0 = 8
OD = 8
NCLS = 16
F1 = 80
F2 = 32

NCORES = 2
NSUB = 16
NW = NCORES * NSUB
CHUNK = 128
NBUF = 2
ISLOTS = 4
ETOT = 2 * E
CHUNKS = ISLOTS * (-(-ETOT // (NW * CHUNK * ISLOTS)))
EPT = CHUNKS * CHUNK
EPAD = EPT * NW
ACC = 21120
RPT = ACC // NSUB
DUMMY = 2 * N
EPS = 1e-30


def _sel(rows, cols):
    i = lax.broadcasted_iota(jnp.int32, (rows, cols), 0)
    j = lax.broadcasted_iota(jnp.int32, (rows, cols), 1)
    return (i == j).astype(jnp.float32)


def _headpool(hd, h):
    d = hd // h
    i = lax.broadcasted_iota(jnp.int32, (hd, h), 0)
    j = lax.broadcasted_iota(jnp.int32, (hd, h), 1)
    return (i // d == j).astype(jnp.float32)


def _den_expand(f, hd, h):
    d = hd // h
    i = lax.broadcasted_iota(jnp.int32, (f, hd), 0)
    j = lax.broadcasted_iota(jnp.int32, (f, hd), 1)
    return (i == hd + j // d).astype(jnp.float32)



def _prep1_body(x_ref, w_ref, al_ref, g_ref):
    h = jnp.dot(x_ref[...], w_ref[...], preferred_element_type=jnp.float32)
    t = h * al_ref[...]
    m = _headpool(H0 * OD, H0)
    el = jnp.dot(t, m, preferred_element_type=jnp.float32)
    wgt = jnp.exp(el)
    we = jnp.dot(wgt, m.T, preferred_element_type=jnp.float32)
    g_ref[...] = jnp.concatenate([h * we, wgt, jnp.zeros_like(wgt)], axis=1)


def _fin1_prep2_body(p_ref, b1_ref, w2_ref, al2_ref, g2_ref):
    a1 = p_ref[0:N, :] + p_ref[ACC:ACC + N, :]
    a2 = p_ref[N:2 * N, :] + p_ref[ACC + N:ACC + 2 * N, :]
    msel = _sel(F1, H0 * OD)
    mden = _den_expand(F1, H0 * OD, H0)
    x1 = (jnp.dot(a1, msel, preferred_element_type=jnp.float32)
          / jnp.maximum(jnp.dot(a1, mden, preferred_element_type=jnp.float32), EPS)
          + jnp.dot(a2, msel, preferred_element_type=jnp.float32)
          / jnp.maximum(jnp.dot(a2, mden, preferred_element_type=jnp.float32), EPS)
          + 2.0 * b1_ref[...])
    h2 = jnp.dot(x1, w2_ref[...], preferred_element_type=jnp.float32)
    t2 = h2 * al2_ref[...]
    el2 = jnp.dot(t2, jnp.ones((NCLS, 1), jnp.float32),
                  preferred_element_type=jnp.float32)
    w2 = jnp.exp(el2)
    g2_ref[...] = jnp.concatenate(
        [h2 * w2, w2, jnp.zeros((N, F2 - NCLS - 1), jnp.float32)], axis=1)


def _fin2_body(p_ref, b2_ref, out_ref):
    a1 = p_ref[0:N, :] + p_ref[ACC:ACC + N, :]
    a2 = p_ref[N:2 * N, :] + p_ref[ACC + N:ACC + 2 * N, :]
    msel = _sel(F2, NCLS)
    mden = _den_expand(F2, NCLS, 1)
    out_ref[...] = (jnp.dot(a1, msel, preferred_element_type=jnp.float32)
                    / jnp.maximum(jnp.dot(a1, mden, preferred_element_type=jnp.float32), EPS)
                    + jnp.dot(a2, msel, preferred_element_type=jnp.float32)
                    / jnp.maximum(jnp.dot(a2, mden, preferred_element_type=jnp.float32), EPS)
                    + 2.0 * b2_ref[...])


_prep1 = pl.pallas_call(
    _prep1_body,
    out_shape=jax.ShapeDtypeStruct((N, F1), jnp.float32),
)

_fin1_prep2 = pl.pallas_call(
    _fin1_prep2_body,
    out_shape=jax.ShapeDtypeStruct((N, F2), jnp.float32),
)

_fin2 = pl.pallas_call(
    _fin2_body,
    out_shape=jax.ShapeDtypeStruct((N, NCLS), jnp.float32),
)



def _make_scatter(F):
    mesh = plsc.VectorSubcoreMesh(
        core_axis_name="c", subcore_axis_name="s",
        num_cores=NCORES, num_subcores=NSUB)

    @functools.partial(
        pl.kernel,
        out_type=jax.ShapeDtypeStruct((2 * ACC, F), jnp.float32),
        mesh=mesh,
        scratch_types=[
            [pltpu.VMEM((CHUNK,), jnp.int32) for _ in range(ISLOTS)],
            [pltpu.VMEM((CHUNK,), jnp.int32) for _ in range(ISLOTS)],
            [pltpu.VMEM((CHUNK, F), jnp.float32) for _ in range(NBUF)],
            pltpu.VMEM_SHARED((ACC, F), jnp.float32),
            [pltpu.SemaphoreType.DMA for _ in range(NBUF)],
            [pltpu.SemaphoreType.DMA for _ in range(ISLOTS)],
        ],
        compiler_params=pltpu.CompilerParams(use_tc_tiling_on_sc=False),
    )
    def scatter(g_hbm, src_hbm, dst_hbm, zeros_hbm, out_hbm,
                sidx, didx, rows, accum, gsem, isem):
        c = lax.axis_index("c")
        s = lax.axis_index("s")
        wid = s * NCORES + c
        stripe = s * RPT
        base_e = wid * EPT

        def fetch_idx(i, slot):
            pltpu.async_copy(src_hbm.at[pl.ds(base_e + i * CHUNK, CHUNK)],
                             sidx[slot], isem[slot])
            pltpu.async_copy(dst_hbm.at[pl.ds(base_e + i * CHUNK, CHUNK)],
                             didx[slot], isem[slot])

        def wait_idx(slot):
            pltpu.make_async_copy(src_hbm.at[pl.ds(0, CHUNK)],
                                  sidx[slot], isem[slot]).wait()
            pltpu.make_async_copy(src_hbm.at[pl.ds(0, CHUNK)],
                                  didx[slot], isem[slot]).wait()

        def start_gather(slot, b):
            pltpu.async_copy(g_hbm.at[sidx[slot]], rows[b], gsem[b])

        def wait_gather(b):
            pltpu.make_async_copy(g_hbm.at[sidx[0]], rows[b], gsem[b]).wait()

        for u in range(ISLOTS):
            fetch_idx(u, u)
        pltpu.sync_copy(zeros_hbm, accum.at[pl.ds(stripe, RPT)])
        for b in range(NBUF):
            wait_idx(b)
            start_gather(b, b)
        plsc.subcore_barrier()

        def body(q, carry):
            for u in range(ISLOTS):
                i = ISLOTS * q + u
                b = u % NBUF
                wait_gather(b)
                pltpu.sync_copy(rows[b], accum.at[didx[u]], add=True)

                @pl.when(i + NBUF < CHUNKS)
                def _():
                    wait_idx((u + NBUF) % ISLOTS)
                    start_gather((u + NBUF) % ISLOTS, b)

                @pl.when(i + ISLOTS < CHUNKS)
                def _():
                    fetch_idx(i + ISLOTS, u)
            return carry

        lax.fori_loop(0, CHUNKS // ISLOTS, body, 0)
        plsc.subcore_barrier()
        pltpu.sync_copy(accum.at[pl.ds(stripe, RPT)],
                        out_hbm.at[pl.ds(c * ACC + stripe, RPT)])

    return scatter


def _make_scatter_staged(F, NB, IS):
    assert CHUNKS % IS == 0 and IS % NB == 0
    GROWS = N // NSUB
    mesh = plsc.VectorSubcoreMesh(
        core_axis_name="c", subcore_axis_name="s",
        num_cores=NCORES, num_subcores=NSUB)

    @functools.partial(
        pl.kernel,
        out_type=jax.ShapeDtypeStruct((2 * ACC, F), jnp.float32),
        mesh=mesh,
        scratch_types=[
            [pltpu.VMEM((CHUNK,), jnp.int32) for _ in range(IS)],
            [pltpu.VMEM((CHUNK,), jnp.int32) for _ in range(IS)],
            [pltpu.VMEM((CHUNK, F), jnp.float32) for _ in range(NB)],
            pltpu.VMEM_SHARED((N, F), jnp.float32),
            pltpu.VMEM_SHARED((ACC, F), jnp.float32),
            [pltpu.SemaphoreType.DMA for _ in range(NB)],
            [pltpu.SemaphoreType.DMA for _ in range(IS)],
        ],
        compiler_params=pltpu.CompilerParams(use_tc_tiling_on_sc=False),
    )
    def scatter(g_hbm, src_hbm, dst_hbm, zeros_hbm, out_hbm,
                sidx, didx, rows, g_sp, accum, gsem, isem):
        c = lax.axis_index("c")
        s = lax.axis_index("s")
        wid = s * NCORES + c
        stripe = s * RPT
        base_e = wid * EPT

        def fetch_idx(i, slot):
            pltpu.async_copy(src_hbm.at[pl.ds(base_e + i * CHUNK, CHUNK)],
                             sidx[slot], isem[slot])
            pltpu.async_copy(dst_hbm.at[pl.ds(base_e + i * CHUNK, CHUNK)],
                             didx[slot], isem[slot])

        def wait_idx(slot):
            pltpu.make_async_copy(src_hbm.at[pl.ds(0, CHUNK)],
                                  sidx[slot], isem[slot]).wait()
            pltpu.make_async_copy(src_hbm.at[pl.ds(0, CHUNK)],
                                  didx[slot], isem[slot]).wait()

        def start_gather(slot, b):
            pltpu.async_copy(g_sp.at[sidx[slot]], rows[b], gsem[b])

        def wait_gather(b):
            pltpu.make_async_copy(g_sp.at[sidx[0]], rows[b], gsem[b]).wait()

        for u in range(IS):
            fetch_idx(u, u)
        pltpu.sync_copy(g_hbm.at[pl.ds(s * GROWS, GROWS)],
                        g_sp.at[pl.ds(s * GROWS, GROWS)])
        pltpu.sync_copy(zeros_hbm, accum.at[pl.ds(stripe, RPT)])
        plsc.subcore_barrier()
        for b in range(NB):
            wait_idx(b)
            start_gather(b, b)

        def body(q, carry):
            for u in range(IS):
                i = IS * q + u
                b = u % NB
                wait_gather(b)
                pltpu.sync_copy(rows[b], accum.at[didx[u]], add=True)

                @pl.when(i + NB < CHUNKS)
                def _():
                    wait_idx((u + NB) % IS)
                    start_gather((u + NB) % IS, b)

                @pl.when(i + IS < CHUNKS)
                def _():
                    fetch_idx(i + IS, u)
            return carry

        lax.fori_loop(0, CHUNKS // IS, body, 0)
        plsc.subcore_barrier()
        pltpu.sync_copy(accum.at[pl.ds(stripe, RPT)],
                        out_hbm.at[pl.ds(c * ACC + stripe, RPT)])

    return scatter


_scatter1 = _make_scatter(F1)
_scatter2 = _make_scatter_staged(F2, 4, 8)


def kernel(x, edge_index1, edge_index2, W1, al1, ar1, b1, W2, al2, ar2, b2):
    pad = EPAD - ETOT
    pad_iota = jnp.arange(pad, dtype=jnp.int32)
    src = jnp.concatenate([edge_index1[0], edge_index2[0], pad_iota % N])
    dst = jnp.concatenate([edge_index1[1], edge_index2[1] + N,
                           DUMMY + pad_iota % (ACC - DUMMY)])
    zeros1 = jnp.zeros((RPT, F1), jnp.float32)
    zeros2 = jnp.zeros((RPT, F2), jnp.float32)

    g1 = _prep1(x, W1, al1.reshape(1, H0 * OD))
    p1 = _scatter1(g1, src, dst, zeros1)
    g2 = _fin1_prep2(p1, b1.reshape(1, H0 * OD), W2, al2.reshape(1, NCLS))
    p2 = _scatter2(g2, src, dst, zeros2)
    return _fin2(p2, b2.reshape(1, NCLS))

# --- scband reference (transcript-rebuilt; emitter-appended) ---
"""Pipeline reference for scband-dgl-gat-73529840107892 (READ-ONLY COPY).

The authoritative reference and input builder live on the scoring server;
editing this copy changes nothing except your own understanding.
"""

import jax, jax.numpy as jnp
import numpy as np

N = 10000
E = 320000
IN_DIM = 128
OUT_DIM = 8
H0 = 8
H1 = 1
NUM_CLASSES = 16


def setup_inputs(seed: int = 0):
    key = jax.random.key(seed)
    ks = jax.random.split(key, 11)
    x = jax.random.normal(ks[0], (N, IN_DIM), dtype=jnp.float32)
    edge_index1 = jax.random.randint(ks[1], (2, E), 0, N, dtype=jnp.int32)
    edge_index2 = jax.random.randint(ks[2], (2, E), 0, N, dtype=jnp.int32)
    W1 = jax.random.normal(ks[3], (IN_DIM, H0 * OUT_DIM), dtype=jnp.float32) * 0.1
    al1 = jax.random.normal(ks[4], (1, H0, OUT_DIM), dtype=jnp.float32) * 0.1
    ar1 = jax.random.normal(ks[5], (1, H0, OUT_DIM), dtype=jnp.float32) * 0.1
    b1 = jnp.zeros((H0 * OUT_DIM,), dtype=jnp.float32)
    W2 = jax.random.normal(ks[6], (H0 * OUT_DIM, H1 * NUM_CLASSES), dtype=jnp.float32) * 0.1
    al2 = jax.random.normal(ks[7], (1, H1, NUM_CLASSES), dtype=jnp.float32) * 0.1
    ar2 = jax.random.normal(ks[8], (1, H1, NUM_CLASSES), dtype=jnp.float32) * 0.1
    b2 = jnp.zeros((H1 * NUM_CLASSES,), dtype=jnp.float32)
    return {"x": x, "edge_index1": edge_index1, "edge_index2": edge_index2,
            "W1": W1, "al1": al1, "ar1": ar1, "b1": b1,
            "W2": W2, "al2": al2, "ar2": ar2, "b2": b2}


def _gat_layer(x, edge_index, W, attn_l, attn_r, bias, num_heads, out_dim):
    # DGL GATConv with feat_drop=0, attn_drop=0, negative_slope=1.0, activation=None,
    # allow_zero_in_degree=True, residual=False, bias=True.
    n = x.shape[0]
    h = (x @ W).reshape(n, num_heads, out_dim)
    el = jnp.sum(h * attn_l, axis=-1)  # [N, H]
    er = jnp.sum(h * attn_r, axis=-1)  # [N, H]
    src = edge_index[0]
    dst = edge_index[1]
    e = jax.nn.leaky_relu(el[src] + er[dst], negative_slope=1.0)  # [E, H]
    emax = jax.ops.segment_max(e, dst, num_segments=n)
    emax = jnp.where(jnp.isfinite(emax), emax, 0.0)
    ex = jnp.exp(e - emax[dst])
    denom = jax.ops.segment_sum(ex, dst, num_segments=n)
    alpha = ex / jnp.maximum(denom[dst], 1e-9)  # edge softmax over incoming edges
    msg = h[src] * alpha[:, :, None]  # [E, H, D]
    out = jax.ops.segment_sum(msg, dst, num_segments=n)  # [N, H, D]
    return out + bias.reshape(1, num_heads, out_dim)


def reference(x, edge_index1, edge_index2, W1, al1, ar1, b1, W2, al2, ar2, b2):
    # len(graph_list) == 2 path with lga=False, dropout all zeros (eval-equivalent)
    n = x.shape[0]
    x11 = _gat_layer(x, edge_index1, W1, al1, ar1, b1, H0, OUT_DIM).reshape(n, -1)
    x12 = _gat_layer(x, edge_index2, W1, al1, ar1, b1, H0, OUT_DIM).reshape(n, -1)
    x1 = x11 + x12
    x21 = _gat_layer(x1, edge_index1, W2, al2, ar2, b2, H1, NUM_CLASSES)[:, 0, :]
    x22 = _gat_layer(x1, edge_index2, W2, al2, ar2, b2, H1, NUM_CLASSES)[:, 0, :]
    return x21 + x22

if __name__ == "__main__":
    import jax
    _d = setup_inputs()
    print(jax.jit(kernel)(*tuple(_d.values())))

</pallas_src>

<mosaic_0001>
#map = affine_map<(d0, d1) -> (0, 0)>
#map1 = affine_map<(d0, d1) -> (0)>
module attributes {stable_mosaic.version = 14 : i64} {
  func.func @scatter(%arg0: i32, %arg1: i32, %arg2: memref<10000x80xf32, #tpu.memory_space<hbm>>, %arg3: memref<655360xi32, #tpu.memory_space<hbm>>, %arg4: memref<655360xi32, #tpu.memory_space<hbm>>, %arg5: memref<1320x80xf32, #tpu.memory_space<hbm>>, %arg6: memref<42240x80xf32, #tpu.memory_space<hbm>>, %arg7: memref<128xi32, #tpu.memory_space<vmem>>, %arg8: memref<128xi32, #tpu.memory_space<vmem>>, %arg9: memref<128xi32, #tpu.memory_space<vmem>>, %arg10: memref<128xi32, #tpu.memory_space<vmem>>, %arg11: memref<128xi32, #tpu.memory_space<vmem>>, %arg12: memref<128xi32, #tpu.memory_space<vmem>>, %arg13: memref<128xi32, #tpu.memory_space<vmem>>, %arg14: memref<128xi32, #tpu.memory_space<vmem>>, %arg15: memref<128x80xf32, #tpu.memory_space<vmem>>, %arg16: memref<128x80xf32, #tpu.memory_space<vmem>>, %arg17: memref<21120x80xf32, #tpu.memory_space<vmem_shared>>, %arg18: memref<!tpu.dma_semaphore, #tpu.memory_space<semaphore_mem>>, %arg19: memref<!tpu.dma_semaphore, #tpu.memory_space<semaphore_mem>>, %arg20: memref<!tpu.dma_semaphore, #tpu.memory_space<semaphore_mem>>, %arg21: memref<!tpu.dma_semaphore, #tpu.memory_space<semaphore_mem>>, %arg22: memref<!tpu.dma_semaphore, #tpu.memory_space<semaphore_mem>>, %arg23: memref<!tpu.dma_semaphore, #tpu.memory_space<semaphore_mem>>) attributes {dimension_semantics = [#tpu.dimension_semantics<core_parallel>, #tpu.dimension_semantics<subcore_parallel>], iteration_bounds = array<i64: 2, 16>, scalar_prefetch = 0 : i64, scratch_operands = 17 : i64, tpu.core_type = #tpu.core_type<sc_vector_subcore>, window_params = [{transform_indices = #map}, {transform_indices = #map1}, {transform_indices = #map1}, {transform_indices = #map}, {transform_indices = #map}]} {
    %mul3A = arith.constant 2 : i32
    %mul3A_0 = arith.muli %arg1, %mul3A : i32
    %add3A = arith.addi %mul3A_0, %arg0 : i32
    %mul3A_1 = arith.constant 1320 : i32
    %mul3A_2 = arith.muli %arg1, %mul3A_1 : i32
    %mul3A_3 = arith.constant 20480 : i32
    %mul3A_4 = arith.muli %add3A, %mul3A_3 : i32
    %add3A_5 = arith.constant 0 : i32
    %add3A_6 = arith.addi %mul3A_4, %add3A_5 : i32
    %dma_start3A = tpu.memref_slice %arg3[%add3A_6] : memref<655360xi32, #tpu.memory_space<hbm>> -> memref<128xi32, #tpu.memory_space<hbm>>
    %dma_start3A_7 = tpu.memref_slice %arg3[%add3A_6] : memref<655360xi32, #tpu.memory_space<hbm>> -> memref<128xi32, #tpu.memory_space<hbm>>
    tpu.enqueue_dma source(%dma_start3A_7 : memref<128xi32, #tpu.memory_space<hbm>>) target(%arg7 : memref<128xi32, #tpu.memory_space<vmem>>) target_semaphore(%arg20 : memref<!tpu.dma_semaphore, #tpu.memory_space<semaphore_mem>>)
    %add3A_8 = arith.constant 0 : i32
    %add3A_9 = arith.addi %mul3A_4, %add3A_8 : i32
    %dma_start3A_10 = tpu.memref_slice %arg4[%add3A_9] : memref<655360xi32, #tpu.memory_space<hbm>> -> memref<128xi32, #tpu.memory_space<hbm>>
    %dma_start3A_11 = tpu.memref_slice %arg4[%add3A_9] : memref<655360xi32, #tpu.memory_space<hbm>> -> memref<128xi32, #tpu.memory_space<hbm>>
    tpu.enqueue_dma source(%dma_start3A_11 : memref<128xi32, #tpu.memory_space<hbm>>) target(%arg11 : memref<128xi32, #tpu.memory_space<vmem>>) target_semaphore(%arg20 : memref<!tpu.dma_semaphore, #tpu.memory_space<semaphore_mem>>)
    %add3A_12 = arith.constant 128 : i32
    %add3A_13 = arith.addi %mul3A_4, %add3A_12 : i32
    %dma_start3A_14 = tpu.memref_slice %arg3[%add3A_13] : memref<655360xi32, #tpu.memory_space<hbm>> -> memref<128xi32, #tpu.memory_space<hbm>>
    %dma_start3A_15 = tpu.memref_slice %arg3[%add3A_13] : memref<655360xi32, #tpu.memory_space<hbm>> -> memref<128xi32, #tpu.memory_space<hbm>>
    tpu.enqueue_dma source(%dma_start3A_15 : memref<128xi32, #tpu.memory_space<hbm>>) target(%arg8 : memref<128xi32, #tpu.memory_space<vmem>>) target_semaphore(%arg21 : memref<!tpu.dma_semaphore, #tpu.memory_space<semaphore_mem>>)
    %add3A_16 = arith.constant 128 : i32
    %add3A_17 = arith.addi %mul3A_4, %add3A_16 : i32
    %dma_start3A_18 = tpu.memref_slice %arg4[%add3A_17] : memref<655360xi32, #tpu.memory_space<hbm>> -> memref<128xi32, #tpu.memory_space<hbm>>
    %dma_start3A_19 = tpu.memref_slice %arg4[%add3A_17] : memref<655360xi32, #tpu.memory_space<hbm>> -> memref<128xi32, #tpu.memory_space<hbm>>
    tpu.enqueue_dma source(%dma_start3A_19 : memref<128xi32, #tpu.memory_space<hbm>>) target(%arg12 : memref<128xi32, #tpu.memory_space<vmem>>) target_semaphore(%arg21 : memref<!tpu.dma_semaphore, #tpu.memory_space<semaphore_mem>>)
    %add3A_20 = arith.constant 256 : i32
    %add3A_21 = arith.addi %mul3A_4, %add3A_20 : i32
    %dma_start3A_22 = tpu.memref_slice %arg3[%add3A_21] : memref<655360xi32, #tpu.memory_space<hbm>> -> memref<128xi32, #tpu.memory_space<hbm>>
    %dma_start3A_23 = tpu.memref_slice %arg3[%add3A_21] : memref<655360xi32, #tpu.memory_space<hbm>> -> memref<128xi32, #tpu.memory_space<hbm>>
    tpu.enqueue_dma source(%dma_start3A_23 : memref<128xi32, #tpu.memory_space<hbm>>) target(%arg9 : memref<128xi32, #tpu.memory_space<vmem>>) target_semaphore(%arg22 : memref<!tpu.dma_semaphore, #tpu.memory_space<semaphore_mem>>)
    %add3A_24 = arith.constant 256 : i32
    %add3A_25 = arith.addi %mul3A_4, %add3A_24 : i32
    %dma_start3A_26 = tpu.memref_slice %arg4[%add3A_25] : memref<655360xi32, #tpu.memory_space<hbm>> -> memref<128xi32, #tpu.memory_space<hbm>>
    %dma_start3A_27 = tpu.memref_slice %arg4[%add3A_25] : memref<655360xi32, #tpu.memory_space<hbm>> -> memref<128xi32, #tpu.memory_space<hbm>>
    tpu.enqueue_dma source(%dma_start3A_27 : memref<128xi32, #tpu.memory_space<hbm>>) target(%arg13 : memref<128xi32, #tpu.memory_space<vmem>>) target_semaphore(%arg22 : memref<!tpu.dma_semaphore, #tpu.memory_space<semaphore_mem>>)
    %add3A_28 = arith.constant 384 : i32
    %add3A_29 = arith.addi %mul3A_4, %add3A_28 : i32
    %dma_start3A_30 = tpu.memref_slice %arg3[%add3A_29] : memref<655360xi32, #tpu.memory_space<hbm>> -> memref<128xi32, #tpu.memory_space<hbm>>
    %dma_start3A_31 = tpu.memref_slice %arg3[%add3A_29] : memref<655360xi32, #tpu.memory_space<hbm>> -> memref<128xi32, #tpu.memory_space<hbm>>
    tpu.enqueue_dma source(%dma_start3A_31 : memref<128xi32, #tpu.memory_space<hbm>>) target(%arg10 : memref<128xi32, #tpu.memory_space<vmem>>) target_semaphore(%arg23 : memref<!tpu.dma_semaphore, #tpu.memory_space<semaphore_mem>>)
    %add3A_32 = arith.constant 384 : i32
    %add3A_33 = arith.addi %mul3A_4, %add3A_32 : i32
    %dma_start3A_34 = tpu.memref_slice %arg4[%add3A_33] : memref<655360xi32, #tpu.memory_space<hbm>> -> memref<128xi32, #tpu.memory_space<hbm>>
    %dma_start3A_35 = tpu.memref_slice %arg4[%add3A_33] : memref<655360xi32, #tpu.memory_space<hbm>> -> memref<128xi32, #tpu.memory_space<hbm>>
    tpu.enqueue_dma source(%dma_start3A_35 : memref<128xi32, #tpu.memory_space<hbm>>) target(%arg14 : memref<128xi32, #tpu.memory_space<vmem>>) target_semaphore(%arg23 : memref<!tpu.dma_semaphore, #tpu.memory_space<semaphore_mem>>)
    "tpu.region"() ({
      %run_scoped3A = tpu.sem_alloc : memref<!tpu.dma_semaphore, #tpu.memory_space<semaphore_mem>>
      %dma_start3A_66 = arith.constant 0 : i32
      %dma_start3A_67 = tpu.memref_slice %arg17[%mul3A_2, %dma_start3A_66] : memref<21120x80xf32, #tpu.memory_space<vmem_shared>> -> memref<1320x80xf32, #tpu.memory_space<vmem_shared>>
      tpu.enqueue_dma source(%arg5 : memref<1320x80xf32, #tpu.memory_space<hbm>>) target(%dma_start3A_67 : memref<1320x80xf32, #tpu.memory_space<vmem_shared>>) target_semaphore(%run_scoped3A : memref<!tpu.dma_semaphore, #tpu.memory_space<semaphore_mem>>)
      %dma_wait3A_68 = arith.constant 0 : i32
      %dma_wait3A_69 = tpu.memref_slice %arg17[%mul3A_2, %dma_wait3A_68] : memref<21120x80xf32, #tpu.memory_space<vmem_shared>> -> memref<1320x80xf32, #tpu.memory_space<vmem_shared>>
      tpu.wait_dma2 semaphore(%run_scoped3A : memref<!tpu.dma_semaphore, #tpu.memory_space<semaphore_mem>>) src(%arg5 : memref<1320x80xf32, #tpu.memory_space<hbm>>) dst(%dma_wait3A_69 : memref<1320x80xf32, #tpu.memory_space<vmem_shared>>)
      tpu.yield
    }) : () -> ()
    %dma_wait3A = arith.constant 0 : i32
    %dma_wait3A_36 = tpu.memref_slice %arg3[%dma_wait3A] : memref<655360xi32, #tpu.memory_space<hbm>> -> memref<128xi32, #tpu.memory_space<hbm>>
    %dma_wait3A_37 = arith.constant 0 : i32
    %dma_wait3A_38 = tpu.memref_slice %arg3[%dma_wait3A_37] : memref<655360xi32, #tpu.memory_space<hbm>> -> memref<128xi32, #tpu.memory_space<hbm>>
    tpu.wait_dma2 semaphore(%arg20 : memref<!tpu.dma_semaphore, #tpu.memory_space<semaphore_mem>>) src(%dma_wait3A_38 : memref<128xi32, #tpu.memory_space<hbm>>) dst(%arg7 : memref<128xi32, #tpu.memory_space<vmem>>)
    %dma_wait3A_39 = arith.constant 0 : i32
    %dma_wait3A_40 = tpu.memref_slice %arg3[%dma_wait3A_39] : memref<655360xi32, #tpu.memory_space<hbm>> -> memref<128xi32, #tpu.memory_space<hbm>>
    %dma_wait3A_41 = arith.constant 0 : i32
    %dma_wait3A_42 = tpu.memref_slice %arg3[%dma_wait3A_41] : memref<655360xi32, #tpu.memory_space<hbm>> -> memref<128xi32, #tpu.memory_space<hbm>>
    tpu.wait_dma2 semaphore(%arg20 : memref<!tpu.dma_semaphore, #tpu.memory_space<semaphore_mem>>) src(%dma_wait3A_42 : memref<128xi32, #tpu.memory_space<hbm>>) dst(%arg11 : memref<128xi32, #tpu.memory_space<vmem>>)
    %dma_start3A_43 = arith.constant 0 : i32
    %dma_start3A_44 = arith.constant 0 : i32
    %dma_start3A_45 = tpu.memref_slice %arg2[%dma_start3A_43, %dma_start3A_44] : memref<10000x80xf32, #tpu.memory_space<hbm>> -> memref<10000x80xf32, #tpu.memory_space<hbm>>
    tpu.enqueue_indirect_dma source(%dma_start3A_45 : memref<10000x80xf32, #tpu.memory_space<hbm>>) target(%arg15 : memref<128x80xf32, #tpu.memory_space<vmem>>) offsets(%arg7 : memref<128xi32, #tpu.memory_space<vmem>>) semaphore(%arg18 : memref<!tpu.dma_semaphore, #tpu.memory_space<semaphore_mem>>)
    %dma_wait3A_46 = arith.constant 0 : i32
    %dma_wait3A_47 = tpu.memref_slice %arg3[%dma_wait3A_46] : memref<655360xi32, #tpu.memory_space<hbm>> -> memref<128xi32, #tpu.memory_space<hbm>>
    %dma_wait3A_48 = arith.constant 0 : i32
    %dma_wait3A_49 = tpu.memref_slice %arg3[%dma_wait3A_48] : memref<655360xi32, #tpu.memory_space<hbm>> -> memref<128xi32, #tpu.memory_space<hbm>>
    tpu.wait_dma2 semaphore(%arg21 : memref<!tpu.dma_semaphore, #tpu.memory_space<semaphore_mem>>) src(%dma_wait3A_49 : memref<128xi32, #tpu.memory_space<hbm>>) dst(%arg8 : memref<128xi32, #tpu.memory_space<vmem>>)
    %dma_wait3A_50 = arith.constant 0 : i32
    %dma_wait3A_51 = tpu.memref_slice %arg3[%dma_wait3A_50] : memref<655360xi32, #tpu.memory_space<hbm>> -> memref<128xi32, #tpu.memory_space<hbm>>
    %dma_wait3A_52 = arith.constant 0 : i32
    %dma_wait3A_53 = tpu.memref_slice %arg3[%dma_wait3A_52] : memref<655360xi32, #tpu.memory_space<hbm>> -> memref<128xi32, #tpu.memory_space<hbm>>
    tpu.wait_dma2 semaphore(%arg21 : memref<!tpu.dma_semaphore, #tpu.memory_space<semaphore_mem>>) src(%dma_wait3A_53 : memref<128xi32, #tpu.memory_space<hbm>>) dst(%arg12 : memref<128xi32, #tpu.memory_space<vmem>>)
    %dma_start3A_54 = arith.constant 0 : i32
    %dma_start3A_55 = arith.constant 0 : i32
    %dma_start3A_56 = tpu.memref_slice %arg2[%dma_start3A_54, %dma_start3A_55] : memref<10000x80xf32, #tpu.memory_space<hbm>> -> memref<10000x80xf32, #tpu.memory_space<hbm>>
    tpu.enqueue_indirect_dma source(%dma_start3A_56 : memref<10000x80xf32, #tpu.memory_space<hbm>>) target(%arg16 : memref<128x80xf32, #tpu.memory_space<vmem>>) offsets(%arg8 : memref<128xi32, #tpu.memory_space<vmem>>) semaphore(%arg19 : memref<!tpu.dma_semaphore, #tpu.memory_space<semaphore_mem>>)
    %barrier3A = arith.constant 0 : index
    tpu.barrier barrier_id(%barrier3A)
    %scan3A = arith.constant 0 : i32
    %scan3A_57 = arith.constant 0 : i32
    %scan3A_58 = arith.constant 40 : i32
    %scan3A_59 = arith.addi %scan3A_57, %scan3A_58 : i32
    %scan3A_60 = arith.constant 1 : i32
    scf.for %scan3A_66 = %scan3A_57 to %scan3A_59 step %scan3A_60  : i32 {
      %mul3A_67 = arith.constant 4 : i32
      %mul3A_68 = arith.muli %mul3A_67, %scan3A_66 : i32
      %add3A_69 = arith.constant 0 : i32
      %add3A_70 = arith.addi %mul3A_68, %add3A_69 : i32
      %dma_wait3A_71 = arith.constant 0 : i32
      %dma_wait3A_72 = arith.constant 0 : i32
      %dma_wait3A_73 = tpu.memref_slice %arg2[%dma_wait3A_71, %dma_wait3A_72] : memref<10000x80xf32, #tpu.memory_space<hbm>> -> memref<10000x80xf32, #tpu.memory_space<hbm>>
      tpu.wait_indirect_dma semaphore(%arg18 : memref<!tpu.dma_semaphore, #tpu.memory_space<semaphore_mem>>) src(%dma_wait3A_73 : memref<10000x80xf32, #tpu.memory_space<hbm>>) dst(%arg15 : memref<128x80xf32, #tpu.memory_space<vmem>>)
      "tpu.region"() ({
        %run_scoped3A = tpu.sem_alloc : memref<!tpu.dma_semaphore, #tpu.memory_space<semaphore_mem>>
        %dma_start3A_148 = arith.constant 0 : i32
        %dma_start3A_149 = arith.constant 0 : i32
        %dma_start3A_150 = tpu.memref_slice %arg17[%dma_start3A_148, %dma_start3A_149] : memref<21120x80xf32, #tpu.memory_space<vmem_shared>> -> memref<21120x80xf32, #tpu.memory_space<vmem_shared>>
        tpu.enqueue_indirect_dma source(%arg15 : memref<128x80xf32, #tpu.memory_space<vmem>>) target(%dma_start3A_150 : memref<21120x80xf32, #tpu.memory_space<vmem_shared>>) offsets(%arg11 : memref<128xi32, #tpu.memory_space<vmem>>) semaphore(%run_scoped3A : memref<!tpu.dma_semaphore, #tpu.memory_space<semaphore_mem>>) {add = true}
        %dma_wait3A_151 = arith.constant 0 : i32
        %dma_wait3A_152 = arith.constant 0 : i32
        %dma_wait3A_153 = tpu.memref_slice %arg17[%dma_wait3A_151, %dma_wait3A_152] : memref<21120x80xf32, #tpu.memory_space<vmem_shared>> -> memref<21120x80xf32, #tpu.memory_space<vmem_shared>>
        tpu.wait_indirect_dma semaphore(%run_scoped3A : memref<!tpu.dma_semaphore, #tpu.memory_space<semaphore_mem>>) src(%arg15 : memref<128x80xf32, #tpu.memory_space<vmem>>) dst(%dma_wait3A_153 : memref<21120x80xf32, #tpu.memory_space<vmem_shared>>)
        tpu.yield
      }) : () -> ()
      %add3A_74 = arith.constant 2 : i32
      %add3A_75 = arith.addi %add3A_70, %add3A_74 : i32
      %lt3A = arith.constant 160 : i32
      %lt3A_76 = arith.cmpi slt, %add3A_75, %lt3A : i32
      %convert_element_type3A = arith.extui %lt3A_76 : i1 to i32
      %cond3A = arith.constant 0 : i32
      %cond3A_77 = arith.cmpi ne, %convert_element_type3A, %cond3A : i32
      scf.if %cond3A_77 {
        %dma_wait3A_148 = arith.constant 0 : i32
        %dma_wait3A_149 = tpu.memref_slice %arg3[%dma_wait3A_148] : memref<655360xi32, #tpu.memory_space<hbm>> -> memref<128xi32, #tpu.memory_space<hbm>>
        %dma_wait3A_150 = arith.constant 0 : i32
        %dma_wait3A_151 = tpu.memref_slice %arg3[%dma_wait3A_150] : memref<655360xi32, #tpu.memory_space<hbm>> -> memref<128xi32, #tpu.memory_space<hbm>>
        tpu.wait_dma2 semaphore(%arg22 : memref<!tpu.dma_semaphore, #tpu.memory_space<semaphore_mem>>) src(%dma_wait3A_151 : memref<128xi32, #tpu.memory_space<hbm>>) dst(%arg9 : memref<128xi32, #tpu.memory_space<vmem>>)
        %dma_wait3A_152 = arith.constant 0 : i32
        %dma_wait3A_153 = tpu.memref_slice %arg3[%dma_wait3A_152] : memref<655360xi32, #tpu.memory_space<hbm>> -> memref<128xi32, #tpu.memory_space<hbm>>
        %dma_wait3A_154 = arith.constant 0 : i32
        %dma_wait3A_155 = tpu.memref_slice %arg3[%dma_wait3A_154] : memref<655360xi32, #tpu.memory_space<hbm>> -> memref<128xi32, #tpu.memory_space<hbm>>
        tpu.wait_dma2 semaphore(%arg22 : memref<!tpu.dma_semaphore, #tpu.memory_space<semaphore_mem>>) src(%dma_wait3A_155 : memref<128xi32, #tpu.memory_space<hbm>>) dst(%arg13 : memref<128xi32, #tpu.memory_space<vmem>>)
        %dma_start3A_156 = arith.constant 0 : i32
        %dma_start3A_157 = arith.constant 0 : i32
        %dma_start3A_158 = tpu.memref_slice %arg2[%dma_start3A_156, %dma_start3A_157] : memref<10000x80xf32, #tpu.memory_space<hbm>> -> memref<10000x80xf32, #tpu.memory_space<hbm>>
        tpu.enqueue_indirect_dma source(%dma_start3A_158 : memref<10000x80xf32, #tpu.memory_space<hbm>>) target(%arg15 : memref<128x80xf32, #tpu.memory_space<vmem>>) offsets(%arg9 : memref<128xi32, #tpu.memory_space<vmem>>) semaphore(%arg18 : memref<!tpu.dma_semaphore, #tpu.memory_space<semaphore_mem>>)
      } else {
      }
      %add3A_78 = arith.constant 4 : i32
      %add3A_79 = arith.addi %add3A_70, %add3A_78 : i32
      %lt3A_80 = arith.constant 160 : i32
      %lt3A_81 = arith.cmpi slt, %add3A_79, %lt3A_80 : i32
      %convert_element_type3A_82 = arith.extui %lt3A_81 : i1 to i32
      %cond3A_83 = arith.constant 0 : i32
      %cond3A_84 = arith.cmpi ne, %convert_element_type3A_82, %cond3A_83 : i32
      scf.if %cond3A_84 {
        %add3A_148 = arith.constant 4 : i32
        %add3A_149 = arith.addi %add3A_70, %add3A_148 : i32
        %mul3A_150 = arith.constant 128 : i32
        %mul3A_151 = arith.muli %add3A_149, %mul3A_150 : i32
        %add3A_152 = arith.addi %mul3A_4, %mul3A_151 : i32
        %dma_start3A_153 = tpu.memref_slice %arg3[%add3A_152] : memref<655360xi32, #tpu.memory_space<hbm>> -> memref<128xi32, #tpu.memory_space<hbm>>
        %dma_start3A_154 = tpu.memref_slice %arg3[%add3A_152] : memref<655360xi32, #tpu.memory_space<hbm>> -> memref<128xi32, #tpu.memory_space<hbm>>
        tpu.enqueue_dma source(%dma_start3A_154 : memref<128xi32, #tpu.memory_space<hbm>>) target(%arg7 : memref<128xi32, #tpu.memory_space<vmem>>) target_semaphore(%arg20 : memref<!tpu.dma_semaphore, #tpu.memory_space<semaphore_mem>>)
        %mul3A_155 = arith.constant 128 : i32
        %mul3A_156 = arith.muli %add3A_149, %mul3A_155 : i32
        %add3A_157 = arith.addi %mul3A_4, %mul3A_156 : i32
        %dma_start3A_158 = tpu.memref_slice %arg4[%add3A_157] : memref<655360xi32, #tpu.memory_space<hbm>> -> memref<128xi32, #tpu.memory_space<hbm>>
        %dma_start3A_159 = tpu.memref_slice %arg4[%add3A_157] : memref<655360xi32, #tpu.memory_space<hbm>> -> memref<128xi32, #tpu.memory_space<hbm>>
        tpu.enqueue_dma source(%dma_start3A_159 : memref<128xi32, #tpu.memory_space<hbm>>) target(%arg11 : memref<128xi32, #tpu.memory_space<vmem>>) target_semaphore(%arg20 : memref<!tpu.dma_semaphore, #tpu.memory_space<semaphore_mem>>)
      } else {
      }
      %mul3A_85 = arith.constant 4 : i32
      %mul3A_86 = arith.muli %mul3A_85, %scan3A_66 : i32
      %add3A_87 = arith.constant 1 : i32
      %add3A_88 = arith.addi %mul3A_86, %add3A_87 : i32
      %dma_wait3A_89 = arith.constant 0 : i32
      %dma_wait3A_90 = arith.constant 0 : i32
      %dma_wait3A_91 = tpu.memref_slice %arg2[%dma_wait3A_89, %dma_wait3A_90] : memref<10000x80xf32, #tpu.memory_space<hbm>> -> memref<10000x80xf32, #tpu.memory_space<hbm>>
      tpu.wait_indirect_dma semaphore(%arg19 : memref<!tpu.dma_semaphore, #tpu.memory_space<semaphore_mem>>) src(%dma_wait3A_91 : memref<10000x80xf32, #tpu.memory_space<hbm>>) dst(%arg16 : memref<128x80xf32, #tpu.memory_space<vmem>>)
      "tpu.region"() ({
        %run_scoped3A = tpu.sem_alloc : memref<!tpu.dma_semaphore, #tpu.memory_space<semaphore_mem>>
        %dma_start3A_148 = arith.constant 0 : i32
        %dma_start3A_149 = arith.constant 0 : i32
        %dma_start3A_150 = tpu.memref_slice %arg17[%dma_start3A_148, %dma_start3A_149] : memref<21120x80xf32, #tpu.memory_space<vmem_shared>> -> memref<21120x80xf32, #tpu.memory_space<vmem_shared>>
        tpu.enqueue_indirect_dma source(%arg16 : memref<128x80xf32, #tpu.memory_space<vmem>>) target(%dma_start3A_150 : memref<21120x80xf32, #tpu.memory_space<vmem_shared>>) offsets(%arg12 : memref<128xi32, #tpu.memory_space<vmem>>) semaphore(%run_scoped3A : memref<!tpu.dma_semaphore, #tpu.memory_space<semaphore_mem>>) {add = true}
        %dma_wait3A_151 = arith.constant 0 : i32
        %dma_wait3A_152 = arith.constant 0 : i32
        %dma_wait3A_153 = tpu.memref_slice %arg17[%dma_wait3A_151, %dma_wait3A_152] : memref<21120x80xf32, #tpu.memory_space<vmem_shared>> -> memref<21120x80xf32, #tpu.memory_space<vmem_shared>>
        tpu.wait_indirect_dma semaphore(%run_scoped3A : memref<!tpu.dma_semaphore, #tpu.memory_space<semaphore_mem>>) src(%arg16 : memref<128x80xf32, #tpu.memory_space<vmem>>) dst(%dma_wait3A_153 : memref<21120x80xf32, #tpu.memory_space<vmem_shared>>)
        tpu.yield
      }) : () -> ()
      %add3A_92 = arith.constant 2 : i32
      %add3A_93 = arith.addi %add3A_88, %add3A_92 : i32
      %lt3A_94 = arith.constant 160 : i32
      %lt3A_95 = arith.cmpi slt, %add3A_93, %lt3A_94 : i32
      %convert_element_type3A_96 = arith.extui %lt3A_95 : i1 to i32
      %cond3A_97 = arith.constant 0 : i32
      %cond3A_98 = arith.cmpi ne, %convert_element_type3A_96, %cond3A_97 : i32
      scf.if %cond3A_98 {
        %dma_wait3A_148 = arith.constant 0 : i32
        %dma_wait3A_149 = tpu.memref_slice %arg3[%dma_wait3A_148] : memref<655360xi32, #tpu.memory_space<hbm>> -> memref<128xi32, #tpu.memory_space<hbm>>
        %dma_wait3A_150 = arith.constant 0 : i32
        %dma_wait3A_151 = tpu.memref_slice %arg3[%dma_wait3A_150] : memref<655360xi32, #tpu.memory_space<hbm>> -> memref<128xi32, #tpu.memory_space<hbm>>
        tpu.wait_dma2 semaphore(%arg23 : memref<!tpu.dma_semaphore, #tpu.memory_space<semaphore_mem>>) src(%dma_wait3A_151 : memref<128xi32, #tpu.memory_space<hbm>>) dst(%arg10 : memref<128xi32, #tpu.memory_space<vmem>>)
        %dma_wait3A_152 = arith.constant 0 : i32
        %dma_wait3A_153 = tpu.memref_slice %arg3[%dma_wait3A_152] : memref<655360xi32, #tpu.memory_space<hbm>> -> memref<128xi32, #tpu.memory_space<hbm>>
        %dma_wait3A_154 = arith.constant 0 : i32
        %dma_wait3A_155 = tpu.memref_slice %arg3[%dma_wait3A_154] : memref<655360xi32, #tpu.memory_space<hbm>> -> memref<128xi32, #tpu.memory_space<hbm>>
        tpu.wait_dma2 semaphore(%arg23 : memref<!tpu.dma_semaphore, #tpu.memory_space<semaphore_mem>>) src(%dma_wait3A_155 : memref<128xi32, #tpu.memory_space<hbm>>) dst(%arg14 : memref<128xi32, #tpu.memory_space<vmem>>)
        %dma_start3A_156 = arith.constant 0 : i32
        %dma_start3A_157 = arith.constant 0 : i32
        %dma_start3A_158 = tpu.memref_slice %arg2[%dma_start3A_156, %dma_start3A_157] : memref<10000x80xf32, #tpu.memory_space<hbm>> -> memref<10000x80xf32, #tpu.memory_space<hbm>>
        tpu.enqueue_indirect_dma source(%dma_start3A_158 : memref<10000x80xf32, #tpu.memory_space<hbm>>) target(%arg16 : memref<128x80xf32, #tpu.memory_space<vmem>>) offsets(%arg10 : memref<128xi32, #tpu.memory_space<vmem>>) semaphore(%arg19 : memref<!tpu.dma_semaphore, #tpu.memory_space<semaphore_mem>>)
      } else {
      }
      %add3A_99 = arith.constant 4 : i32
      %add3A_100 = arith.addi %add3A_88, %add3A_99 : i32
      %lt3A_101 = arith.constant 160 : i32
      %lt3A_102 = arith.cmpi slt, %add3A_100, %lt3A_101 : i32
      %convert_element_type3A_103 = arith.extui %lt3A_102 : i1 to i32
      %cond3A_104 = arith.constant 0 : i32
      %cond3A_105 = arith.cmpi ne, %convert_element_type3A_103, %cond3A_104 : i32
      scf.if %cond3A_105 {
        %add3A_148 = arith.constant 4 : i32
        %add3A_149 = arith.addi %add3A_88, %add3A_148 : i32
        %mul3A_150 = arith.constant 128 : i32
        %mul3A_151 = arith.muli %add3A_149, %mul3A_150 : i32
        %add3A_152 = arith.addi %mul3A_4, %mul3A_151 : i32
        %dma_start3A_153 = tpu.memref_slice %arg3[%add3A_152] : memref<655360xi32, #tpu.memory_space<hbm>> -> memref<128xi32, #tpu.memory_space<hbm>>
        %dma_start3A_154 = tpu.memref_slice %arg3[%add3A_152] : memref<655360xi32, #tpu.memory_space<hbm>> -> memref<128xi32, #tpu.memory_space<hbm>>
        tpu.enqueue_dma source(%dma_start3A_154 : memref<128xi32, #tpu.memory_space<hbm>>) target(%arg8 : memref<128xi32, #tpu.memory_space<vmem>>) target_semaphore(%arg21 : memref<!tpu.dma_semaphore, #tpu.memory_space<semaphore_mem>>)
        %mul3A_155 = arith.constant 128 : i32
        %mul3A_156 = arith.muli %add3A_149, %mul3A_155 : i32
        %add3A_157 = arith.addi %mul3A_4, %mul3A_156 : i32
        %dma_start3A_158 = tpu.memref_slice %arg4[%add3A_157] : memref<655360xi32, #tpu.memory_space<hbm>> -> memref<128xi32, #tpu.memory_space<hbm>>
        %dma_start3A_159 = tpu.memref_slice %arg4[%add3A_157] : memref<655360xi32, #tpu.memory_space<hbm>> -> memref<128xi32, #tpu.memory_space<hbm>>
        tpu.enqueue_dma source(%dma_start3A_159 : memref<128xi32, #tpu.memory_space<hbm>>) target(%arg12 : memref<128xi32, #tpu.memory_space<vmem>>) target_semaphore(%arg21 : memref<!tpu.dma_semaphore, #tpu.memory_space<semaphore_mem>>)
      } else {
      }
      %mul3A_106 = arith.constant 4 : i32
      %mul3A_107 = arith.muli %mul3A_106, %scan3A_66 : i32
      %add3A_108 = arith.constant 2 : i32
      %add3A_109 = arith.addi %mul3A_107, %add3A_108 : i32
      %dma_wait3A_110 = arith.constant 0 : i32
      %dma_wait3A_111 = arith.constant 0 : i32
      %dma_wait3A_112 = tpu.memref_slice %arg2[%dma_wait3A_110, %dma_wait3A_111] : memref<10000x80xf32, #tpu.memory_space<hbm>> -> memref<10000x80xf32, #tpu.memory_space<hbm>>
      tpu.wait_indirect_dma semaphore(%arg18 : memref<!tpu.dma_semaphore, #tpu.memory_space<semaphore_mem>>) src(%dma_wait3A_112 : memref<10000x80xf32, #tpu.memory_space<hbm>>) dst(%arg15 : memref<128x80xf32, #tpu.memory_space<vmem>>)
      "tpu.region"() ({
        %run_scoped3A = tpu.sem_alloc : memref<!tpu.dma_semaphore, #tpu.memory_space<semaphore_mem>>
        %dma_start3A_148 = arith.constant 0 : i32
        %dma_start3A_149 = arith.constant 0 : i32
        %dma_start3A_150 = tpu.memref_slice %arg17[%dma_start3A_148, %dma_start3A_149] : memref<21120x80xf32, #tpu.memory_space<vmem_shared>> -> memref<21120x80xf32, #tpu.memory_space<vmem_shared>>
        tpu.enqueue_indirect_dma source(%arg15 : memref<128x80xf32, #tpu.memory_space<vmem>>) target(%dma_start3A_150 : memref<21120x80xf32, #tpu.memory_space<vmem_shared>>) offsets(%arg13 : memref<128xi32, #tpu.memory_space<vmem>>) semaphore(%run_scoped3A : memref<!tpu.dma_semaphore, #tpu.memory_space<semaphore_mem>>) {add = true}
        %dma_wait3A_151 = arith.constant 0 : i32
        %dma_wait3A_152 = arith.constant 0 : i32
        %dma_wait3A_153 = tpu.memref_slice %arg17[%dma_wait3A_151, %dma_wait3A_152] : memref<21120x80xf32, #tpu.memory_space<vmem_shared>> -> memref<21120x80xf32, #tpu.memory_space<vmem_shared>>
        tpu.wait_indirect_dma semaphore(%run_scoped3A : memref<!tpu.dma_semaphore, #tpu.memory_space<semaphore_mem>>) src(%arg15 : memref<128x80xf32, #tpu.memory_space<vmem>>) dst(%dma_wait3A_153 : memref<21120x80xf32, #tpu.memory_space<vmem_shared>>)
        tpu.yield
      }) : () -> ()
      %add3A_113 = arith.constant 2 : i32
      %add3A_114 = arith.addi %add3A_109, %add3A_113 : i32
      %lt3A_115 = arith.constant 160 : i32
      %lt3A_116 = arith.cmpi slt, %add3A_114, %lt3A_115 : i32
      %convert_element_type3A_117 = arith.extui %lt3A_116 : i1 to i32
      %cond3A_118 = arith.constant 0 : i32
      %cond3A_119 = arith.cmpi ne, %convert_element_type3A_117, %cond3A_118 : i32
      scf.if %cond3A_119 {
        %dma_wait3A_148 = arith.constant 0 : i32
        %dma_wait3A_149 = tpu.memref_slice %arg3[%dma_wait3A_148] : memref<655360xi32, #tpu.memory_space<hbm>> -> memref<128xi32, #tpu.memory_space<hbm>>
        %dma_wait3A_150 = arith.constant 0 : i32
        %dma_wait3A_151 = tpu.memref_slice %arg3[%dma_wait3A_150] : memref<655360xi32, #tpu.memory_space<hbm>> -> memref<128xi32, #tpu.memory_space<hbm>>
        tpu.wait_dma2 semaphore(%arg20 : memref<!tpu.dma_semaphore, #tpu.memory_space<semaphore_mem>>) src(%dma_wait3A_151 : memref<128xi32, #tpu.memory_space<hbm>>) dst(%arg7 : memref<128xi32, #tpu.memory_space<vmem>>)
        %dma_wait3A_152 = arith.constant 0 : i32
        %dma_wait3A_153 = tpu.memref_slice %arg3[%dma_wait3A_152] : memref<655360xi32, #tpu.memory_space<hbm>> -> memref<128xi32, #tpu.memory_space<hbm>>
        %dma_wait3A_154 = arith.constant 0 : i32
        %dma_wait3A_155 = tpu.memref_slice %arg3[%dma_wait3A_154] : memref<655360xi32, #tpu.memory_space<hbm>> -> memref<128xi32, #tpu.memory_space<hbm>>
        tpu.wait_dma2 semaphore(%arg20 : memref<!tpu.dma_semaphore, #tpu.memory_space<semaphore_mem>>) src(%dma_wait3A_155 : memref<128xi32, #tpu.memory_space<hbm>>) dst(%arg11 : memref<128xi32, #tpu.memory_space<vmem>>)
        %dma_start3A_156 = arith.constant 0 : i32
        %dma_start3A_157 = arith.constant 0 : i32
        %dma_start3A_158 = tpu.memref_slice %arg2[%dma_start3A_156, %dma_start3A_157] : memref<10000x80xf32, #tpu.memory_space<hbm>> -> memref<10000x80xf32, #tpu.memory_space<hbm>>
        tpu.enqueue_indirect_dma source(%dma_start3A_158 : memref<10000x80xf32, #tpu.memory_space<hbm>>) target(%arg15 : memref<128x80xf32, #tpu.memory_space<vmem>>) offsets(%arg7 : memref<128xi32, #tpu.memory_space<vmem>>) semaphore(%arg18 : memref<!tpu.dma_semaphore, #tpu.memory_space<semaphore_mem>>)
      } else {
      }
      %add3A_120 = arith.constant 4 : i32
      %add3A_121 = arith.addi %add3A_109, %add3A_120 : i32
      %lt3A_122 = arith.constant 160 : i32
      %lt3A_123 = arith.cmpi slt, %add3A_121, %lt3A_122 : i32
      %convert_element_type3A_124 = arith.extui %lt3A_123 : i1 to i32
      %cond3A_125 = arith.constant 0 : i32
      %cond3A_126 = arith.cmpi ne, %convert_element_type3A_124, %cond3A_125 : i32
      scf.if %cond3A_126 {
        %add3A_148 = arith.constant 4 : i32
        %add3A_149 = arith.addi %add3A_109, %add3A_148 : i32
        %mul3A_150 = arith.constant 128 : i32
        %mul3A_151 = arith.muli %add3A_149, %mul3A_150 : i32
        %add3A_152 = arith.addi %mul3A_4, %mul3A_151 : i32
        %dma_start3A_153 = tpu.memref_slice %arg3[%add3A_152] : memref<655360xi32, #tpu.memory_space<hbm>> -> memref<128xi32, #tpu.memory_space<hbm>>
        %dma_start3A_154 = tpu.memref_slice %arg3[%add3A_152] : memref<655360xi32, #tpu.memory_space<hbm>> -> memref<128xi32, #tpu.memory_space<hbm>>
        tpu.enqueue_dma source(%dma_start3A_154 : memref<128xi32, #tpu.memory_space<hbm>>) target(%arg9 : memref<128xi32, #tpu.memory_space<vmem>>) target_semaphore(%arg22 : memref<!tpu.dma_semaphore, #tpu.memory_space<semaphore_mem>>)
        %mul3A_155 = arith.constant 128 : i32
        %mul3A_156 = arith.muli %add3A_149, %mul3A_155 : i32
        %add3A_157 = arith.addi %mul3A_4, %mul3A_156 : i32
        %dma_start3A_158 = tpu.memref_slice %arg4[%add3A_157] : memref<655360xi32, #tpu.memory_space<hbm>> -> memref<128xi32, #tpu.memory_space<hbm>>
        %dma_start3A_159 = tpu.memref_slice %arg4[%add3A_157] : memref<655360xi32, #tpu.memory_space<hbm>> -> memref<128xi32, #tpu.memory_space<hbm>>
        tpu.enqueue_dma source(%dma_start3A_159 : memref<128xi32, #tpu.memory_space<hbm>>) target(%arg13 : memref<128xi32, #tpu.memory_space<vmem>>) target_semaphore(%arg22 : memref<!tpu.dma_semaphore, #tpu.memory_space<semaphore_mem>>)
      } else {
      }
      %mul3A_127 = arith.constant 4 : i32
      %mul3A_128 = arith.muli %mul3A_127, %scan3A_66 : i32
      %add3A_129 = arith.constant 3 : i32
      %add3A_130 = arith.addi %mul3A_128, %add3A_129 : i32
      %dma_wait3A_131 = arith.constant 0 : i32
      %dma_wait3A_132 = arith.constant 0 : i32
      %dma_wait3A_133 = tpu.memref_slice %arg2[%dma_wait3A_131, %dma_wait3A_132] : memref<10000x80xf32, #tpu.memory_space<hbm>> -> memref<10000x80xf32, #tpu.memory_space<hbm>>
      tpu.wait_indirect_dma semaphore(%arg19 : memref<!tpu.dma_semaphore, #tpu.memory_space<semaphore_mem>>) src(%dma_wait3A_133 : memref<10000x80xf32, #tpu.memory_space<hbm>>) dst(%arg16 : memref<128x80xf32, #tpu.memory_space<vmem>>)
      "tpu.region"() ({
        %run_scoped3A = tpu.sem_alloc : memref<!tpu.dma_semaphore, #tpu.memory_space<semaphore_mem>>
        %dma_start3A_148 = arith.constant 0 : i32
        %dma_start3A_149 = arith.constant 0 : i32
        %dma_start3A_150 = tpu.memref_slice %arg17[%dma_start3A_148, %dma_start3A_149] : memref<21120x80xf32, #tpu.memory_space<vmem_shared>> -> memref<21120x80xf32, #tpu.memory_space<vmem_shared>>
        tpu.enqueue_indirect_dma source(%arg16 : memref<128x80xf32, #tpu.memory_space<vmem>>) target(%dma_start3A_150 : memref<21120x80xf32, #tpu.memory_space<vmem_shared>>) offsets(%arg14 : memref<128xi32, #tpu.memory_space<vmem>>) semaphore(%run_scoped3A : memref<!tpu.dma_semaphore, #tpu.memory_space<semaphore_mem>>) {add = true}
        %dma_wait3A_151 = arith.constant 0 : i32
        %dma_wait3A_152 = arith.constant 0 : i32
        %dma_wait3A_153 = tpu.memref_slice %arg17[%dma_wait3A_151, %dma_wait3A_152] : memref<21120x80xf32, #tpu.memory_space<vmem_shared>> -> memref<21120x80xf32, #tpu.memory_space<vmem_shared>>
        tpu.wait_indirect_dma semaphore(%run_scoped3A : memref<!tpu.dma_semaphore, #tpu.memory_space<semaphore_mem>>) src(%arg16 : memref<128x80xf32, #tpu.memory_space<vmem>>) dst(%dma_wait3A_153 : memref<21120x80xf32, #tpu.memory_space<vmem_shared>>)
        tpu.yield
      }) : () -> ()
      %add3A_134 = arith.constant 2 : i32
      %add3A_135 = arith.addi %add3A_130, %add3A_134 : i32
      %lt3A_136 = arith.constant 160 : i32
      %lt3A_137 = arith.cmpi slt, %add3A_135, %lt3A_136 : i32
      %convert_element_type3A_138 = arith.extui %lt3A_137 : i1 to i32
      %cond3A_139 = arith.constant 0 : i32
      %cond3A_140 = arith.cmpi ne, %convert_element_type3A_138, %cond3A_139 : i32
      scf.if %cond3A_140 {
        %dma_wait3A_148 = arith.constant 0 : i32
        %dma_wait3A_149 = tpu.memref_slice %arg3[%dma_wait3A_148] : memref<655360xi32, #tpu.memory_space<hbm>> -> memref<128xi32, #tpu.memory_space<hbm>>
        %dma_wait3A_150 = arith.constant 0 : i32
        %dma_wait3A_151 = tpu.memref_slice %arg3[%dma_wait3A_150] : memref<655360xi32, #tpu.memory_space<hbm>> -> memref<128xi32, #tpu.memory_space<hbm>>
        tpu.wait_dma2 semaphore(%arg21 : memref<!tpu.dma_semaphore, #tpu.memory_space<semaphore_mem>>) src(%dma_wait3A_151 : memref<128xi32, #tpu.memory_space<hbm>>) dst(%arg8 : memref<128xi32, #tpu.memory_space<vmem>>)
        %dma_wait3A_152 = arith.constant 0 : i32
        %dma_wait3A_153 = tpu.memref_slice %arg3[%dma_wait3A_152] : memref<655360xi32, #tpu.memory_space<hbm>> -> memref<128xi32, #tpu.memory_space<hbm>>
        %dma_wait3A_154 = arith.constant 0 : i32
        %dma_wait3A_155 = tpu.memref_slice %arg3[%dma_wait3A_154] : memref<655360xi32, #tpu.memory_space<hbm>> -> memref<128xi32, #tpu.memory_space<hbm>>
        tpu.wait_dma2 semaphore(%arg21 : memref<!tpu.dma_semaphore, #tpu.memory_space<semaphore_mem>>) src(%dma_wait3A_155 : memref<128xi32, #tpu.memory_space<hbm>>) dst(%arg12 : memref<128xi32, #tpu.memory_space<vmem>>)
        %dma_start3A_156 = arith.constant 0 : i32
        %dma_start3A_157 = arith.constant 0 : i32
        %dma_start3A_158 = tpu.memref_slice %arg2[%dma_start3A_156, %dma_start3A_157] : memref<10000x80xf32, #tpu.memory_space<hbm>> -> memref<10000x80xf32, #tpu.memory_space<hbm>>
        tpu.enqueue_indirect_dma source(%dma_start3A_158 : memref<10000x80xf32, #tpu.memory_space<hbm>>) target(%arg16 : memref<128x80xf32, #tpu.memory_space<vmem>>) offsets(%arg8 : memref<128xi32, #tpu.memory_space<vmem>>) semaphore(%arg19 : memref<!tpu.dma_semaphore, #tpu.memory_space<semaphore_mem>>)
      } else {
      }
      %add3A_141 = arith.constant 4 : i32
      %add3A_142 = arith.addi %add3A_130, %add3A_141 : i32
      %lt3A_143 = arith.constant 160 : i32
      %lt3A_144 = arith.cmpi slt, %add3A_142, %lt3A_143 : i32
      %convert_element_type3A_145 = arith.extui %lt3A_144 : i1 to i32
      %cond3A_146 = arith.constant 0 : i32
      %cond3A_147 = arith.cmpi ne, %convert_element_type3A_145, %cond3A_146 : i32
      scf.if %cond3A_147 {
        %add3A_148 = arith.constant 4 : i32
        %add3A_149 = arith.addi %add3A_130, %add3A_148 : i32
        %mul3A_150 = arith.constant 128 : i32
        %mul3A_151 = arith.muli %add3A_149, %mul3A_150 : i32
        %add3A_152 = arith.addi %mul3A_4, %mul3A_151 : i32
        %dma_start3A_153 = tpu.memref_slice %arg3[%add3A_152] : memref<655360xi32, #tpu.memory_space<hbm>> -> memref<128xi32, #tpu.memory_space<hbm>>
        %dma_start3A_154 = tpu.memref_slice %arg3[%add3A_152] : memref<655360xi32, #tpu.memory_space<hbm>> -> memref<128xi32, #tpu.memory_space<hbm>>
        tpu.enqueue_dma source(%dma_start3A_154 : memref<128xi32, #tpu.memory_space<hbm>>) target(%arg10 : memref<128xi32, #tpu.memory_space<vmem>>) target_semaphore(%arg23 : memref<!tpu.dma_semaphore, #tpu.memory_space<semaphore_mem>>)
        %mul3A_155 = arith.constant 128 : i32
        %mul3A_156 = arith.muli %add3A_149, %mul3A_155 : i32
        %add3A_157 = arith.addi %mul3A_4, %mul3A_156 : i32
        %dma_start3A_158 = tpu.memref_slice %arg4[%add3A_157] : memref<655360xi32, #tpu.memory_space<hbm>> -> memref<128xi32, #tpu.memory_space<hbm>>
        %dma_start3A_159 = tpu.memref_slice %arg4[%add3A_157] : memref<655360xi32, #tpu.memory_space<hbm>> -> memref<128xi32, #tpu.memory_space<hbm>>
        tpu.enqueue_dma source(%dma_start3A_159 : memref<128xi32, #tpu.memory_space<hbm>>) target(%arg14 : memref<128xi32, #tpu.memory_space<vmem>>) target_semaphore(%arg23 : memref<!tpu.dma_semaphore, #tpu.memory_space<semaphore_mem>>)
      } else {
      }
    }
    %scan3A_61 = arith.constant 40 : i32
    %barrier3A_62 = arith.constant 0 : index
    tpu.barrier barrier_id(%barrier3A_62)
    %mul3A_63 = arith.constant 21120 : i32
    %mul3A_64 = arith.muli %arg0, %mul3A_63 : i32
    %add3A_65 = arith.addi %mul3A_64, %mul3A_2 : i32
    "tpu.region"() ({
      %run_scoped3A = tpu.sem_alloc : memref<!tpu.dma_semaphore, #tpu.memory_space<semaphore_mem>>
      %dma_start3A_66 = arith.constant 0 : i32
      %dma_start3A_67 = tpu.memref_slice %arg6[%add3A_65, %dma_start3A_66] : memref<42240x80xf32, #tpu.memory_space<hbm>> -> memref<1320x80xf32, #tpu.memory_space<hbm>>
      %dma_start3A_68 = arith.constant 0 : i32
      %dma_start3A_69 = tpu.memref_slice %arg17[%mul3A_2, %dma_start3A_68] : memref<21120x80xf32, #tpu.memory_space<vmem_shared>> -> memref<1320x80xf32, #tpu.memory_space<vmem_shared>>
      tpu.enqueue_dma source(%dma_start3A_69 : memref<1320x80xf32, #tpu.memory_space<vmem_shared>>) target(%dma_start3A_67 : memref<1320x80xf32, #tpu.memory_space<hbm>>) target_semaphore(%run_scoped3A : memref<!tpu.dma_semaphore, #tpu.memory_space<semaphore_mem>>)
      %dma_wait3A_70 = arith.constant 0 : i32
      %dma_wait3A_71 = tpu.memref_slice %arg6[%add3A_65, %dma_wait3A_70] : memref<42240x80xf32, #tpu.memory_space<hbm>> -> memref<1320x80xf32, #tpu.memory_space<hbm>>
      %dma_wait3A_72 = arith.constant 0 : i32
      %dma_wait3A_73 = tpu.memref_slice %arg17[%mul3A_2, %dma_wait3A_72] : memref<21120x80xf32, #tpu.memory_space<vmem_shared>> -> memref<1320x80xf32, #tpu.memory_space<vmem_shared>>
      tpu.wait_dma2 semaphore(%run_scoped3A : memref<!tpu.dma_semaphore, #tpu.memory_space<semaphore_mem>>) src(%dma_wait3A_73 : memref<1320x80xf32, #tpu.memory_space<vmem_shared>>) dst(%dma_wait3A_71 : memref<1320x80xf32, #tpu.memory_space<hbm>>)
      tpu.yield
    }) : () -> ()
    return
  }
}

#map = affine_map<(d0, d1) -> (0, 0)>
#map1 = affine_map<(d0, d1) -> (0)>
module attributes {stable_mosaic.version = 14 : i64} {
  func.func @scatter(%arg0: i32, %arg1: i32, %arg2: memref<10000x32xf32, #tpu.memory_space<hbm>>, %arg3: memref<655360xi32, #tpu.memory_space<hbm>>, %arg4: memref<655360xi32, #tpu.memory_space<hbm>>, %arg5: memref<1320x32xf32, #tpu.memory_space<hbm>>, %arg6: memref<42240x32xf32, #tpu.memory_space<hbm>>, %arg7: memref<128xi32, #tpu.memory_space<vmem>>, %arg8: memref<128xi32, #tpu.memory_space<vmem>>, %arg9: memref<128xi32, #tpu.memory_space<vmem>>, %arg10: memref<128xi32, #tpu.memory_space<vmem>>, %arg11: memref<128xi32, #tpu.memory_space<vmem>>, %arg12: memref<128xi32, #tpu.memory_space<vmem>>, %arg13: memref<128xi32, #tpu.memory_space<vmem>>, %arg14: memref<128xi32, #tpu.memory_space<vmem>>, %arg15: memref<128xi32, #tpu.memory_space<vmem>>, %arg16: memref<128xi32, #tpu.memory_space<vmem>>, %arg17: memref<128xi32, #tpu.memory_space<vmem>>, %arg18: memref<128xi32, #tpu.memory_space<vmem>>, %arg19: memref<128xi32, #tpu.memory_space<vmem>>, %arg20: memref<128xi32, #tpu.memory_space<vmem>>, %arg21: memref<128xi32, #tpu.memory_space<vmem>>, %arg22: memref<128xi32, #tpu.memory_space<vmem>>, %arg23: memref<128x32xf32, #tpu.memory_space<vmem>>, %arg24: memref<128x32xf32, #tpu.memory_space<vmem>>, %arg25: memref<128x32xf32, #tpu.memory_space<vmem>>, %arg26: memref<128x32xf32, #tpu.memory_space<vmem>>, %arg27: memref<10000x32xf32, #tpu.memory_space<vmem_shared>>, %arg28: memref<21120x32xf32, #tpu.memory_space<vmem_shared>>, %arg29: memref<!tpu.dma_semaphore, #tpu.memory_space<semaphore_mem>>, %arg30: memref<!tpu.dma_semaphore, #tpu.memory_space<semaphore_mem>>, %arg31: memref<!tpu.dma_semaphore, #tpu.memory_space<semaphore_mem>>, %arg32: memref<!tpu.dma_semaphore, #tpu.memory_space<semaphore_mem>>, %arg33: memref<!tpu.dma_semaphore, #tpu.memory_space<semaphore_mem>>, %arg34: memref<!tpu.dma_semaphore, #tpu.memory_space<semaphore_mem>>, %arg35: memref<!tpu.dma_semaphore, #tpu.memory_space<semaphore_mem>>, %arg36: memref<!tpu.dma_semaphore, #tpu.memory_space<semaphore_mem>>, %arg37: memref<!tpu.dma_semaphore, #tpu.memory_space<semaphore_mem>>, %arg38: memref<!tpu.dma_semaphore, #tpu.memory_space<semaphore_mem>>, %arg39: memref<!tpu.dma_semaphore, #tpu.memory_space<semaphore_mem>>, %arg40: memref<!tpu.dma_semaphore, #tpu.memory_space<semaphore_mem>>) attributes {dimension_semantics = [#tpu.dimension_semantics<core_parallel>, #tpu.dimension_semantics<subcore_parallel>], iteration_bounds = array<i64: 2, 16>, scalar_prefetch = 0 : i64, scratch_operands = 34 : i64, tpu.core_type = #tpu.core_type<sc_vector_subcore>, window_params = [{transform_indices = #map}, {transform_indices = #map1}, {transform_indices = #map1}, {transform_indices = #map}, {transform_indices = #map}]} {
    %mul3A = arith.constant 2 : i32
    %mul3A_0 = arith.muli %arg1, %mul3A : i32
    %add3A = arith.addi %mul3A_0, %arg0 : i32
    %mul3A_1 = arith.constant 1320 : i32
    %mul3A_2 = arith.muli %arg1, %mul3A_1 : i32
    %mul3A_3 = arith.constant 20480 : i32
    %mul3A_4 = arith.muli %add3A, %mul3A_3 : i32
    %add3A_5 = arith.constant 0 : i32
    %add3A_6 = arith.addi %mul3A_4, %add3A_5 : i32
    %dma_start3A = tpu.memref_slice %arg3[%add3A_6] : memref<655360xi32, #tpu.memory_space<hbm>> -> memref<128xi32, #tpu.memory_space<hbm>>
    %dma_start3A_7 = tpu.memref_slice %arg3[%add3A_6] : memref<655360xi32, #tpu.memory_space<hbm>> -> memref<128xi32, #tpu.memory_space<hbm>>
    tpu.enqueue_dma source(%dma_start3A_7 : memref<128xi32, #tpu.memory_space<hbm>>) target(%arg7 : memref<128xi32, #tpu.memory_space<vmem>>) target_semaphore(%arg33 : memref<!tpu.dma_semaphore, #tpu.memory_space<semaphore_mem>>)
    %add3A_8 = arith.constant 0 : i32
    %add3A_9 = arith.addi %mul3A_4, %add3A_8 : i32
    %dma_start3A_10 = tpu.memref_slice %arg4[%add3A_9] : memref<655360xi32, #tpu.memory_space<hbm>> -> memref<128xi32, #tpu.memory_space<hbm>>
    %dma_start3A_11 = tpu.memref_slice %arg4[%add3A_9] : memref<655360xi32, #tpu.memory_space<hbm>> -> memref<128xi32, #tpu.memory_space<hbm>>
    tpu.enqueue_dma source(%dma_start3A_11 : memref<128xi32, #tpu.memory_space<hbm>>) target(%arg15 : memref<128xi32, #tpu.memory_space<vmem>>) target_semaphore(%arg33 : memref<!tpu.dma_semaphore, #tpu.memory_space<semaphore_mem>>)
    %add3A_12 = arith.constant 128 : i32
    %add3A_13 = arith.addi %mul3A_4, %add3A_12 : i32
    %dma_start3A_14 = tpu.memref_slice %arg3[%add3A_13] : memref<655360xi32, #tpu.memory_space<hbm>> -> memref<128xi32, #tpu.memory_space<hbm>>
    %dma_start3A_15 = tpu.memref_slice %arg3[%add3A_13] : memref<655360xi32, #tpu.memory_space<hbm>> -> memref<128xi32, #tpu.memory_space<hbm>>
    tpu.enqueue_dma source(%dma_start3A_15 : memref<128xi32, #tpu.memory_space<hbm>>) target(%arg8 : memref<128xi32, #tpu.memory_space<vmem>>) target_semaphore(%arg34 : memref<!tpu.dma_semaphore, #tpu.memory_space<semaphore_mem>>)
    %add3A_16 = arith.constant 128 : i32
    %add3A_17 = arith.addi %mul3A_4, %add3A_16 : i32
    %dma_start3A_18 = tpu.memref_slice %arg4[%add3A_17] : memref<655360xi32, #tpu.memory_space<hbm>> -> memref<128xi32, #tpu.memory_space<hbm>>
    %dma_start3A_19 = tpu.memref_slice %arg4[%add3A_17] : memref<655360xi32, #tpu.memory_space<hbm>> -> memref<128xi32, #tpu.memory_space<hbm>>
    tpu.enqueue_dma source(%dma_start3A_19 : memref<128xi32, #tpu.memory_space<hbm>>) target(%arg16 : memref<128xi32, #tpu.memory_space<vmem>>) target_semaphore(%arg34 : memref<!tpu.dma_semaphore, #tpu.memory_space<semaphore_mem>>)
    %add3A_20 = arith.constant 256 : i32
    %add3A_21 = arith.addi %mul3A_4, %add3A_20 : i32
    %dma_start3A_22 = tpu.memref_slice %arg3[%add3A_21] : memref<655360xi32, #tpu.memory_space<hbm>> -> memref<128xi32, #tpu.memory_space<hbm>>
    %dma_start3A_23 = tpu.memref_slice %arg3[%add3A_21] : memref<655360xi32, #tpu.memory_space<hbm>> -> memref<128xi32, #tpu.memory_space<hbm>>
    tpu.enqueue_dma source(%dma_start3A_23 : memref<128xi32, #tpu.memory_space<hbm>>) target(%arg9 : memref<128xi32, #tpu.memory_space<vmem>>) target_semaphore(%arg35 : memref<!tpu.dma_semaphore, #tpu.memory_space<semaphore_mem>>)
    %add3A_24 = arith.constant 256 : i32
    %add3A_25 = arith.addi %mul3A_4, %add3A_24 : i32
    %dma_start3A_26 = tpu.memref_slice %arg4[%add3A_25] : memref<655360xi32, #tpu.memory_space<hbm>> -> memref<128xi32, #tpu.memory_space<hbm>>
    %dma_start3A_27 = tpu.memref_slice %arg4[%add3A_25] : memref<655360xi32, #tpu.memory_space<hbm>> -> memref<128xi32, #tpu.memory_space<hbm>>
    tpu.enqueue_dma source(%dma_start3A_27 : memref<128xi32, #tpu.memory_space<hbm>>) target(%arg17 : memref<128xi32, #tpu.memory_space<vmem>>) target_semaphore(%arg35 : memref<!tpu.dma_semaphore, #tpu.memory_space<semaphore_mem>>)
    %add3A_28 = arith.constant 384 : i32
    %add3A_29 = arith.addi %mul3A_4, %add3A_28 : i32
    %dma_start3A_30 = tpu.memref_slice %arg3[%add3A_29] : memref<655360xi32, #tpu.memory_space<hbm>> -> memref<128xi32, #tpu.memory_space<hbm>>
    %dma_start3A_31 = tpu.memref_slice %arg3[%add3A_29] : memref<655360xi32, #tpu.memory_space<hbm>> -> memref<128xi32, #tpu.memory_space<hbm>>
    tpu.enqueue_dma source(%dma_start3A_31 : memref<128xi32, #tpu.memory_space<hbm>>) target(%arg10 : memref<128xi32, #tpu.memory_space<vmem>>) target_semaphore(%arg36 : memref<!tpu.dma_semaphore, #tpu.memory_space<semaphore_mem>>)
    %add3A_32 = arith.constant 384 : i32
    %add3A_33 = arith.addi %mul3A_4, %add3A_32 : i32
    %dma_start3A_34 = tpu.memref_slice %arg4[%add3A_33] : memref<655360xi32, #tpu.memory_space<hbm>> -> memref<128xi32, #tpu.memory_space<hbm>>
    %dma_start3A_35 = tpu.memref_slice %arg4[%add3A_33] : memref<655360xi32, #tpu.memory_space<hbm>> -> memref<128xi32, #tpu.memory_space<hbm>>
    tpu.enqueue_dma source(%dma_start3A_35 : memref<128xi32, #tpu.memory_space<hbm>>) target(%arg18 : memref<128xi32, #tpu.memory_space<vmem>>) target_semaphore(%arg36 : memref<!tpu.dma_semaphore, #tpu.memory_space<semaphore_mem>>)
    %add3A_36 = arith.constant 512 : i32
    %add3A_37 = arith.addi %mul3A_4, %add3A_36 : i32
    %dma_start3A_38 = tpu.memref_slice %arg3[%add3A_37] : memref<655360xi32, #tpu.memory_space<hbm>> -> memref<128xi32, #tpu.memory_space<hbm>>
    %dma_start3A_39 = tpu.memref_slice %arg3[%add3A_37] : memref<655360xi32, #tpu.memory_space<hbm>> -> memref<128xi32, #tpu.memory_space<hbm>>
    tpu.enqueue_dma source(%dma_start3A_39 : memref<128xi32, #tpu.memory_space<hbm>>) target(%arg11 : memref<128xi32, #tpu.memory_space<vmem>>) target_semaphore(%arg37 : memref<!tpu.dma_semaphore, #tpu.memory_space<semaphore_mem>>)
    %add3A_40 = arith.constant 512 : i32
    %add3A_41 = arith.addi %mul3A_4, %add3A_40 : i32
    %dma_start3A_42 = tpu.memref_slice %arg4[%add3A_41] : memref<655360xi32, #tpu.memory_space<hbm>> -> memref<128xi32, #tpu.memory_space<hbm>>
    %dma_start3A_43 = tpu.memref_slice %arg4[%add3A_41] : memref<655360xi32, #tpu.memory_space<hbm>> -> memref<128xi32, #tpu.memory_space<hbm>>
    tpu.enqueue_dma source(%dma_start3A_43 : memref<128xi32, #tpu.memory_space<hbm>>) target(%arg19 : memref<128xi32, #tpu.memory_space<vmem>>) target_semaphore(%arg37 : memref<!tpu.dma_semaphore, #tpu.memory_space<semaphore_mem>>)
    %add3A_44 = arith.constant 640 : i32
    %add3A_45 = arith.addi %mul3A_4, %add3A_44 : i32
    %dma_start3A_46 = tpu.memref_slice %arg3[%add3A_45] : memref<655360xi32, #tpu.memory_space<hbm>> -> memref<128xi32, #tpu.memory_space<hbm>>
    %dma_start3A_47 = tpu.memref_slice %arg3[%add3A_45] : memref<655360xi32, #tpu.memory_space<hbm>> -> memref<128xi32, #tpu.memory_space<hbm>>
    tpu.enqueue_dma source(%dma_start3A_47 : memref<128xi32, #tpu.memory_space<hbm>>) target(%arg12 : memref<128xi32, #tpu.memory_space<vmem>>) target_semaphore(%arg38 : memref<!tpu.dma_semaphore, #tpu.memory_space<semaphore_mem>>)
    %add3A_48 = arith.constant 640 : i32
    %add3A_49 = arith.addi %mul3A_4, %add3A_48 : i32
    %dma_start3A_50 = tpu.memref_slice %arg4[%add3A_49] : memref<655360xi32, #tpu.memory_space<hbm>> -> memref<128xi32, #tpu.memory_space<hbm>>
    %dma_start3A_51 = tpu.memref_slice %arg4[%add3A_49] : memref<655360xi32, #tpu.memory_space<hbm>> -> memref<128xi32, #tpu.memory_space<hbm>>
    tpu.enqueue_dma source(%dma_start3A_51 : memref<128xi32, #tpu.memory_space<hbm>>) target(%arg20 : memref<128xi32, #tpu.memory_space<vmem>>) target_semaphore(%arg38 : memref<!tpu.dma_semaphore, #tpu.memory_space<semaphore_mem>>)
    %add3A_52 = arith.constant 768 : i32
    %add3A_53 = arith.addi %mul3A_4, %add3A_52 : i32
    %dma_start3A_54 = tpu.memref_slice %arg3[%add3A_53] : memref<655360xi32, #tpu.memory_space<hbm>> -> memref<128xi32, #tpu.memory_space<hbm>>
    %dma_start3A_55 = tpu.memref_slice %arg3[%add3A_53] : memref<655360xi32, #tpu.memory_space<hbm>> -> memref<128xi32, #tpu.memory_space<hbm>>
    tpu.enqueue_dma source(%dma_start3A_55 : memref<128xi32, #tpu.memory_space<hbm>>) target(%arg13 : memref<128xi32, #tpu.memory_space<vmem>>) target_semaphore(%arg39 : memref<!tpu.dma_semaphore, #tpu.memory_space<semaphore_mem>>)
    %add3A_56 = arith.constant 768 : i32
    %add3A_57 = arith.addi %mul3A_4, %add3A_56 : i32
    %dma_start3A_58 = tpu.memref_slice %arg4[%add3A_57] : memref<655360xi32, #tpu.memory_space<hbm>> -> memref<128xi32, #tpu.memory_space<hbm>>
    %dma_start3A_59 = tpu.memref_slice %arg4[%add3A_57] : memref<655360xi32, #tpu.memory_space<hbm>> -> memref<128xi32, #tpu.memory_space<hbm>>
    tpu.enqueue_dma source(%dma_start3A_59 : memref<128xi32, #tpu.memory_space<hbm>>) target(%arg21 : memref<128xi32, #tpu.memory_space<vmem>>) target_semaphore(%arg39 : memref<!tpu.dma_semaphore, #tpu.memory_space<semaphore_mem>>)
    %add3A_60 = arith.constant 896 : i32
    %add3A_61 = arith.addi %mul3A_4, %add3A_60 : i32
    %dma_start3A_62 = tpu.memref_slice %arg3[%add3A_61] : memref<655360xi32, #tpu.memory_space<hbm>> -> memref<128xi32, #tpu.memory_space<hbm>>
    %dma_start3A_63 = tpu.memref_slice %arg3[%add3A_61] : memref<655360xi32, #tpu.memory_space<hbm>> -> memref<128xi32, #tpu.memory_space<hbm>>
    tpu.enqueue_dma source(%dma_start3A_63 : memref<128xi32, #tpu.memory_space<hbm>>) target(%arg14 : memref<128xi32, #tpu.memory_space<vmem>>) target_semaphore(%arg40 : memref<!tpu.dma_semaphore, #tpu.memory_space<semaphore_mem>>)
    %add3A_64 = arith.constant 896 : i32
    %add3A_65 = arith.addi %mul3A_4, %add3A_64 : i32
    %dma_start3A_66 = tpu.memref_slice %arg4[%add3A_65] : memref<655360xi32, #tpu.memory_space<hbm>> -> memref<128xi32, #tpu.memory_space<hbm>>
    %dma_start3A_67 = tpu.memref_slice %arg4[%add3A_65] : memref<655360xi32, #tpu.memory_space<hbm>> -> memref<128xi32, #tpu.memory_space<hbm>>
    tpu.enqueue_dma source(%dma_start3A_67 : memref<128xi32, #tpu.memory_space<hbm>>) target(%arg22 : memref<128xi32, #tpu.memory_space<vmem>>) target_semaphore(%arg40 : memref<!tpu.dma_semaphore, #tpu.memory_space<semaphore_mem>>)
    %mul3A_68 = arith.constant 625 : i32
    %mul3A_69 = arith.muli %arg1, %mul3A_68 : i32
    %mul3A_70 = arith.constant 625 : i32
    %mul3A_71 = arith.muli %arg1, %mul3A_70 : i32
    "tpu.region"() ({
      %run_scoped3A = tpu.sem_alloc : memref<!tpu.dma_semaphore, #tpu.memory_space<semaphore_mem>>
      %dma_start3A_124 = arith.constant 0 : i32
      %dma_start3A_125 = tpu.memref_slice %arg27[%mul3A_71, %dma_start3A_124] : memref<10000x32xf32, #tpu.memory_space<vmem_shared>> -> memref<625x32xf32, #tpu.memory_space<vmem_shared>>
      %dma_start3A_126 = arith.constant 0 : i32
      %dma_start3A_127 = tpu.memref_slice %arg2[%mul3A_69, %dma_start3A_126] : memref<10000x32xf32, #tpu.memory_space<hbm>> -> memref<625x32xf32, #tpu.memory_space<hbm>>
      tpu.enqueue_dma source(%dma_start3A_127 : memref<625x32xf32, #tpu.memory_space<hbm>>) target(%dma_start3A_125 : memref<625x32xf32, #tpu.memory_space<vmem_shared>>) target_semaphore(%run_scoped3A : memref<!tpu.dma_semaphore, #tpu.memory_space<semaphore_mem>>)
      %dma_wait3A_128 = arith.constant 0 : i32
      %dma_wait3A_129 = tpu.memref_slice %arg27[%mul3A_71, %dma_wait3A_128] : memref<10000x32xf32, #tpu.memory_space<vmem_shared>> -> memref<625x32xf32, #tpu.memory_space<vmem_shared>>
      %dma_wait3A_130 = arith.constant 0 : i32
      %dma_wait3A_131 = tpu.memref_slice %arg2[%mul3A_69, %dma_wait3A_130] : memref<10000x32xf32, #tpu.memory_space<hbm>> -> memref<625x32xf32, #tpu.memory_space<hbm>>
      tpu.wait_dma2 semaphore(%run_scoped3A : memref<!tpu.dma_semaphore, #tpu.memory_space<semaphore_mem>>) src(%dma_wait3A_131 : memref<625x32xf32, #tpu.memory_space<hbm>>) dst(%dma_wait3A_129 : memref<625x32xf32, #tpu.memory_space<vmem_shared>>)
      tpu.yield
    }) : () -> ()
    "tpu.region"() ({
      %run_scoped3A = tpu.sem_alloc : memref<!tpu.dma_semaphore, #tpu.memory_space<semaphore_mem>>
      %dma_start3A_124 = arith.constant 0 : i32
      %dma_start3A_125 = tpu.memref_slice %arg28[%mul3A_2, %dma_start3A_124] : memref<21120x32xf32, #tpu.memory_space<vmem_shared>> -> memref<1320x32xf32, #tpu.memory_space<vmem_shared>>
      tpu.enqueue_dma source(%arg5 : memref<1320x32xf32, #tpu.memory_space<hbm>>) target(%dma_start3A_125 : memref<1320x32xf32, #tpu.memory_space<vmem_shared>>) target_semaphore(%run_scoped3A : memref<!tpu.dma_semaphore, #tpu.memory_space<semaphore_mem>>)
      %dma_wait3A_126 = arith.constant 0 : i32
      %dma_wait3A_127 = tpu.memref_slice %arg28[%mul3A_2, %dma_wait3A_126] : memref<21120x32xf32, #tpu.memory_space<vmem_shared>> -> memref<1320x32xf32, #tpu.memory_space<vmem_shared>>
      tpu.wait_dma2 semaphore(%run_scoped3A : memref<!tpu.dma_semaphore, #tpu.memory_space<semaphore_mem>>) src(%arg5 : memref<1320x32xf32, #tpu.memory_space<hbm>>) dst(%dma_wait3A_127 : memref<1320x32xf32, #tpu.memory_space<vmem_shared>>)
      tpu.yield
    }) : () -> ()
    %barrier3A = arith.constant 0 : index
    tpu.barrier barrier_id(%barrier3A)
    %dma_wait3A = arith.constant 0 : i32
    %dma_wait3A_72 = tpu.memref_slice %arg3[%dma_wait3A] : memref<655360xi32, #tpu.memory_space<hbm>> -> memref<128xi32, #tpu.memory_space<hbm>>
    %dma_wait3A_73 = arith.constant 0 : i32
    %dma_wait3A_74 = tpu.memref_slice %arg3[%dma_wait3A_73] : memref<655360xi32, #tpu.memory_space<hbm>> -> memref<128xi32, #tpu.memory_space<hbm>>
    tpu.wait_dma2 semaphore(%arg33 : memref<!tpu.dma_semaphore, #tpu.memory_space<semaphore_mem>>) src(%dma_wait3A_74 : memref<128xi32, #tpu.memory_space<hbm>>) dst(%arg7 : memref<128xi32, #tpu.memory_space<vmem>>)
    %dma_wait3A_75 = arith.constant 0 : i32
    %dma_wait3A_76 = tpu.memref_slice %arg3[%dma_wait3A_75] : memref<655360xi32, #tpu.memory_space<hbm>> -> memref<128xi32, #tpu.memory_space<hbm>>
    %dma_wait3A_77 = arith.constant 0 : i32
    %dma_wait3A_78 = tpu.memref_slice %arg3[%dma_wait3A_77] : memref<655360xi32, #tpu.memory_space<hbm>> -> memref<128xi32, #tpu.memory_space<hbm>>
    tpu.wait_dma2 semaphore(%arg33 : memref<!tpu.dma_semaphore, #tpu.memory_space<semaphore_mem>>) src(%dma_wait3A_78 : memref<128xi32, #tpu.memory_space<hbm>>) dst(%arg15 : memref<128xi32, #tpu.memory_space<vmem>>)
    %dma_start3A_79 = arith.constant 0 : i32
    %dma_start3A_80 = arith.constant 0 : i32
    %dma_start3A_81 = tpu.memref_slice %arg27[%dma_start3A_79, %dma_start3A_80] : memref<10000x32xf32, #tpu.memory_space<vmem_shared>> -> memref<10000x32xf32, #tpu.memory_space<vmem_shared>>
    tpu.enqueue_indirect_dma source(%dma_start3A_81 : memref<10000x32xf32, #tpu.memory_space<vmem_shared>>) target(%arg23 : memref<128x32xf32, #tpu.memory_space<vmem>>) offsets(%arg7 : memref<128xi32, #tpu.memory_space<vmem>>) semaphore(%arg29 : memref<!tpu.dma_semaphore, #tpu.memory_space<semaphore_mem>>)
    %dma_wait3A_82 = arith.constant 0 : i32
    %dma_wait3A_83 = tpu.memref_slice %arg3[%dma_wait3A_82] : memref<655360xi32, #tpu.memory_space<hbm>> -> memref<128xi32, #tpu.memory_space<hbm>>
    %dma_wait3A_84 = arith.constant 0 : i32
    %dma_wait3A_85 = tpu.memref_slice %arg3[%dma_wait3A_84] : memref<655360xi32, #tpu.memory_space<hbm>> -> memref<128xi32, #tpu.memory_space<hbm>>
    tpu.wait_dma2 semaphore(%arg34 : memref<!tpu.dma_semaphore, #tpu.memory_space<semaphore_mem>>) src(%dma_wait3A_85 : memref<128xi32, #tpu.memory_space<hbm>>) dst(%arg8 : memref<128xi32, #tpu.memory_space<vmem>>)
    %dma_wait3A_86 = arith.constant 0 : i32
    %dma_wait3A_87 = tpu.memref_slice %arg3[%dma_wait3A_86] : memref<655360xi32, #tpu.memory_space<hbm>> -> memref<128xi32, #tpu.memory_space<hbm>>
    %dma_wait3A_88 = arith.constant 0 : i32
    %dma_wait3A_89 = tpu.memref_slice %arg3[%dma_wait3A_88] : memref<655360xi32, #tpu.memory_space<hbm>> -> memref<128xi32, #tpu.memory_space<hbm>>
    tpu.wait_dma2 semaphore(%arg34 : memref<!tpu.dma_semaphore, #tpu.memory_space<semaphore_mem>>) src(%dma_wait3A_89 : memref<128xi32, #tpu.memory_space<hbm>>) dst(%arg16 : memref<128xi32, #tpu.memory_space<vmem>>)
    %dma_start3A_90 = arith.constant 0 : i32
    %dma_start3A_91 = arith.constant 0 : i32
    %dma_start3A_92 = tpu.memref_slice %arg27[%dma_start3A_90, %dma_start3A_91] : memref<10000x32xf32, #tpu.memory_space<vmem_shared>> -> memref<10000x32xf32, #tpu.memory_space<vmem_shared>>
    tpu.enqueue_indirect_dma source(%dma_start3A_92 : memref<10000x32xf32, #tpu.memory_space<vmem_shared>>) target(%arg24 : memref<128x32xf32, #tpu.memory_space<vmem>>) offsets(%arg8 : memref<128xi32, #tpu.memory_space<vmem>>) semaphore(%arg30 : memref<!tpu.dma_semaphore, #tpu.memory_space<semaphore_mem>>)
    %dma_wait3A_93 = arith.constant 0 : i32
    %dma_wait3A_94 = tpu.memref_slice %arg3[%dma_wait3A_93] : memref<655360xi32, #tpu.memory_space<hbm>> -> memref<128xi32, #tpu.memory_space<hbm>>
    %dma_wait3A_95 = arith.constant 0 : i32
    %dma_wait3A_96 = tpu.memref_slice %arg3[%dma_wait3A_95] : memref<655360xi32, #tpu.memory_space<hbm>> -> memref<128xi32, #tpu.memory_space<hbm>>
    tpu.wait_dma2 semaphore(%arg35 : memref<!tpu.dma_semaphore, #tpu.memory_space<semaphore_mem>>) src(%dma_wait3A_96 : memref<128xi32, #tpu.memory_space<hbm>>) dst(%arg9 : memref<128xi32, #tpu.memory_space<vmem>>)
    %dma_wait3A_97 = arith.constant 0 : i32
    %dma_wait3A_98 = tpu.memref_slice %arg3[%dma_wait3A_97] : memref<655360xi32, #tpu.memory_space<hbm>> -> memref<128xi32, #tpu.memory_space<hbm>>
    %dma_wait3A_99 = arith.constant 0 : i32
    %dma_wait3A_100 = tpu.memref_slice %arg3[%dma_wait3A_99] : memref<655360xi32, #tpu.memory_space<hbm>> -> memref<128xi32, #tpu.memory_space<hbm>>
    tpu.wait_dma2 semaphore(%arg35 : memref<!tpu.dma_semaphore, #tpu.memory_space<semaphore_mem>>) src(%dma_wait3A_100 : memref<128xi32, #tpu.memory_space<hbm>>) dst(%arg17 : memref<128xi32, #tpu.memory_space<vmem>>)
    %dma_start3A_101 = arith.constant 0 : i32
    %dma_start3A_102 = arith.constant 0 : i32
    %dma_start3A_103 = tpu.memref_slice %arg27[%dma_start3A_101, %dma_start3A_102] : memref<10000x32xf32, #tpu.memory_space<vmem_shared>> -> memref<10000x32xf32, #tpu.memory_space<vmem_shared>>
    tpu.enqueue_indirect_dma source(%dma_start3A_103 : memref<10000x32xf32, #tpu.memory_space<vmem_shared>>) target(%arg25 : memref<128x32xf32, #tpu.memory_space<vmem>>) offsets(%arg9 : memref<128xi32, #tpu.memory_space<vmem>>) semaphore(%arg31 : memref<!tpu.dma_semaphore, #tpu.memory_space<semaphore_mem>>)
    %dma_wait3A_104 = arith.constant 0 : i32
    %dma_wait3A_105 = tpu.memref_slice %arg3[%dma_wait3A_104] : memref<655360xi32, #tpu.memory_space<hbm>> -> memref<128xi32, #tpu.memory_space<hbm>>
    %dma_wait3A_106 = arith.constant 0 : i32
    %dma_wait3A_107 = tpu.memref_slice %arg3[%dma_wait3A_106] : memref<655360xi32, #tpu.memory_space<hbm>> -> memref<128xi32, #tpu.memory_space<hbm>>
    tpu.wait_dma2 semaphore(%arg36 : memref<!tpu.dma_semaphore, #tpu.memory_space<semaphore_mem>>) src(%dma_wait3A_107 : memref<128xi32, #tpu.memory_space<hbm>>) dst(%arg10 : memref<128xi32, #tpu.memory_space<vmem>>)
    %dma_wait3A_108 = arith.constant 0 : i32
    %dma_wait3A_109 = tpu.memref_slice %arg3[%dma_wait3A_108] : memref<655360xi32, #tpu.memory_space<hbm>> -> memref<128xi32, #tpu.memory_space<hbm>>
    %dma_wait3A_110 = arith.constant 0 : i32
    %dma_wait3A_111 = tpu.memref_slice %arg3[%dma_wait3A_110] : memref<655360xi32, #tpu.memory_space<hbm>> -> memref<128xi32, #tpu.memory_space<hbm>>
    tpu.wait_dma2 semaphore(%arg36 : memref<!tpu.dma_semaphore, #tpu.memory_space<semaphore_mem>>) src(%dma_wait3A_111 : memref<128xi32, #tpu.memory_space<hbm>>) dst(%arg18 : memref<128xi32, #tpu.memory_space<vmem>>)
    %dma_start3A_112 = arith.constant 0 : i32
    %dma_start3A_113 = arith.constant 0 : i32
    %dma_start3A_114 = tpu.memref_slice %arg27[%dma_start3A_112, %dma_start3A_113] : memref<10000x32xf32, #tpu.memory_space<vmem_shared>> -> memref<10000x32xf32, #tpu.memory_space<vmem_shared>>
    tpu.enqueue_indirect_dma source(%dma_start3A_114 : memref<10000x32xf32, #tpu.memory_space<vmem_shared>>) target(%arg26 : memref<128x32xf32, #tpu.memory_space<vmem>>) offsets(%arg10 : memref<128xi32, #tpu.memory_space<vmem>>) semaphore(%arg32 : memref<!tpu.dma_semaphore, #tpu.memory_space<semaphore_mem>>)
    %scan3A = arith.constant 0 : i32
    %scan3A_115 = arith.constant 0 : i32
    %scan3A_116 = arith.constant 20 : i32
    %scan3A_117 = arith.addi %scan3A_115, %scan3A_116 : i32
    %scan3A_118 = arith.constant 1 : i32
    scf.for %scan3A_124 = %scan3A_115 to %scan3A_117 step %scan3A_118  : i32 {
      %mul3A_125 = arith.constant 8 : i32
      %mul3A_126 = arith.muli %mul3A_125, %scan3A_124 : i32
      %add3A_127 = arith.constant 0 : i32
      %add3A_128 = arith.addi %mul3A_126, %add3A_127 : i32
      %dma_wait3A_129 = arith.constant 0 : i32
      %dma_wait3A_130 = arith.constant 0 : i32
      %dma_wait3A_131 = tpu.memref_slice %arg27[%dma_wait3A_129, %dma_wait3A_130] : memref<10000x32xf32, #tpu.memory_space<vmem_shared>> -> memref<10000x32xf32, #tpu.memory_space<vmem_shared>>
      tpu.wait_indirect_dma semaphore(%arg29 : memref<!tpu.dma_semaphore, #tpu.memory_space<semaphore_mem>>) src(%dma_wait3A_131 : memref<10000x32xf32, #tpu.memory_space<vmem_shared>>) dst(%arg23 : memref<128x32xf32, #tpu.memory_space<vmem>>)
      "tpu.region"() ({
        %run_scoped3A = tpu.sem_alloc : memref<!tpu.dma_semaphore, #tpu.memory_space<semaphore_mem>>
        %dma_start3A_290 = arith.constant 0 : i32
        %dma_start3A_291 = arith.constant 0 : i32
        %dma_start3A_292 = tpu.memref_slice %arg28[%dma_start3A_290, %dma_start3A_291] : memref<21120x32xf32, #tpu.memory_space<vmem_shared>> -> memref<21120x32xf32, #tpu.memory_space<vmem_shared>>
        tpu.enqueue_indirect_dma source(%arg23 : memref<128x32xf32, #tpu.memory_space<vmem>>) target(%dma_start3A_292 : memref<21120x32xf32, #tpu.memory_space<vmem_shared>>) offsets(%arg15 : memref<128xi32, #tpu.memory_space<vmem>>) semaphore(%run_scoped3A : memref<!tpu.dma_semaphore, #tpu.memory_space<semaphore_mem>>) {add = true}
        %dma_wait3A_293 = arith.constant 0 : i32
        %dma_wait3A_294 = arith.constant 0 : i32
        %dma_wait3A_295 = tpu.memref_slice %arg28[%dma_wait3A_293, %dma_wait3A_294] : memref<21120x32xf32, #tpu.memory_space<vmem_shared>> -> memref<21120x32xf32, #tpu.memory_space<vmem_shared>>
        tpu.wait_indirect_dma semaphore(%run_scoped3A : memref<!tpu.dma_semaphore, #tpu.memory_space<semaphore_mem>>) src(%arg23 : memref<128x32xf32, #tpu.memory_space<vmem>>) dst(%dma_wait3A_295 : memref<21120x32xf32, #tpu.memory_space<vmem_shared>>)
        tpu.yield
      }) : () -> ()
      %add3A_132 = arith.constant 4 : i32
      %add3A_133 = arith.addi %add3A_128, %add3A_132 : i32
      %lt3A = arith.constant 160 : i32
      %lt3A_134 = arith.cmpi slt, %add3A_133, %lt3A : i32
      %convert_element_type3A = arith.extui %lt3A_134 : i1 to i32
      %cond3A = arith.constant 0 : i32
      %cond3A_135 = arith.cmpi ne, %convert_element_type3A, %cond3A : i32
      scf.if %cond3A_135 {
        %dma_wait3A_290 = arith.constant 0 : i32
        %dma_wait3A_291 = tpu.memref_slice %arg3[%dma_wait3A_290] : memref<655360xi32, #tpu.memory_space<hbm>> -> memref<128xi32, #tpu.memory_space<hbm>>
        %dma_wait3A_292 = arith.constant 0 : i32
        %dma_wait3A_293 = tpu.memref_slice %arg3[%dma_wait3A_292] : memref<655360xi32, #tpu.memory_space<hbm>> -> memref<128xi32, #tpu.memory_space<hbm>>
        tpu.wait_dma2 semaphore(%arg37 : memref<!tpu.dma_semaphore, #tpu.memory_space<semaphore_mem>>) src(%dma_wait3A_293 : memref<128xi32, #tpu.memory_space<hbm>>) dst(%arg11 : memref<128xi32, #tpu.memory_space<vmem>>)
        %dma_wait3A_294 = arith.constant 0 : i32
        %dma_wait3A_295 = tpu.memref_slice %arg3[%dma_wait3A_294] : memref<655360xi32, #tpu.memory_space<hbm>> -> memref<128xi32, #tpu.memory_space<hbm>>
        %dma_wait3A_296 = arith.constant 0 : i32
        %dma_wait3A_297 = tpu.memref_slice %arg3[%dma_wait3A_296] : memref<655360xi32, #tpu.memory_space<hbm>> -> memref<128xi32, #tpu.memory_space<hbm>>
        tpu.wait_dma2 semaphore(%arg37 : memref<!tpu.dma_semaphore, #tpu.memory_space<semaphore_mem>>) src(%dma_wait3A_297 : memref<128xi32, #tpu.memory_space<hbm>>) dst(%arg19 : memref<128xi32, #tpu.memory_space<vmem>>)
        %dma_start3A_298 = arith.constant 0 : i32
        %dma_start3A_299 = arith.constant 0 : i32
        %dma_start3A_300 = tpu.memref_slice %arg27[%dma_start3A_298, %dma_start3A_299] : memref<10000x32xf32, #tpu.memory_space<vmem_shared>> -> memref<10000x32xf32, #tpu.memory_space<vmem_shared>>
        tpu.enqueue_indirect_dma source(%dma_start3A_300 : memref<10000x32xf32, #tpu.memory_space<vmem_shared>>) target(%arg23 : memref<128x32xf32, #tpu.memory_space<vmem>>) offsets(%arg11 : memref<128xi32, #tpu.memory_space<vmem>>) semaphore(%arg29 : memref<!tpu.dma_semaphore, #tpu.memory_space<semaphore_mem>>)
      } else {
      }
      %add3A_136 = arith.constant 8 : i32
      %add3A_137 = arith.addi %add3A_128, %add3A_136 : i32
      %lt3A_138 = arith.constant 160 : i32
      %lt3A_139 = arith.cmpi slt, %add3A_137, %lt3A_138 : i32
      %convert_element_type3A_140 = arith.extui %lt3A_139 : i1 to i32
      %cond3A_141 = arith.constant 0 : i32
      %cond3A_142 = arith.cmpi ne, %convert_element_type3A_140, %cond3A_141 : i32
      scf.if %cond3A_142 {
        %add3A_290 = arith.constant 8 : i32
        %add3A_291 = arith.addi %add3A_128, %add3A_290 : i32
        %mul3A_292 = arith.constant 128 : i32
        %mul3A_293 = arith.muli %add3A_291, %mul3A_292 : i32
        %add3A_294 = arith.addi %mul3A_4, %mul3A_293 : i32
        %dma_start3A_295 = tpu.memref_slice %arg3[%add3A_294] : memref<655360xi32, #tpu.memory_space<hbm>> -> memref<128xi32, #tpu.memory_space<hbm>>
        %dma_start3A_296 = tpu.memref_slice %arg3[%add3A_294] : memref<655360xi32, #tpu.memory_space<hbm>> -> memref<128xi32, #tpu.memory_space<hbm>>
        tpu.enqueue_dma source(%dma_start3A_296 : memref<128xi32, #tpu.memory_space<hbm>>) target(%arg7 : memref<128xi32, #tpu.memory_space<vmem>>) target_semaphore(%arg33 : memref<!tpu.dma_semaphore, #tpu.memory_space<semaphore_mem>>)
        %mul3A_297 = arith.constant 128 : i32
        %mul3A_298 = arith.muli %add3A_291, %mul3A_297 : i32
        %add3A_299 = arith.addi %mul3A_4, %mul3A_298 : i32
        %dma_start3A_300 = tpu.memref_slice %arg4[%add3A_299] : memref<655360xi32, #tpu.memory_space<hbm>> -> memref<128xi32, #tpu.memory_space<hbm>>
        %dma_start3A_301 = tpu.memref_slice %arg4[%add3A_299] : memref<655360xi32, #tpu.memory_space<hbm>> -> memref<128xi32, #tpu.memory_space<hbm>>
        tpu.enqueue_dma source(%dma_start3A_301 : memref<128xi32, #tpu.memory_space<hbm>>) target(%arg15 : memref<128xi32, #tpu.memory_space<vmem>>) target_semaphore(%arg33 : memref<!tpu.dma_semaphore, #tpu.memory_space<semaphore_mem>>)
      } else {
      }
      %mul3A_143 = arith.constant 8 : i32
      %mul3A_144 = arith.muli %mul3A_143, %scan3A_124 : i32
      %add3A_145 = arith.constant 1 : i32
      %add3A_146 = arith.addi %mul3A_144, %add3A_145 : i32
      %dma_wait3A_147 = arith.constant 0 : i32
      %dma_wait3A_148 = arith.constant 0 : i32
      %dma_wait3A_149 = tpu.memref_slice %arg27[%dma_wait3A_147, %dma_wait3A_148] : memref<10000x32xf32, #tpu.memory_space<vmem_shared>> -> memref<10000x32xf32, #tpu.memory_space<vmem_shared>>
      tpu.wait_indirect_dma semaphore(%arg30 : memref<!tpu.dma_semaphore, #tpu.memory_space<semaphore_mem>>) src(%dma_wait3A_149 : memref<10000x32xf32, #tpu.memory_space<vmem_shared>>) dst(%arg24 : memref<128x32xf32, #tpu.memory_space<vmem>>)
      "tpu.region"() ({
        %run_scoped3A = tpu.sem_alloc : memref<!tpu.dma_semaphore, #tpu.memory_space<semaphore_mem>>
        %dma_start3A_290 = arith.constant 0 : i32
        %dma_start3A_291 = arith.constant 0 : i32
        %dma_start3A_292 = tpu.memref_slice %arg28[%dma_start3A_290, %dma_start3A_291] : memref<21120x32xf32, #tpu.memory_space<vmem_shared>> -> memref<21120x32xf32, #tpu.memory_space<vmem_shared>>
        tpu.enqueue_indirect_dma source(%arg24 : memref<128x32xf32, #tpu.memory_space<vmem>>) target(%dma_start3A_292 : memref<21120x32xf32, #tpu.memory_space<vmem_shared>>) offsets(%arg16 : memref<128xi32, #tpu.memory_space<vmem>>) semaphore(%run_scoped3A : memref<!tpu.dma_semaphore, #tpu.memory_space<semaphore_mem>>) {add = true}
        %dma_wait3A_293 = arith.constant 0 : i32
        %dma_wait3A_294 = arith.constant 0 : i32
        %dma_wait3A_295 = tpu.memref_slice %arg28[%dma_wait3A_293, %dma_wait3A_294] : memref<21120x32xf32, #tpu.memory_space<vmem_shared>> -> memref<21120x32xf32, #tpu.memory_space<vmem_shared>>
        tpu.wait_indirect_dma semaphore(%run_scoped3A : memref<!tpu.dma_semaphore, #tpu.memory_space<semaphore_mem>>) src(%arg24 : memref<128x32xf32, #tpu.memory_space<vmem>>) dst(%dma_wait3A_295 : memref<21120x32xf32, #tpu.memory_space<vmem_shared>>)
        tpu.yield
      }) : () -> ()
      %add3A_150 = arith.constant 4 : i32
      %add3A_151 = arith.addi %add3A_146, %add3A_150 : i32
      %lt3A_152 = arith.constant 160 : i32
      %lt3A_153 = arith.cmpi slt, %add3A_151, %lt3A_152 : i32
      %convert_element_type3A_154 = arith.extui %lt3A_153 : i1 to i32
      %cond3A_155 = arith.constant 0 : i32
      %cond3A_156 = arith.cmpi ne, %convert_element_type3A_154, %cond3A_155 : i32
      scf.if %cond3A_156 {
        %dma_wait3A_290 = arith.constant 0 : i32
        %dma_wait3A_291 = tpu.memref_slice %arg3[%dma_wait3A_290] : memref<655360xi32, #tpu.memory_space<hbm>> -> memref<128xi32, #tpu.memory_space<hbm>>
        %dma_wait3A_292 = arith.constant 0 : i32
        %dma_wait3A_293 = tpu.memref_slice %arg3[%dma_wait3A_292] : memref<655360xi32, #tpu.memory_space<hbm>> -> memref<128xi32, #tpu.memory_space<hbm>>
        tpu.wait_dma2 semaphore(%arg38 : memref<!tpu.dma_semaphore, #tpu.memory_space<semaphore_mem>>) src(%dma_wait3A_293 : memref<128xi32, #tpu.memory_space<hbm>>) dst(%arg12 : memref<128xi32, #tpu.memory_space<vmem>>)
        %dma_wait3A_294 = arith.constant 0 : i32
        %dma_wait3A_295 = tpu.memref_slice %arg3[%dma_wait3A_294] : memref<655360xi32, #tpu.memory_space<hbm>> -> memref<128xi32, #tpu.memory_space<hbm>>
        %dma_wait3A_296 = arith.constant 0 : i32
        %dma_wait3A_297 = tpu.memref_slice %arg3[%dma_wait3A_296] : memref<655360xi32, #tpu.memory_space<hbm>> -> memref<128xi32, #tpu.memory_space<hbm>>
        tpu.wait_dma2 semaphore(%arg38 : memref<!tpu.dma_semaphore, #tpu.memory_space<semaphore_mem>>) src(%dma_wait3A_297 : memref<128xi32, #tpu.memory_space<hbm>>) dst(%arg20 : memref<128xi32, #tpu.memory_space<vmem>>)
        %dma_start3A_298 = arith.constant 0 : i32
        %dma_start3A_299 = arith.constant 0 : i32
        %dma_start3A_300 = tpu.memref_slice %arg27[%dma_start3A_298, %dma_start3A_299] : memref<10000x32xf32, #tpu.memory_space<vmem_shared>> -> memref<10000x32xf32, #tpu.memory_space<vmem_shared>>
        tpu.enqueue_indirect_dma source(%dma_start3A_300 : memref<10000x32xf32, #tpu.memory_space<vmem_shared>>) target(%arg24 : memref<128x32xf32, #tpu.memory_space<vmem>>) offsets(%arg12 : memref<128xi32, #tpu.memory_space<vmem>>) semaphore(%arg30 : memref<!tpu.dma_semaphore, #tpu.memory_space<semaphore_mem>>)
      } else {
      }
      %add3A_157 = arith.constant 8 : i32
      %add3A_158 = arith.addi %add3A_146, %add3A_157 : i32
      %lt3A_159 = arith.constant 160 : i32
      %lt3A_160 = arith.cmpi slt, %add3A_158, %lt3A_159 : i32
      %convert_element_type3A_161 = arith.extui %lt3A_160 : i1 to i32
      %cond3A_162 = arith.constant 0 : i32
      %cond3A_163 = arith.cmpi ne, %convert_element_type3A_161, %cond3A_162 : i32
      scf.if %cond3A_163 {
        %add3A_290 = arith.constant 8 : i32
        %add3A_291 = arith.addi %add3A_146, %add3A_290 : i32
        %mul3A_292 = arith.constant 128 : i32
        %mul3A_293 = arith.muli %add3A_291, %mul3A_292 : i32
        %add3A_294 = arith.addi %mul3A_4, %mul3A_293 : i32
        %dma_start3A_295 = tpu.memref_slice %arg3[%add3A_294] : memref<655360xi32, #tpu.memory_space<hbm>> -> memref<128xi32, #tpu.memory_space<hbm>>
        %dma_start3A_296 = tpu.memref_slice %arg3[%add3A_294] : memref<655360xi32, #tpu.memory_space<hbm>> -> memref<128xi32, #tpu.memory_space<hbm>>
        tpu.enqueue_dma source(%dma_start3A_296 : memref<128xi32, #tpu.memory_space<hbm>>) target(%arg8 : memref<128xi32, #tpu.memory_space<vmem>>) target_semaphore(%arg34 : memref<!tpu.dma_semaphore, #tpu.memory_space<semaphore_mem>>)
        %mul3A_297 = arith.constant 128 : i32
        %mul3A_298 = arith.muli %add3A_291, %mul3A_297 : i32
        %add3A_299 = arith.addi %mul3A_4, %mul3A_298 : i32
        %dma_start3A_300 = tpu.memref_slice %arg4[%add3A_299] : memref<655360xi32, #tpu.memory_space<hbm>> -> memref<128xi32, #tpu.memory_space<hbm>>
        %dma_start3A_301 = tpu.memref_slice %arg4[%add3A_299] : memref<655360xi32, #tpu.memory_space<hbm>> -> memref<128xi32, #tpu.memory_space<hbm>>
        tpu.enqueue_dma source(%dma_start3A_301 : memref<128xi32, #tpu.memory_space<hbm>>) target(%arg16 : memref<128xi32, #tpu.memory_space<vmem>>) target_semaphore(%arg34 : memref<!tpu.dma_semaphore, #tpu.memory_space<semaphore_mem>>)
      } else {
      }
      %mul3A_164 = arith.constant 8 : i32
      %mul3A_165 = arith.muli %mul3A_164, %scan3A_124 : i32
      %add3A_166 = arith.constant 2 : i32
      %add3A_167 = arith.addi %mul3A_165, %add3A_166 : i32
      %dma_wait3A_168 = arith.constant 0 : i32
      %dma_wait3A_169 = arith.constant 0 : i32
      %dma_wait3A_170 = tpu.memref_slice %arg27[%dma_wait3A_168, %dma_wait3A_169] : memref<10000x32xf32, #tpu.memory_space<vmem_shared>> -> memref<10000x32xf32, #tpu.memory_space<vmem_shared>>
      tpu.wait_indirect_dma semaphore(%arg31 : memref<!tpu.dma_semaphore, #tpu.memory_space<semaphore_mem>>) src(%dma_wait3A_170 : memref<10000x32xf32, #tpu.memory_space<vmem_shared>>) dst(%arg25 : memref<128x32xf32, #tpu.memory_space<vmem>>)
      "tpu.region"() ({
        %run_scoped3A = tpu.sem_alloc : memref<!tpu.dma_semaphore, #tpu.memory_space<semaphore_mem>>
        %dma_start3A_290 = arith.constant 0 : i32
        %dma_start3A_291 = arith.constant 0 : i32
        %dma_start3A_292 = tpu.memref_slice %arg28[%dma_start3A_290, %dma_start3A_291] : memref<21120x32xf32, #tpu.memory_space<vmem_shared>> -> memref<21120x32xf32, #tpu.memory_space<vmem_shared>>
        tpu.enqueue_indirect_dma source(%arg25 : memref<128x32xf32, #tpu.memory_space<vmem>>) target(%dma_start3A_292 : memref<21120x32xf32, #tpu.memory_space<vmem_shared>>) offsets(%arg17 : memref<128xi32, #tpu.memory_space<vmem>>) semaphore(%run_scoped3A : memref<!tpu.dma_semaphore, #tpu.memory_space<semaphore_mem>>) {add = true}
        %dma_wait3A_293 = arith.constant 0 : i32
        %dma_wait3A_294 = arith.constant 0 : i32
        %dma_wait3A_295 = tpu.memref_slice %arg28[%dma_wait3A_293, %dma_wait3A_294] : memref<21120x32xf32, #tpu.memory_space<vmem_shared>> -> memref<21120x32xf32, #tpu.memory_space<vmem_shared>>
        tpu.wait_indirect_dma semaphore(%run_scoped3A : memref<!tpu.dma_semaphore, #tpu.memory_space<semaphore_mem>>) src(%arg25 : memref<128x32xf32, #tpu.memory_space<vmem>>) dst(%dma_wait3A_295 : memref<21120x32xf32, #tpu.memory_space<vmem_shared>>)
        tpu.yield
      }) : () -> ()
      %add3A_171 = arith.constant 4 : i32
      %add3A_172 = arith.addi %add3A_167, %add3A_171 : i32
      %lt3A_173 = arith.constant 160 : i32
      %lt3A_174 = arith.cmpi slt, %add3A_172, %lt3A_173 : i32
      %convert_element_type3A_175 = arith.extui %lt3A_174 : i1 to i32
      %cond3A_176 = arith.constant 0 : i32
      %cond3A_177 = arith.cmpi ne, %convert_element_type3A_175, %cond3A_176 : i32
      scf.if %cond3A_177 {
        %dma_wait3A_290 = arith.constant 0 : i32
        %dma_wait3A_291 = tpu.memref_slice %arg3[%dma_wait3A_290] : memref<655360xi32, #tpu.memory_space<hbm>> -> memref<128xi32, #tpu.memory_space<hbm>>
        %dma_wait3A_292 = arith.constant 0 : i32
        %dma_wait3A_293 = tpu.memref_slice %arg3[%dma_wait3A_292] : memref<655360xi32, #tpu.memory_space<hbm>> -> memref<128xi32, #tpu.memory_space<hbm>>
        tpu.wait_dma2 semaphore(%arg39 : memref<!tpu.dma_semaphore, #tpu.memory_space<semaphore_mem>>) src(%dma_wait3A_293 : memref<128xi32, #tpu.memory_space<hbm>>) dst(%arg13 : memref<128xi32, #tpu.memory_space<vmem>>)
        %dma_wait3A_294 = arith.constant 0 : i32
        %dma_wait3A_295 = tpu.memref_slice %arg3[%dma_wait3A_294] : memref<655360xi32, #tpu.memory_space<hbm>> -> memref<128xi32, #tpu.memory_space<hbm>>
        %dma_wait3A_296 = arith.constant 0 : i32
        %dma_wait3A_297 = tpu.memref_slice %arg3[%dma_wait3A_296] : memref<655360xi32, #tpu.memory_space<hbm>> -> memref<128xi32, #tpu.memory_space<hbm>>
        tpu.wait_dma2 semaphore(%arg39 : memref<!tpu.dma_semaphore, #tpu.memory_space<semaphore_mem>>) src(%dma_wait3A_297 : memref<128xi32, #tpu.memory_space<hbm>>) dst(%arg21 : memref<128xi32, #tpu.memory_space<vmem>>)
        %dma_start3A_298 = arith.constant 0 : i32
        %dma_start3A_299 = arith.constant 0 : i32
        %dma_start3A_300 = tpu.memref_slice %arg27[%dma_start3A_298, %dma_start3A_299] : memref<10000x32xf32, #tpu.memory_space<vmem_shared>> -> memref<10000x32xf32, #tpu.memory_space<vmem_shared>>
        tpu.enqueue_indirect_dma source(%dma_start3A_300 : memref<10000x32xf32, #tpu.memory_space<vmem_shared>>) target(%arg25 : memref<128x32xf32, #tpu.memory_space<vmem>>) offsets(%arg13 : memref<128xi32, #tpu.memory_space<vmem>>) semaphore(%arg31 : memref<!tpu.dma_semaphore, #tpu.memory_space<semaphore_mem>>)
      } else {
      }
      %add3A_178 = arith.constant 8 : i32
      %add3A_179 = arith.addi %add3A_167, %add3A_178 : i32
      %lt3A_180 = arith.constant 160 : i32
      %lt3A_181 = arith.cmpi slt, %add3A_179, %lt3A_180 : i32
      %convert_element_type3A_182 = arith.extui %lt3A_181 : i1 to i32
      %cond3A_183 = arith.constant 0 : i32
      %cond3A_184 = arith.cmpi ne, %convert_element_type3A_182, %cond3A_183 : i32
      scf.if %cond3A_184 {
        %add3A_290 = arith.constant 8 : i32
        %add3A_291 = arith.addi %add3A_167, %add3A_290 : i32
        %mul3A_292 = arith.constant 128 : i32
        %mul3A_293 = arith.muli %add3A_291, %mul3A_292 : i32
        %add3A_294 = arith.addi %mul3A_4, %mul3A_293 : i32
        %dma_start3A_295 = tpu.memref_slice %arg3[%add3A_294] : memref<655360xi32, #tpu.memory_space<hbm>> -> memref<128xi32, #tpu.memory_space<hbm>>
        %dma_start3A_296 = tpu.memref_slice %arg3[%add3A_294] : memref<655360xi32, #tpu.memory_space<hbm>> -> memref<128xi32, #tpu.memory_space<hbm>>
        tpu.enqueue_dma source(%dma_start3A_296 : memref<128xi32, #tpu.memory_space<hbm>>) target(%arg9 : memref<128xi32, #tpu.memory_space<vmem>>) target_semaphore(%arg35 : memref<!tpu.dma_semaphore, #tpu.memory_space<semaphore_mem>>)
        %mul3A_297 = arith.constant 128 : i32
        %mul3A_298 = arith.muli %add3A_291, %mul3A_297 : i32
        %add3A_299 = arith.addi %mul3A_4, %mul3A_298 : i32
        %dma_start3A_300 = tpu.memref_slice %arg4[%add3A_299] : memref<655360xi32, #tpu.memory_space<hbm>> -> memref<128xi32, #tpu.memory_space<hbm>>
        %dma_start3A_301 = tpu.memref_slice %arg4[%add3A_299] : memref<655360xi32, #tpu.memory_space<hbm>> -> memref<128xi32, #tpu.memory_space<hbm>>
        tpu.enqueue_dma source(%dma_start3A_301 : memref<128xi32, #tpu.memory_space<hbm>>) target(%arg17 : memref<128xi32, #tpu.memory_space<vmem>>) target_semaphore(%arg35 : memref<!tpu.dma_semaphore, #tpu.memory_space<semaphore_mem>>)
      } else {
      }
      %mul3A_185 = arith.constant 8 : i32
      %mul3A_186 = arith.muli %mul3A_185, %scan3A_124 : i32
      %add3A_187 = arith.constant 3 : i32
      %add3A_188 = arith.addi %mul3A_186, %add3A_187 : i32
      %dma_wait3A_189 = arith.constant 0 : i32
      %dma_wait3A_190 = arith.constant 0 : i32
      %dma_wait3A_191 = tpu.memref_slice %arg27[%dma_wait3A_189, %dma_wait3A_190] : memref<10000x32xf32, #tpu.memory_space<vmem_shared>> -> memref<10000x32xf32, #tpu.memory_space<vmem_shared>>
      tpu.wait_indirect_dma semaphore(%arg32 : memref<!tpu.dma_semaphore, #tpu.memory_space<semaphore_mem>>) src(%dma_wait3A_191 : memref<10000x32xf32, #tpu.memory_space<vmem_shared>>) dst(%arg26 : memref<128x32xf32, #tpu.memory_space<vmem>>)
      "tpu.region"() ({
        %run_scoped3A = tpu.sem_alloc : memref<!tpu.dma_semaphore, #tpu.memory_space<semaphore_mem>>
        %dma_start3A_290 = arith.constant 0 : i32
        %dma_start3A_291 = arith.constant 0 : i32
        %dma_start3A_292 = tpu.memref_slice %arg28[%dma_start3A_290, %dma_start3A_291] : memref<21120x32xf32, #tpu.memory_space<vmem_shared>> -> memref<21120x32xf32, #tpu.memory_space<vmem_shared>>
        tpu.enqueue_indirect_dma source(%arg26 : memref<128x32xf32, #tpu.memory_space<vmem>>) target(%dma_start3A_292 : memref<21120x32xf32, #tpu.memory_space<vmem_shared>>) offsets(%arg18 : memref<128xi32, #tpu.memory_space<vmem>>) semaphore(%run_scoped3A : memref<!tpu.dma_semaphore, #tpu.memory_space<semaphore_mem>>) {add = true}
        %dma_wait3A_293 = arith.constant 0 : i32
        %dma_wait3A_294 = arith.constant 0 : i32
        %dma_wait3A_295 = tpu.memref_slice %arg28[%dma_wait3A_293, %dma_wait3A_294] : memref<21120x32xf32, #tpu.memory_space<vmem_shared>> -> memref<21120x32xf32, #tpu.memory_space<vmem_shared>>
        tpu.wait_indirect_dma semaphore(%run_scoped3A : memref<!tpu.dma_semaphore, #tpu.memory_space<semaphore_mem>>) src(%arg26 : memref<128x32xf32, #tpu.memory_space<vmem>>) dst(%dma_wait3A_295 : memref<21120x32xf32, #tpu.memory_space<vmem_shared>>)
        tpu.yield
      }) : () -> ()
      %add3A_192 = arith.constant 4 : i32
      %add3A_193 = arith.addi %add3A_188, %add3A_192 : i32
      %lt3A_194 = arith.constant 160 : i32
      %lt3A_195 = arith.cmpi slt, %add3A_193, %lt3A_194 : i32
      %convert_element_type3A_196 = arith.extui %lt3A_195 : i1 to i32
      %cond3A_197 = arith.constant 0 : i32
      %cond3A_198 = arith.cmpi ne, %convert_element_type3A_196, %cond3A_197 : i32
      scf.if %cond3A_198 {
        %dma_wait3A_290 = arith.constant 0 : i32
        %dma_wait3A_291 = tpu.memref_slice %arg3[%dma_wait3A_290] : memref<655360xi32, #tpu.memory_space<hbm>> -> memref<128xi32, #tpu.memory_space<hbm>>
        %dma_wait3A_292 = arith.constant 0 : i32
        %dma_wait3A_293 = tpu.memref_slice %arg3[%dma_wait3A_292] : memref<655360xi32, #tpu.memory_space<hbm>> -> memref<128xi32, #tpu.memory_space<hbm>>
        tpu.wait_dma2 semaphore(%arg40 : memref<!tpu.dma_semaphore, #tpu.memory_space<semaphore_mem>>) src(%dma_wait3A_293 : memref<128xi32, #tpu.memory_space<hbm>>) dst(%arg14 : memref<128xi32, #tpu.memory_space<vmem>>)
        %dma_wait3A_294 = arith.constant 0 : i32
        %dma_wait3A_295 = tpu.memref_slice %arg3[%dma_wait3A_294] : memref<655360xi32, #tpu.memory_space<hbm>> -> memref<128xi32, #tpu.memory_space<hbm>>
        %dma_wait3A_296 = arith.constant 0 : i32
        %dma_wait3A_297 = tpu.memref_slice %arg3[%dma_wait3A_296] : memref<655360xi32, #tpu.memory_space<hbm>> -> memref<128xi32, #tpu.memory_space<hbm>>
        tpu.wait_dma2 semaphore(%arg40 : memref<!tpu.dma_semaphore, #tpu.memory_space<semaphore_mem>>) src(%dma_wait3A_297 : memref<128xi32, #tpu.memory_space<hbm>>) dst(%arg22 : memref<128xi32, #tpu.memory_space<vmem>>)
        %dma_start3A_298 = arith.constant 0 : i32
        %dma_start3A_299 = arith.constant 0 : i32
        %dma_start3A_300 = tpu.memref_slice %arg27[%dma_start3A_298, %dma_start3A_299] : memref<10000x32xf32, #tpu.memory_space<vmem_shared>> -> memref<10000x32xf32, #tpu.memory_space<vmem_shared>>
        tpu.enqueue_indirect_dma source(%dma_start3A_300 : memref<10000x32xf32, #tpu.memory_space<vmem_shared>>) target(%arg26 : memref<128x32xf32, #tpu.memory_space<vmem>>) offsets(%arg14 : memref<128xi32, #tpu.memory_space<vmem>>) semaphore(%arg32 : memref<!tpu.dma_semaphore, #tpu.memory_space<semaphore_mem>>)
      } else {
      }
      %add3A_199 = arith.constant 8 : i32
      %add3A_200 = arith.addi %add3A_188, %add3A_199 : i32
      %lt3A_201 = arith.constant 160 : i32
      %lt3A_202 = arith.cmpi slt, %add3A_200, %lt3A_201 : i32
      %convert_element_type3A_203 = arith.extui %lt3A_202 : i1 to i32
      %cond3A_204 = arith.constant 0 : i32
      %cond3A_205 = arith.cmpi ne, %convert_element_type3A_203, %cond3A_204 : i32
      scf.if %cond3A_205 {
        %add3A_290 = arith.constant 8 : i32
        %add3A_291 = arith.addi %add3A_188, %add3A_290 : i32
        %mul3A_292 = arith.constant 128 : i32
        %mul3A_293 = arith.muli %add3A_291, %mul3A_292 : i32
        %add3A_294 = arith.addi %mul3A_4, %mul3A_293 : i32
        %dma_start3A_295 = tpu.memref_slice %arg3[%add3A_294] : memref<655360xi32, #tpu.memory_space<hbm>> -> memref<128xi32, #tpu.memory_space<hbm>>
        %dma_start3A_296 = tpu.memref_slice %arg3[%add3A_294] : memref<655360xi32, #tpu.memory_space<hbm>> -> memref<128xi32, #tpu.memory_space<hbm>>
        tpu.enqueue_dma source(%dma_start3A_296 : memref<128xi32, #tpu.memory_space<hbm>>) target(%arg10 : memref<128xi32, #tpu.memory_space<vmem>>) target_semaphore(%arg36 : memref<!tpu.dma_semaphore, #tpu.memory_space<semaphore_mem>>)
        %mul3A_297 = arith.constant 128 : i32
        %mul3A_298 = arith.muli %add3A_291, %mul3A_297 : i32
        %add3A_299 = arith.addi %mul3A_4, %mul3A_298 : i32
        %dma_start3A_300 = tpu.memref_slice %arg4[%add3A_299] : memref<655360xi32, #tpu.memory_space<hbm>> -> memref<128xi32, #tpu.memory_space<hbm>>
        %dma_start3A_301 = tpu.memref_slice %arg4[%add3A_299] : memref<655360xi32, #tpu.memory_space<hbm>> -> memref<128xi32, #tpu.memory_space<hbm>>
        tpu.enqueue_dma source(%dma_start3A_301 : memref<128xi32, #tpu.memory_space<hbm>>) target(%arg18 : memref<128xi32, #tpu.memory_space<vmem>>) target_semaphore(%arg36 : memref<!tpu.dma_semaphore, #tpu.memory_space<semaphore_mem>>)
      } else {
      }
      %mul3A_206 = arith.constant 8 : i32
      %mul3A_207 = arith.muli %mul3A_206, %scan3A_124 : i32
      %add3A_208 = arith.constant 4 : i32
      %add3A_209 = arith.addi %mul3A_207, %add3A_208 : i32
      %dma_wait3A_210 = arith.constant 0 : i32
      %dma_wait3A_211 = arith.constant 0 : i32
      %dma_wait3A_212 = tpu.memref_slice %arg27[%dma_wait3A_210, %dma_wait3A_211] : memref<10000x32xf32, #tpu.memory_space<vmem_shared>> -> memref<10000x32xf32, #tpu.memory_space<vmem_shared>>
      tpu.wait_indirect_dma semaphore(%arg29 : memref<!tpu.dma_semaphore, #tpu.memory_space<semaphore_mem>>) src(%dma_wait3A_212 : memref<10000x32xf32, #tpu.memory_space<vmem_shared>>) dst(%arg23 : memref<128x32xf32, #tpu.memory_space<vmem>>)
      "tpu.region"() ({
        %run_scoped3A = tpu.sem_alloc : memref<!tpu.dma_semaphore, #tpu.memory_space<semaphore_mem>>
        %dma_start3A_290 = arith.constant 0 : i32
        %dma_start3A_291 = arith.constant 0 : i32
        %dma_start3A_292 = tpu.memref_slice %arg28[%dma_start3A_290, %dma_start3A_291] : memref<21120x32xf32, #tpu.memory_space<vmem_shared>> -> memref<21120x32xf32, #tpu.memory_space<vmem_shared>>
        tpu.enqueue_indirect_dma source(%arg23 : memref<128x32xf32, #tpu.memory_space<vmem>>) target(%dma_start3A_292 : memref<21120x32xf32, #tpu.memory_space<vmem_shared>>) offsets(%arg19 : memref<128xi32, #tpu.memory_space<vmem>>) semaphore(%run_scoped3A : memref<!tpu.dma_semaphore, #tpu.memory_space<semaphore_mem>>) {add = true}
        %dma_wait3A_293 = arith.constant 0 : i32
        %dma_wait3A_294 = arith.constant 0 : i32
        %dma_wait3A_295 = tpu.memref_slice %arg28[%dma_wait3A_293, %dma_wait3A_294] : memref<21120x32xf32, #tpu.memory_space<vmem_shared>> -> memref<21120x32xf32, #tpu.memory_space<vmem_shared>>
        tpu.wait_indirect_dma semaphore(%run_scoped3A : memref<!tpu.dma_semaphore, #tpu.memory_space<semaphore_mem>>) src(%arg23 : memref<128x32xf32, #tpu.memory_space<vmem>>) dst(%dma_wait3A_295 : memref<21120x32xf32, #tpu.memory_space<vmem_shared>>)
        tpu.yield
      }) : () -> ()
      %add3A_213 = arith.constant 4 : i32
      %add3A_214 = arith.addi %add3A_209, %add3A_213 : i32
      %lt3A_215 = arith.constant 160 : i32
      %lt3A_216 = arith.cmpi slt, %add3A_214, %lt3A_215 : i32
      %convert_element_type3A_217 = arith.extui %lt3A_216 : i1 to i32
      %cond3A_218 = arith.constant 0 : i32
      %cond3A_219 = arith.cmpi ne, %convert_element_type3A_217, %cond3A_218 : i32
      scf.if %cond3A_219 {
        %dma_wait3A_290 = arith.constant 0 : i32
        %dma_wait3A_291 = tpu.memref_slice %arg3[%dma_wait3A_290] : memref<655360xi32, #tpu.memory_space<hbm>> -> memref<128xi32, #tpu.memory_space<hbm>>
        %dma_wait3A_292 = arith.constant 0 : i32
        %dma_wait3A_293 = tpu.memref_slice %arg3[%dma_wait3A_292] : memref<655360xi32, #tpu.memory_space<hbm>> -> memref<128xi32, #tpu.memory_space<hbm>>
        tpu.wait_dma2 semaphore(%arg33 : memref<!tpu.dma_semaphore, #tpu.memory_space<semaphore_mem>>) src(%dma_wait3A_293 : memref<128xi32, #tpu.memory_space<hbm>>) dst(%arg7 : memref<128xi32, #tpu.memory_space<vmem>>)
        %dma_wait3A_294 = arith.constant 0 : i32
        %dma_wait3A_295 = tpu.memref_slice %arg3[%dma_wait3A_294] : memref<655360xi32, #tpu.memory_space<hbm>> -> memref<128xi32, #tpu.memory_space<hbm>>
        %dma_wait3A_296 = arith.constant 0 : i32
        %dma_wait3A_297 = tpu.memref_slice %arg3[%dma_wait3A_296] : memref<655360xi32, #tpu.memory_space<hbm>> -> memref<128xi32, #tpu.memory_space<hbm>>
        tpu.wait_dma2 semaphore(%arg33 : memref<!tpu.dma_semaphore, #tpu.memory_space<semaphore_mem>>) src(%dma_wait3A_297 : memref<128xi32, #tpu.memory_space<hbm>>) dst(%arg15 : memref<128xi32, #tpu.memory_space<vmem>>)
        %dma_start3A_298 = arith.constant 0 : i32
        %dma_start3A_299 = arith.constant 0 : i32
        %dma_start3A_300 = tpu.memref_slice %arg27[%dma_start3A_298, %dma_start3A_299] : memref<10000x32xf32, #tpu.memory_space<vmem_shared>> -> memref<10000x32xf32, #tpu.memory_space<vmem_shared>>
        tpu.enqueue_indirect_dma source(%dma_start3A_300 : memref<10000x32xf32, #tpu.memory_space<vmem_shared>>) target(%arg23 : memref<128x32xf32, #tpu.memory_space<vmem>>) offsets(%arg7 : memref<128xi32, #tpu.memory_space<vmem>>) semaphore(%arg29 : memref<!tpu.dma_semaphore, #tpu.memory_space<semaphore_mem>>)
      } else {
      }
      %add3A_220 = arith.constant 8 : i32
      %add3A_221 = arith.addi %add3A_209, %add3A_220 : i32
      %lt3A_222 = arith.constant 160 : i32
      %lt3A_223 = arith.cmpi slt, %add3A_221, %lt3A_222 : i32
      %convert_element_type3A_224 = arith.extui %lt3A_223 : i1 to i32
      %cond3A_225 = arith.constant 0 : i32
      %cond3A_226 = arith.cmpi ne, %convert_element_type3A_224, %cond3A_225 : i32
      scf.if %cond3A_226 {
        %add3A_290 = arith.constant 8 : i32
        %add3A_291 = arith.addi %add3A_209, %add3A_290 : i32
        %mul3A_292 = arith.constant 128 : i32
        %mul3A_293 = arith.muli %add3A_291, %mul3A_292 : i32
        %add3A_294 = arith.addi %mul3A_4, %mul3A_293 : i32
        %dma_start3A_295 = tpu.memref_slice %arg3[%add3A_294] : memref<655360xi32, #tpu.memory_space<hbm>> -> memref<128xi32, #tpu.memory_space<hbm>>
        %dma_start3A_296 = tpu.memref_slice %arg3[%add3A_294] : memref<655360xi32, #tpu.memory_space<hbm>> -> memref<128xi32, #tpu.memory_space<hbm>>
        tpu.enqueue_dma source(%dma_start3A_296 : memref<128xi32, #tpu.memory_space<hbm>>) target(%arg11 : memref<128xi32, #tpu.memory_space<vmem>>) target_semaphore(%arg37 : memref<!tpu.dma_semaphore, #tpu.memory_space<semaphore_mem>>)
        %mul3A_297 = arith.constant 128 : i32
        %mul3A_298 = arith.muli %add3A_291, %mul3A_297 : i32
        %add3A_299 = arith.addi %mul3A_4, %mul3A_298 : i32
        %dma_start3A_300 = tpu.memref_slice %arg4[%add3A_299] : memref<655360xi32, #tpu.memory_space<hbm>> -> memref<128xi32, #tpu.memory_space<hbm>>
        %dma_start3A_301 = tpu.memref_slice %arg4[%add3A_299] : memref<655360xi32, #tpu.memory_space<hbm>> -> memref<128xi32, #tpu.memory_space<hbm>>
        tpu.enqueue_dma source(%dma_start3A_301 : memref<128xi32, #tpu.memory_space<hbm>>) target(%arg19 : memref<128xi32, #tpu.memory_space<vmem>>) target_semaphore(%arg37 : memref<!tpu.dma_semaphore, #tpu.memory_space<semaphore_mem>>)
      } else {
      }
      %mul3A_227 = arith.constant 8 : i32
      %mul3A_228 = arith.muli %mul3A_227, %scan3A_124 : i32
      %add3A_229 = arith.constant 5 : i32
      %add3A_230 = arith.addi %mul3A_228, %add3A_229 : i32
      %dma_wait3A_231 = arith.constant 0 : i32
      %dma_wait3A_232 = arith.constant 0 : i32
      %dma_wait3A_233 = tpu.memref_slice %arg27[%dma_wait3A_231, %dma_wait3A_232] : memref<10000x32xf32, #tpu.memory_space<vmem_shared>> -> memref<10000x32xf32, #tpu.memory_space<vmem_shared>>
      tpu.wait_indirect_dma semaphore(%arg30 : memref<!tpu.dma_semaphore, #tpu.memory_space<semaphore_mem>>) src(%dma_wait3A_233 : memref<10000x32xf32, #tpu.memory_space<vmem_shared>>) dst(%arg24 : memref<128x32xf32, #tpu.memory_space<vmem>>)
      "tpu.region"() ({
        %run_scoped3A = tpu.sem_alloc : memref<!tpu.dma_semaphore, #tpu.memory_space<semaphore_mem>>
        %dma_start3A_290 = arith.constant 0 : i32
        %dma_start3A_291 = arith.constant 0 : i32
        %dma_start3A_292 = tpu.memref_slice %arg28[%dma_start3A_290, %dma_start3A_291] : memref<21120x32xf32, #tpu.memory_space<vmem_shared>> -> memref<21120x32xf32, #tpu.memory_space<vmem_shared>>
        tpu.enqueue_indirect_dma source(%arg24 : memref<128x32xf32, #tpu.memory_space<vmem>>) target(%dma_start3A_292 : memref<21120x32xf32, #tpu.memory_space<vmem_shared>>) offsets(%arg20 : memref<128xi32, #tpu.memory_space<vmem>>) semaphore(%run_scoped3A : memref<!tpu.dma_semaphore, #tpu.memory_space<semaphore_mem>>) {add = true}
        %dma_wait3A_293 = arith.constant 0 : i32
        %dma_wait3A_294 = arith.constant 0 : i32
        %dma_wait3A_295 = tpu.memref_slice %arg28[%dma_wait3A_293, %dma_wait3A_294] : memref<21120x32xf32, #tpu.memory_space<vmem_shared>> -> memref<21120x32xf32, #tpu.memory_space<vmem_shared>>
        tpu.wait_indirect_dma semaphore(%run_scoped3A : memref<!tpu.dma_semaphore, #tpu.memory_space<semaphore_mem>>) src(%arg24 : memref<128x32xf32, #tpu.memory_space<vmem>>) dst(%dma_wait3A_295 : memref<21120x32xf32, #tpu.memory_space<vmem_shared>>)
        tpu.yield
      }) : () -> ()
      %add3A_234 = arith.constant 4 : i32
      %add3A_235 = arith.addi %add3A_230, %add3A_234 : i32
      %lt3A_236 = arith.constant 160 : i32
      %lt3A_237 = arith.cmpi slt, %add3A_235, %lt3A_236 : i32
      %convert_element_type3A_238 = arith.extui %lt3A_237 : i1 to i32
      %cond3A_239 = arith.constant 0 : i32
      %cond3A_240 = arith.cmpi ne, %convert_element_type3A_238, %cond3A_239 : i32
      scf.if %cond3A_240 {
        %dma_wait3A_290 = arith.constant 0 : i32
        %dma_wait3A_291 = tpu.memref_slice %arg3[%dma_wait3A_290] : memref<655360xi32, #tpu.memory_space<hbm>> -> memref<128xi32, #tpu.memory_space<hbm>>
        %dma_wait3A_292 = arith.constant 0 : i32
        %dma_wait3A_293 = tpu.memref_slice %arg3[%dma_wait3A_292] : memref<655360xi32, #tpu.memory_space<hbm>> -> memref<128xi32, #tpu.memory_space<hbm>>
        tpu.wait_dma2 semaphore(%arg34 : memref<!tpu.dma_semaphore, #tpu.memory_space<semaphore_mem>>) src(%dma_wait3A_293 : memref<128xi32, #tpu.memory_space<hbm>>) dst(%arg8 : memref<128xi32, #tpu.memory_space<vmem>>)
        %dma_wait3A_294 = arith.constant 0 : i32
        %dma_wait3A_295 = tpu.memref_slice %arg3[%dma_wait3A_294] : memref<655360xi32, #tpu.memory_space<hbm>> -> memref<128xi32, #tpu.memory_space<hbm>>
        %dma_wait3A_296 = arith.constant 0 : i32
        %dma_wait3A_297 = tpu.memref_slice %arg3[%dma_wait3A_296] : memref<655360xi32, #tpu.memory_space<hbm>> -> memref<128xi32, #tpu.memory_space<hbm>>
        tpu.wait_dma2 semaphore(%arg34 : memref<!tpu.dma_semaphore, #tpu.memory_space<semaphore_mem>>) src(%dma_wait3A_297 : memref<128xi32, #tpu.memory_space<hbm>>) dst(%arg16 : memref<128xi32, #tpu.memory_space<vmem>>)
        %dma_start3A_298 = arith.constant 0 : i32
        %dma_start3A_299 = arith.constant 0 : i32
        %dma_start3A_300 = tpu.memref_slice %arg27[%dma_start3A_298, %dma_start3A_299] : memref<10000x32xf32, #tpu.memory_space<vmem_shared>> -> memref<10000x32xf32, #tpu.memory_space<vmem_shared>>
        tpu.enqueue_indirect_dma source(%dma_start3A_300 : memref<10000x32xf32, #tpu.memory_space<vmem_shared>>) target(%arg24 : memref<128x32xf32, #tpu.memory_space<vmem>>) offsets(%arg8 : memref<128xi32, #tpu.memory_space<vmem>>) semaphore(%arg30 : memref<!tpu.dma_semaphore, #tpu.memory_space<semaphore_mem>>)
      } else {
      }
      %add3A_241 = arith.constant 8 : i32
      %add3A_242 = arith.addi %add3A_230, %add3A_241 : i32
      %lt3A_243 = arith.constant 160 : i32
      %lt3A_244 = arith.cmpi slt, %add3A_242, %lt3A_243 : i32
      %convert_element_type3A_245 = arith.extui %lt3A_244 : i1 to i32
      %cond3A_246 = arith.constant 0 : i32
      %cond3A_247 = arith.cmpi ne, %convert_element_type3A_245, %cond3A_246 : i32
      scf.if %cond3A_247 {
        %add3A_290 = arith.constant 8 : i32
        %add3A_291 = arith.addi %add3A_230, %add3A_290 : i32
        %mul3A_292 = arith.constant 128 : i32
        %mul3A_293 = arith.muli %add3A_291, %mul3A_292 : i32
        %add3A_294 = arith.addi %mul3A_4, %mul3A_293 : i32
        %dma_start3A_295 = tpu.memref_slice %arg3[%add3A_294] : memref<655360xi32, #tpu.memory_space<hbm>> -> memref<128xi32, #tpu.memory_space<hbm>>
        %dma_start3A_296 = tpu.memref_slice %arg3[%add3A_294] : memref<655360xi32, #tpu.memory_space<hbm>> -> memref<128xi32, #tpu.memory_space<hbm>>
        tpu.enqueue_dma source(%dma_start3A_296 : memref<128xi32, #tpu.memory_space<hbm>>) target(%arg12 : memref<128xi32, #tpu.memory_space<vmem>>) target_semaphore(%arg38 : memref<!tpu.dma_semaphore, #tpu.memory_space<semaphore_mem>>)
        %mul3A_297 = arith.constant 128 : i32
        %mul3A_298 = arith.muli %add3A_291, %mul3A_297 : i32
        %add3A_299 = arith.addi %mul3A_4, %mul3A_298 : i32
        %dma_start3A_300 = tpu.memref_slice %arg4[%add3A_299] : memref<655360xi32, #tpu.memory_space<hbm>> -> memref<128xi32, #tpu.memory_space<hbm>>
        %dma_start3A_301 = tpu.memref_slice %arg4[%add3A_299] : memref<655360xi32, #tpu.memory_space<hbm>> -> memref<128xi32, #tpu.memory_space<hbm>>
        tpu.enqueue_dma source(%dma_start3A_301 : memref<128xi32, #tpu.memory_space<hbm>>) target(%arg20 : memref<128xi32, #tpu.memory_space<vmem>>) target_semaphore(%arg38 : memref<!tpu.dma_semaphore, #tpu.memory_space<semaphore_mem>>)
      } else {
      }
      %mul3A_248 = arith.constant 8 : i32
      %mul3A_249 = arith.muli %mul3A_248, %scan3A_124 : i32
      %add3A_250 = arith.constant 6 : i32
      %add3A_251 = arith.addi %mul3A_249, %add3A_250 : i32
      %dma_wait3A_252 = arith.constant 0 : i32
      %dma_wait3A_253 = arith.constant 0 : i32
      %dma_wait3A_254 = tpu.memref_slice %arg27[%dma_wait3A_252, %dma_wait3A_253] : memref<10000x32xf32, #tpu.memory_space<vmem_shared>> -> memref<10000x32xf32, #tpu.memory_space<vmem_shared>>
      tpu.wait_indirect_dma semaphore(%arg31 : memref<!tpu.dma_semaphore, #tpu.memory_space<semaphore_mem>>) src(%dma_wait3A_254 : memref<10000x32xf32, #tpu.memory_space<vmem_shared>>) dst(%arg25 : memref<128x32xf32, #tpu.memory_space<vmem>>)
      "tpu.region"() ({
        %run_scoped3A = tpu.sem_alloc : memref<!tpu.dma_semaphore, #tpu.memory_space<semaphore_mem>>
        %dma_start3A_290 = arith.constant 0 : i32
        %dma_start3A_291 = arith.constant 0 : i32
        %dma_start3A_292 = tpu.memref_slice %arg28[%dma_start3A_290, %dma_start3A_291] : memref<21120x32xf32, #tpu.memory_space<vmem_shared>> -> memref<21120x32xf32, #tpu.memory_space<vmem_shared>>
        tpu.enqueue_indirect_dma source(%arg25 : memref<128x32xf32, #tpu.memory_space<vmem>>) target(%dma_start3A_292 : memref<21120x32xf32, #tpu.memory_space<vmem_shared>>) offsets(%arg21 : memref<128xi32, #tpu.memory_space<vmem>>) semaphore(%run_scoped3A : memref<!tpu.dma_semaphore, #tpu.memory_space<semaphore_mem>>) {add = true}
        %dma_wait3A_293 = arith.constant 0 : i32
        %dma_wait3A_294 = arith.constant 0 : i32
        %dma_wait3A_295 = tpu.memref_slice %arg28[%dma_wait3A_293, %dma_wait3A_294] : memref<21120x32xf32, #tpu.memory_space<vmem_shared>> -> memref<21120x32xf32, #tpu.memory_space<vmem_shared>>
        tpu.wait_indirect_dma semaphore(%run_scoped3A : memref<!tpu.dma_semaphore, #tpu.memory_space<semaphore_mem>>) src(%arg25 : memref<128x32xf32, #tpu.memory_space<vmem>>) dst(%dma_wait3A_295 : memref<21120x32xf32, #tpu.memory_space<vmem_shared>>)
        tpu.yield
      }) : () -> ()
      %add3A_255 = arith.constant 4 : i32
      %add3A_256 = arith.addi %add3A_251, %add3A_255 : i32
      %lt3A_257 = arith.constant 160 : i32
      %lt3A_258 = arith.cmpi slt, %add3A_256, %lt3A_257 : i32
      %convert_element_type3A_259 = arith.extui %lt3A_258 : i1 to i32
      %cond3A_260 = arith.constant 0 : i32
      %cond3A_261 = arith.cmpi ne, %convert_element_type3A_259, %cond3A_260 : i32
      scf.if %cond3A_261 {
        %dma_wait3A_290 = arith.constant 0 : i32
        %dma_wait3A_291 = tpu.memref_slice %arg3[%dma_wait3A_290] : memref<655360xi32, #tpu.memory_space<hbm>> -> memref<128xi32, #tpu.memory_space<hbm>>
        %dma_wait3A_292 = arith.constant 0 : i32
        %dma_wait3A_293 = tpu.memref_slice %arg3[%dma_wait3A_292] : memref<655360xi32, #tpu.memory_space<hbm>> -> memref<128xi32, #tpu.memory_space<hbm>>
        tpu.wait_dma2 semaphore(%arg35 : memref<!tpu.dma_semaphore, #tpu.memory_space<semaphore_mem>>) src(%dma_wait3A_293 : memref<128xi32, #tpu.memory_space<hbm>>) dst(%arg9 : memref<128xi32, #tpu.memory_space<vmem>>)
        %dma_wait3A_294 = arith.constant 0 : i32
        %dma_wait3A_295 = tpu.memref_slice %arg3[%dma_wait3A_294] : memref<655360xi32, #tpu.memory_space<hbm>> -> memref<128xi32, #tpu.memory_space<hbm>>
        %dma_wait3A_296 = arith.constant 0 : i32
        %dma_wait3A_297 = tpu.memref_slice %arg3[%dma_wait3A_296] : memref<655360xi32, #tpu.memory_space<hbm>> -> memref<128xi32, #tpu.memory_space<hbm>>
        tpu.wait_dma2 semaphore(%arg35 : memref<!tpu.dma_semaphore, #tpu.memory_space<semaphore_mem>>) src(%dma_wait3A_297 : memref<128xi32, #tpu.memory_space<hbm>>) dst(%arg17 : memref<128xi32, #tpu.memory_space<vmem>>)
        %dma_start3A_298 = arith.constant 0 : i32
        %dma_start3A_299 = arith.constant 0 : i32
        %dma_start3A_300 = tpu.memref_slice %arg27[%dma_start3A_298, %dma_start3A_299] : memref<10000x32xf32, #tpu.memory_space<vmem_shared>> -> memref<10000x32xf32, #tpu.memory_space<vmem_shared>>
        tpu.enqueue_indirect_dma source(%dma_start3A_300 : memref<10000x32xf32, #tpu.memory_space<vmem_shared>>) target(%arg25 : memref<128x32xf32, #tpu.memory_space<vmem>>) offsets(%arg9 : memref<128xi32, #tpu.memory_space<vmem>>) semaphore(%arg31 : memref<!tpu.dma_semaphore, #tpu.memory_space<semaphore_mem>>)
      } else {
      }
      %add3A_262 = arith.constant 8 : i32
      %add3A_263 = arith.addi %add3A_251, %add3A_262 : i32
      %lt3A_264 = arith.constant 160 : i32
      %lt3A_265 = arith.cmpi slt, %add3A_263, %lt3A_264 : i32
      %convert_element_type3A_266 = arith.extui %lt3A_265 : i1 to i32
      %cond3A_267 = arith.constant 0 : i32
      %cond3A_268 = arith.cmpi ne, %convert_element_type3A_266, %cond3A_267 : i32
      scf.if %cond3A_268 {
        %add3A_290 = arith.constant 8 : i32
        %add3A_291 = arith.addi %add3A_251, %add3A_290 : i32
        %mul3A_292 = arith.constant 128 : i32
        %mul3A_293 = arith.muli %add3A_291, %mul3A_292 : i32
        %add3A_294 = arith.addi %mul3A_4, %mul3A_293 : i32
        %dma_start3A_295 = tpu.memref_slice %arg3[%add3A_294] : memref<655360xi32, #tpu.memory_space<hbm>> -> memref<128xi32, #tpu.memory_space<hbm>>
        %dma_start3A_296 = tpu.memref_slice %arg3[%add3A_294] : memref<655360xi32, #tpu.memory_space<hbm>> -> memref<128xi32, #tpu.memory_space<hbm>>
        tpu.enqueue_dma source(%dma_start3A_296 : memref<128xi32, #tpu.memory_space<hbm>>) target(%arg13 : memref<128xi32, #tpu.memory_space<vmem>>) target_semaphore(%arg39 : memref<!tpu.dma_semaphore, #tpu.memory_space<semaphore_mem>>)
        %mul3A_297 = arith.constant 128 : i32
        %mul3A_298 = arith.muli %add3A_291, %mul3A_297 : i32
        %add3A_299 = arith.addi %mul3A_4, %mul3A_298 : i32
        %dma_start3A_300 = tpu.memref_slice %arg4[%add3A_299] : memref<655360xi32, #tpu.memory_space<hbm>> -> memref<128xi32, #tpu.memory_space<hbm>>
        %dma_start3A_301 = tpu.memref_slice %arg4[%add3A_299] : memref<655360xi32, #tpu.memory_space<hbm>> -> memref<128xi32, #tpu.memory_space<hbm>>
        tpu.enqueue_dma source(%dma_start3A_301 : memref<128xi32, #tpu.memory_space<hbm>>) target(%arg21 : memref<128xi32, #tpu.memory_space<vmem>>) target_semaphore(%arg39 : memref<!tpu.dma_semaphore, #tpu.memory_space<semaphore_mem>>)
      } else {
      }
      %mul3A_269 = arith.constant 8 : i32
      %mul3A_270 = arith.muli %mul3A_269, %scan3A_124 : i32
      %add3A_271 = arith.constant 7 : i32
      %add3A_272 = arith.addi %mul3A_270, %add3A_271 : i32
      %dma_wait3A_273 = arith.constant 0 : i32
      %dma_wait3A_274 = arith.constant 0 : i32
      %dma_wait3A_275 = tpu.memref_slice %arg27[%dma_wait3A_273, %dma_wait3A_274] : memref<10000x32xf32, #tpu.memory_space<vmem_shared>> -> memref<10000x32xf32, #tpu.memory_space<vmem_shared>>
      tpu.wait_indirect_dma semaphore(%arg32 : memref<!tpu.dma_semaphore, #tpu.memory_space<semaphore_mem>>) src(%dma_wait3A_275 : memref<10000x32xf32, #tpu.memory_space<vmem_shared>>) dst(%arg26 : memref<128x32xf32, #tpu.memory_space<vmem>>)
      "tpu.region"() ({
        %run_scoped3A = tpu.sem_alloc : memref<!tpu.dma_semaphore, #tpu.memory_space<semaphore_mem>>
        %dma_start3A_290 = arith.constant 0 : i32
        %dma_start3A_291 = arith.constant 0 : i32
        %dma_start3A_292 = tpu.memref_slice %arg28[%dma_start3A_290, %dma_start3A_291] : memref<21120x32xf32, #tpu.memory_space<vmem_shared>> -> memref<21120x32xf32, #tpu.memory_space<vmem_shared>>
        tpu.enqueue_indirect_dma source(%arg26 : memref<128x32xf32, #tpu.memory_space<vmem>>) target(%dma_start3A_292 : memref<21120x32xf32, #tpu.memory_space<vmem_shared>>) offsets(%arg22 : memref<128xi32, #tpu.memory_space<vmem>>) semaphore(%run_scoped3A : memref<!tpu.dma_semaphore, #tpu.memory_space<semaphore_mem>>) {add = true}
        %dma_wait3A_293 = arith.constant 0 : i32
        %dma_wait3A_294 = arith.constant 0 : i32
        %dma_wait3A_295 = tpu.memref_slice %arg28[%dma_wait3A_293, %dma_wait3A_294] : memref<21120x32xf32, #tpu.memory_space<vmem_shared>> -> memref<21120x32xf32, #tpu.memory_space<vmem_shared>>
        tpu.wait_indirect_dma semaphore(%run_scoped3A : memref<!tpu.dma_semaphore, #tpu.memory_space<semaphore_mem>>) src(%arg26 : memref<128x32xf32, #tpu.memory_space<vmem>>) dst(%dma_wait3A_295 : memref<21120x32xf32, #tpu.memory_space<vmem_shared>>)
        tpu.yield
      }) : () -> ()
      %add3A_276 = arith.constant 4 : i32
      %add3A_277 = arith.addi %add3A_272, %add3A_276 : i32
      %lt3A_278 = arith.constant 160 : i32
      %lt3A_279 = arith.cmpi slt, %add3A_277, %lt3A_278 : i32
      %convert_element_type3A_280 = arith.extui %lt3A_279 : i1 to i32
      %cond3A_281 = arith.constant 0 : i32
      %cond3A_282 = arith.cmpi ne, %convert_element_type3A_280, %cond3A_281 : i32
      scf.if %cond3A_282 {
        %dma_wait3A_290 = arith.constant 0 : i32
        %dma_wait3A_291 = tpu.memref_slice %arg3[%dma_wait3A_290] : memref<655360xi32, #tpu.memory_space<hbm>> -> memref<128xi32, #tpu.memory_space<hbm>>
        %dma_wait3A_292 = arith.constant 0 : i32
        %dma_wait3A_293 = tpu.memref_slice %arg3[%dma_wait3A_292] : memref<655360xi32, #tpu.memory_space<hbm>> -> memref<128xi32, #tpu.memory_space<hbm>>
        tpu.wait_dma2 semaphore(%arg36 : memref<!tpu.dma_semaphore, #tpu.memory_space<semaphore_mem>>) src(%dma_wait3A_293 : memref<128xi32, #tpu.memory_space<hbm>>) dst(%arg10 : memref<128xi32, #tpu.memory_space<vmem>>)
        %dma_wait3A_294 = arith.constant 0 : i32
        %dma_wait3A_295 = tpu.memref_slice %arg3[%dma_wait3A_294] : memref<655360xi32, #tpu.memory_space<hbm>> -> memref<128xi32, #tpu.memory_space<hbm>>
        %dma_wait3A_296 = arith.constant 0 : i32
        %dma_wait3A_297 = tpu.memref_slice %arg3[%dma_wait3A_296] : memref<655360xi32, #tpu.memory_space<hbm>> -> memref<128xi32, #tpu.memory_space<hbm>>
        tpu.wait_dma2 semaphore(%arg36 : memref<!tpu.dma_semaphore, #tpu.memory_space<semaphore_mem>>) src(%dma_wait3A_297 : memref<128xi32, #tpu.memory_space<hbm>>) dst(%arg18 : memref<128xi32, #tpu.memory_space<vmem>>)
        %dma_start3A_298 = arith.constant 0 : i32
        %dma_start3A_299 = arith.constant 0 : i32
        %dma_start3A_300 = tpu.memref_slice %arg27[%dma_start3A_298, %dma_start3A_299] : memref<10000x32xf32, #tpu.memory_space<vmem_shared>> -> memref<10000x32xf32, #tpu.memory_space<vmem_shared>>
        tpu.enqueue_indirect_dma source(%dma_start3A_300 : memref<10000x32xf32, #tpu.memory_space<vmem_shared>>) target(%arg26 : memref<128x32xf32, #tpu.memory_space<vmem>>) offsets(%arg10 : memref<128xi32, #tpu.memory_space<vmem>>) semaphore(%arg32 : memref<!tpu.dma_semaphore, #tpu.memory_space<semaphore_mem>>)
      } else {
      }
      %add3A_283 = arith.constant 8 : i32
      %add3A_284 = arith.addi %add3A_272, %add3A_283 : i32
      %lt3A_285 = arith.constant 160 : i32
      %lt3A_286 = arith.cmpi slt, %add3A_284, %lt3A_285 : i32
      %convert_element_type3A_287 = arith.extui %lt3A_286 : i1 to i32
      %cond3A_288 = arith.constant 0 : i32
      %cond3A_289 = arith.cmpi ne, %convert_element_type3A_287, %cond3A_288 : i32
      scf.if %cond3A_289 {
        %add3A_290 = arith.constant 8 : i32
        %add3A_291 = arith.addi %add3A_272, %add3A_290 : i32
        %mul3A_292 = arith.constant 128 : i32
        %mul3A_293 = arith.muli %add3A_291, %mul3A_292 : i32
        %add3A_294 = arith.addi %mul3A_4, %mul3A_293 : i32
        %dma_start3A_295 = tpu.memref_slice %arg3[%add3A_294] : memref<655360xi32, #tpu.memory_space<hbm>> -> memref<128xi32, #tpu.memory_space<hbm>>
        %dma_start3A_296 = tpu.memref_slice %arg3[%add3A_294] : memref<655360xi32, #tpu.memory_space<hbm>> -> memref<128xi32, #tpu.memory_space<hbm>>
        tpu.enqueue_dma source(%dma_start3A_296 : memref<128xi32, #tpu.memory_space<hbm>>) target(%arg14 : memref<128xi32, #tpu.memory_space<vmem>>) target_semaphore(%arg40 : memref<!tpu.dma_semaphore, #tpu.memory_space<semaphore_mem>>)
        %mul3A_297 = arith.constant 128 : i32
        %mul3A_298 = arith.muli %add3A_291, %mul3A_297 : i32
        %add3A_299 = arith.addi %mul3A_4, %mul3A_298 : i32
        %dma_start3A_300 = tpu.memref_slice %arg4[%add3A_299] : memref<655360xi32, #tpu.memory_space<hbm>> -> memref<128xi32, #tpu.memory_space<hbm>>
        %dma_start3A_301 = tpu.memref_slice %arg4[%add3A_299] : memref<655360xi32, #tpu.memory_space<hbm>> -> memref<128xi32, #tpu.memory_space<hbm>>
        tpu.enqueue_dma source(%dma_start3A_301 : memref<128xi32, #tpu.memory_space<hbm>>) target(%arg22 : memref<128xi32, #tpu.memory_space<vmem>>) target_semaphore(%arg40 : memref<!tpu.dma_semaphore, #tpu.memory_space<semaphore_mem>>)
      } else {
      }
    }
    %scan3A_119 = arith.constant 20 : i32
    %barrier3A_120 = arith.constant 0 : index
    tpu.barrier barrier_id(%barrier3A_120)
    %mul3A_121 = arith.constant 21120 : i32
    %mul3A_122 = arith.muli %arg0, %mul3A_121 : i32
    %add3A_123 = arith.addi %mul3A_122, %mul3A_2 : i32
    "tpu.region"() ({
      %run_scoped3A = tpu.sem_alloc : memref<!tpu.dma_semaphore, #tpu.memory_space<semaphore_mem>>
      %dma_start3A_124 = arith.constant 0 : i32
      %dma_start3A_125 = tpu.memref_slice %arg6[%add3A_123, %dma_start3A_124] : memref<42240x32xf32, #tpu.memory_space<hbm>> -> memref<1320x32xf32, #tpu.memory_space<hbm>>
      %dma_start3A_126 = arith.constant 0 : i32
      %dma_start3A_127 = tpu.memref_slice %arg28[%mul3A_2, %dma_start3A_126] : memref<21120x32xf32, #tpu.memory_space<vmem_shared>> -> memref<1320x32xf32, #tpu.memory_space<vmem_shared>>
      tpu.enqueue_dma source(%dma_start3A_127 : memref<1320x32xf32, #tpu.memory_space<vmem_shared>>) target(%dma_start3A_125 : memref<1320x32xf32, #tpu.memory_space<hbm>>) target_semaphore(%run_scoped3A : memref<!tpu.dma_semaphore, #tpu.memory_space<semaphore_mem>>)
      %dma_wait3A_128 = arith.constant 0 : i32
      %dma_wait3A_129 = tpu.memref_slice %arg6[%add3A_123, %dma_wait3A_128] : memref<42240x32xf32, #tpu.memory_space<hbm>> -> memref<1320x32xf32, #tpu.memory_space<hbm>>
      %dma_wait3A_130 = arith.constant 0 : i32
      %dma_wait3A_131 = tpu.memref_slice %arg28[%mul3A_2, %dma_wait3A_130] : memref<21120x32xf32, #tpu.memory_space<vmem_shared>> -> memref<1320x32xf32, #tpu.memory_space<vmem_shared>>
      tpu.wait_dma2 semaphore(%run_scoped3A : memref<!tpu.dma_semaphore, #tpu.memory_space<semaphore_mem>>) src(%dma_wait3A_131 : memref<1320x32xf32, #tpu.memory_space<vmem_shared>>) dst(%dma_wait3A_129 : memref<1320x32xf32, #tpu.memory_space<hbm>>)
      tpu.yield
    }) : () -> ()
    return
  }
}

module attributes {stable_mosaic.version = 14 : i64} {
  func.func @_prep1_body(%arg0: memref<10000x128xf32, #tpu.memory_space<vmem>>, %arg1: memref<128x64xf32, #tpu.memory_space<vmem>>, %arg2: memref<1x64xf32, #tpu.memory_space<vmem>>, %arg3: memref<10000x80xf32, #tpu.memory_space<vmem>>) attributes {dimension_semantics = [], scalar_prefetch = 0 : i64, scratch_operands = 0 : i64, tpu.core_type = #tpu.core_type<tc>} {
    %get3A = arith.constant 0 : index
    %get3A_0 = arith.constant 0 : index
    %get3A_1 = vector.load %arg0[%get3A, %get3A_0] : memref<10000x128xf32, #tpu.memory_space<vmem>>, vector<10000x128xf32>
    %get3A_2 = arith.constant 0 : index
    %get3A_3 = arith.constant 0 : index
    %get3A_4 = vector.load %arg1[%get3A_2, %get3A_3] : memref<128x64xf32, #tpu.memory_space<vmem>>, vector<128x64xf32>
    %dot_general3A = arith.constant dense<0.000000e+00> : vector<10000x64xf32>
    %dot_general3A_5 = tpu.matmul %get3A_1, %get3A_4, %dot_general3A {dimension_numbers = #tpu.dot_dimension_numbers<[1], [0], [0], [1], [0, 0, 1, 1], [], []>, transpose_lhs_hint = false} : vector<10000x128xf32>, vector<128x64xf32>, vector<10000x64xf32> -> vector<10000x64xf32>
    %get3A_6 = arith.constant 0 : index
    %get3A_7 = arith.constant 0 : index
    %get3A_8 = vector.load %arg2[%get3A_6, %get3A_7] : memref<1x64xf32, #tpu.memory_space<vmem>>, vector<1x64xf32>
    %mul3A = vector.broadcast %get3A_8 : vector<1x64xf32> to vector<10000x64xf32>
    %mul3A_9 = arith.mulf %dot_general3A_5, %mul3A : vector<10000x64xf32>
    %iota3A = tpu.iota {dimensions = array<i32: 0>} : vector<64x8xi32>
    %iota3A_10 = tpu.iota {dimensions = array<i32: 1>} : vector<64x8xi32>
    %jit3A = arith.constant 8 : i32
    %div3A = vector.broadcast %jit3A : i32 to vector<64x8xi32>
    %div3A_11 = arith.divsi %iota3A, %div3A : vector<64x8xi32>
    %sign3A = arith.constant 0 : i32
    %sign3A_12 = vector.broadcast %sign3A : i32 to vector<64x8xi32>
    %sign3A_13 = arith.cmpi sgt, %iota3A, %sign3A_12 : vector<64x8xi32>
    %sign3A_14 = arith.extui %sign3A_13 : vector<64x8xi1> to vector<64x8xi32>
    %sign3A_15 = arith.constant 0 : i32
    %sign3A_16 = vector.broadcast %sign3A_15 : i32 to vector<64x8xi32>
    %sign3A_17 = arith.cmpi slt, %iota3A, %sign3A_16 : vector<64x8xi32>
    %sign3A_18 = arith.extui %sign3A_17 : vector<64x8xi1> to vector<64x8xi32>
    %sign3A_19 = arith.subi %sign3A_14, %sign3A_18 : vector<64x8xi32>
    %sign3A_20 = arith.constant 0 : i32
    %sign3A_21 = arith.cmpi sgt, %jit3A, %sign3A_20 : i32
    %sign3A_22 = arith.extui %sign3A_21 : i1 to i32
    %sign3A_23 = arith.constant 0 : i32
    %sign3A_24 = arith.cmpi slt, %jit3A, %sign3A_23 : i32
    %sign3A_25 = arith.extui %sign3A_24 : i1 to i32
    %sign3A_26 = arith.subi %sign3A_22, %sign3A_25 : i32
    %ne3A = vector.broadcast %sign3A_26 : i32 to vector<64x8xi32>
    %ne3A_27 = arith.cmpi ne, %sign3A_19, %ne3A : vector<64x8xi32>
    %rem3A = vector.broadcast %jit3A : i32 to vector<64x8xi32>
    %rem3A_28 = arith.remsi %iota3A, %rem3A : vector<64x8xi32>
    %ne3A_29 = arith.constant 0 : i32
    %ne3A_30 = vector.broadcast %ne3A_29 : i32 to vector<64x8xi32>
    %ne3A_31 = arith.cmpi ne, %rem3A_28, %ne3A_30 : vector<64x8xi32>
    %and3A = arith.andi %ne3A_27, %ne3A_31 : vector<64x8xi1>
    %sub3A = arith.constant 1 : i32
    %sub3A_32 = vector.broadcast %sub3A : i32 to vector<64x8xi32>
    %sub3A_33 = arith.subi %div3A_11, %sub3A_32 : vector<64x8xi32>
    %select_n3A = arith.select %and3A, %sub3A_33, %div3A_11 : vector<64x8xi1>, vector<64x8xi32>
    %eq3A = arith.cmpi eq, %select_n3A, %iota3A_10 : vector<64x8xi32>
    %convert_element_type3A = arith.extui %eq3A : vector<64x8xi1> to vector<64x8xi32>
    %convert_element_type3A_34 = arith.sitofp %convert_element_type3A : vector<64x8xi32> to vector<64x8xf32>
    %dot_general3A_35 = arith.constant dense<0.000000e+00> : vector<10000x8xf32>
    %dot_general3A_36 = tpu.matmul %mul3A_9, %convert_element_type3A_34, %dot_general3A_35 {dimension_numbers = #tpu.dot_dimension_numbers<[1], [0], [0], [1], [0, 0, 1, 1], [], []>, transpose_lhs_hint = false} : vector<10000x64xf32>, vector<64x8xf32>, vector<10000x8xf32> -> vector<10000x8xf32>
    %exp3A = math.exp %dot_general3A_36 : vector<10000x8xf32>
    %transpose3A = tpu.transpose %convert_element_type3A_34, [1, 0] : vector<64x8xf32> -> vector<8x64xf32>
    %dot_general3A_37 = arith.constant dense<0.000000e+00> : vector<10000x64xf32>
    %dot_general3A_38 = tpu.matmul %exp3A, %transpose3A, %dot_general3A_37 {dimension_numbers = #tpu.dot_dimension_numbers<[1], [0], [0], [1], [0, 0, 1, 1], [], []>, transpose_lhs_hint = false} : vector<10000x8xf32>, vector<8x64xf32>, vector<10000x64xf32> -> vector<10000x64xf32>
    %mul3A_39 = arith.mulf %dot_general3A_5, %dot_general3A_38 : vector<10000x64xf32>
    %broadcast_in_dim3A = arith.constant 0.000000e+00 : f32
    %broadcast_in_dim3A_40 = vector.broadcast %broadcast_in_dim3A : f32 to vector<10000x8xf32>
    %concatenate3A = tpu.concatenate %mul3A_39, %exp3A, %broadcast_in_dim3A_40 in 1 : vector<10000x64xf32>, vector<10000x8xf32>, vector<10000x8xf32> -> vector<10000x80xf32>
    %swap3A = arith.constant 0 : index
    %swap3A_41 = arith.constant 0 : index
    %swap3A_42 = vector.load %arg3[%swap3A, %swap3A_41] : memref<10000x80xf32, #tpu.memory_space<vmem>>, vector<10000x80xf32>
    tpu.vector_store %arg3[%swap3A, %swap3A_41], %concatenate3A {strides = array<i32>} : memref<10000x80xf32, #tpu.memory_space<vmem>>, vector<10000x80xf32>,
    return
  }
}

module attributes {stable_mosaic.version = 14 : i64} {
  func.func @_fin1_prep2_body(%arg0: memref<42240x80xf32, #tpu.memory_space<vmem>>, %arg1: memref<1x64xf32, #tpu.memory_space<vmem>>, %arg2: memref<64x16xf32, #tpu.memory_space<vmem>>, %arg3: memref<1x16xf32, #tpu.memory_space<vmem>>, %arg4: memref<10000x32xf32, #tpu.memory_space<vmem>>) attributes {dimension_semantics = [], scalar_prefetch = 0 : i64, scratch_operands = 0 : i64, tpu.core_type = #tpu.core_type<tc>} {
    %get3A = arith.constant 0 : index
    %get3A_0 = arith.constant 0 : index
    %get3A_1 = vector.load %arg0[%get3A, %get3A_0] : memref<42240x80xf32, #tpu.memory_space<vmem>>, vector<10000x80xf32>
    %get3A_2 = arith.constant 21120 : index
    %get3A_3 = arith.constant 0 : index
    %get3A_4 = vector.load %arg0[%get3A_2, %get3A_3] : memref<42240x80xf32, #tpu.memory_space<vmem>>, vector<10000x80xf32>
    %add3A = arith.addf %get3A_1, %get3A_4 : vector<10000x80xf32>
    %get3A_5 = arith.constant 10000 : index
    %get3A_6 = arith.constant 0 : index
    %get3A_7 = vector.load %arg0[%get3A_5, %get3A_6] : memref<42240x80xf32, #tpu.memory_space<vmem>>, vector<10000x80xf32>
    %get3A_8 = arith.constant 31120 : index
    %get3A_9 = arith.constant 0 : index
    %get3A_10 = vector.load %arg0[%get3A_8, %get3A_9] : memref<42240x80xf32, #tpu.memory_space<vmem>>, vector<10000x80xf32>
    %add3A_11 = arith.addf %get3A_7, %get3A_10 : vector<10000x80xf32>
    %iota3A = tpu.iota {dimensions = array<i32: 0>} : vector<80x64xi32>
    %iota3A_12 = tpu.iota {dimensions = array<i32: 1>} : vector<80x64xi32>
    %eq3A = arith.cmpi eq, %iota3A, %iota3A_12 : vector<80x64xi32>
    %convert_element_type3A = arith.extui %eq3A : vector<80x64xi1> to vector<80x64xi32>
    %convert_element_type3A_13 = arith.sitofp %convert_element_type3A : vector<80x64xi32> to vector<80x64xf32>
    %iota3A_14 = tpu.iota {dimensions = array<i32: 0>} : vector<80x64xi32>
    %iota3A_15 = tpu.iota {dimensions = array<i32: 1>} : vector<80x64xi32>
    %jit3A = arith.constant 8 : i32
    %div3A = vector.broadcast %jit3A : i32 to vector<80x64xi32>
    %div3A_16 = arith.divsi %iota3A_15, %div3A : vector<80x64xi32>
    %sign3A = arith.constant 0 : i32
    %sign3A_17 = vector.broadcast %sign3A : i32 to vector<80x64xi32>
    %sign3A_18 = arith.cmpi sgt, %iota3A_15, %sign3A_17 : vector<80x64xi32>
    %sign3A_19 = arith.extui %sign3A_18 : vector<80x64xi1> to vector<80x64xi32>
    %sign3A_20 = arith.constant 0 : i32
    %sign3A_21 = vector.broadcast %sign3A_20 : i32 to vector<80x64xi32>
    %sign3A_22 = arith.cmpi slt, %iota3A_15, %sign3A_21 : vector<80x64xi32>
    %sign3A_23 = arith.extui %sign3A_22 : vector<80x64xi1> to vector<80x64xi32>
    %sign3A_24 = arith.subi %sign3A_19, %sign3A_23 : vector<80x64xi32>
    %sign3A_25 = arith.constant 0 : i32
    %sign3A_26 = arith.cmpi sgt, %jit3A, %sign3A_25 : i32
    %sign3A_27 = arith.extui %sign3A_26 : i1 to i32
    %sign3A_28 = arith.constant 0 : i32
    %sign3A_29 = arith.cmpi slt, %jit3A, %sign3A_28 : i32
    %sign3A_30 = arith.extui %sign3A_29 : i1 to i32
    %sign3A_31 = arith.subi %sign3A_27, %sign3A_30 : i32
    %ne3A = vector.broadcast %sign3A_31 : i32 to vector<80x64xi32>
    %ne3A_32 = arith.cmpi ne, %sign3A_24, %ne3A : vector<80x64xi32>
    %rem3A = vector.broadcast %jit3A : i32 to vector<80x64xi32>
    %rem3A_33 = arith.remsi %iota3A_15, %rem3A : vector<80x64xi32>
    %ne3A_34 = arith.constant 0 : i32
    %ne3A_35 = vector.broadcast %ne3A_34 : i32 to vector<80x64xi32>
    %ne3A_36 = arith.cmpi ne, %rem3A_33, %ne3A_35 : vector<80x64xi32>
    %and3A = arith.andi %ne3A_32, %ne3A_36 : vector<80x64xi1>
    %sub3A = arith.constant 1 : i32
    %sub3A_37 = vector.broadcast %sub3A : i32 to vector<80x64xi32>
    %sub3A_38 = arith.subi %div3A_16, %sub3A_37 : vector<80x64xi32>
    %select_n3A = arith.select %and3A, %sub3A_38, %div3A_16 : vector<80x64xi1>, vector<80x64xi32>
    %add3A_39 = arith.constant 64 : i32
    %add3A_40 = vector.broadcast %add3A_39 : i32 to vector<80x64xi32>
    %add3A_41 = arith.addi %add3A_40, %select_n3A : vector<80x64xi32>
    %eq3A_42 = arith.cmpi eq, %iota3A_14, %add3A_41 : vector<80x64xi32>
    %convert_element_type3A_43 = arith.extui %eq3A_42 : vector<80x64xi1> to vector<80x64xi32>
    %convert_element_type3A_44 = arith.sitofp %convert_element_type3A_43 : vector<80x64xi32> to vector<80x64xf32>
    %dot_general3A = arith.constant dense<0.000000e+00> : vector<10000x64xf32>
    %dot_general3A_45 = tpu.matmul %add3A, %convert_element_type3A_13, %dot_general3A {dimension_numbers = #tpu.dot_dimension_numbers<[1], [0], [0], [1], [0, 0, 1, 1], [], []>, transpose_lhs_hint = false} : vector<10000x80xf32>, vector<80x64xf32>, vector<10000x64xf32> -> vector<10000x64xf32>
    %dot_general3A_46 = arith.constant dense<0.000000e+00> : vector<10000x64xf32>
    %dot_general3A_47 = tpu.matmul %add3A, %convert_element_type3A_44, %dot_general3A_46 {dimension_numbers = #tpu.dot_dimension_numbers<[1], [0], [0], [1], [0, 0, 1, 1], [], []>, transpose_lhs_hint = false} : vector<10000x80xf32>, vector<80x64xf32>, vector<10000x64xf32> -> vector<10000x64xf32>
    %max3A = arith.constant 1.000000e-30 : f32
    %max3A_48 = vector.broadcast %max3A : f32 to vector<10000x64xf32>
    %max3A_49 = arith.maximumf %dot_general3A_47, %max3A_48 : vector<10000x64xf32>
    %div3A_50 = arith.divf %dot_general3A_45, %max3A_49 : vector<10000x64xf32>
    %dot_general3A_51 = arith.constant dense<0.000000e+00> : vector<10000x64xf32>
    %dot_general3A_52 = tpu.matmul %add3A_11, %convert_element_type3A_13, %dot_general3A_51 {dimension_numbers = #tpu.dot_dimension_numbers<[1], [0], [0], [1], [0, 0, 1, 1], [], []>, transpose_lhs_hint = false} : vector<10000x80xf32>, vector<80x64xf32>, vector<10000x64xf32> -> vector<10000x64xf32>
    %dot_general3A_53 = arith.constant dense<0.000000e+00> : vector<10000x64xf32>
    %dot_general3A_54 = tpu.matmul %add3A_11, %convert_element_type3A_44, %dot_general3A_53 {dimension_numbers = #tpu.dot_dimension_numbers<[1], [0], [0], [1], [0, 0, 1, 1], [], []>, transpose_lhs_hint = false} : vector<10000x80xf32>, vector<80x64xf32>, vector<10000x64xf32> -> vector<10000x64xf32>
    %max3A_55 = arith.constant 1.000000e-30 : f32
    %max3A_56 = vector.broadcast %max3A_55 : f32 to vector<10000x64xf32>
    %max3A_57 = arith.maximumf %dot_general3A_54, %max3A_56 : vector<10000x64xf32>
    %div3A_58 = arith.divf %dot_general3A_52, %max3A_57 : vector<10000x64xf32>
    %add3A_59 = arith.addf %div3A_50, %div3A_58 : vector<10000x64xf32>
    %get3A_60 = arith.constant 0 : index
    %get3A_61 = arith.constant 0 : index
    %get3A_62 = vector.load %arg1[%get3A_60, %get3A_61] : memref<1x64xf32, #tpu.memory_space<vmem>>, vector<1x64xf32>
    %mul3A = arith.constant 2.000000e+00 : f32
    %mul3A_63 = vector.broadcast %mul3A : f32 to vector<1x64xf32>
    %mul3A_64 = arith.mulf %mul3A_63, %get3A_62 : vector<1x64xf32>
    %add3A_65 = vector.broadcast %mul3A_64 : vector<1x64xf32> to vector<10000x64xf32>
    %add3A_66 = arith.addf %add3A_59, %add3A_65 : vector<10000x64xf32>
    %get3A_67 = arith.constant 0 : index
    %get3A_68 = arith.constant 0 : index
    %get3A_69 = vector.load %arg2[%get3A_67, %get3A_68] : memref<64x16xf32, #tpu.memory_space<vmem>>, vector<64x16xf32>
    %dot_general3A_70 = arith.constant dense<0.000000e+00> : vector<10000x16xf32>
    %dot_general3A_71 = tpu.matmul %add3A_66, %get3A_69, %dot_general3A_70 {dimension_numbers = #tpu.dot_dimension_numbers<[1], [0], [0], [1], [0, 0, 1, 1], [], []>, transpose_lhs_hint = false} : vector<10000x64xf32>, vector<64x16xf32>, vector<10000x16xf32> -> vector<10000x16xf32>
    %get3A_72 = arith.constant 0 : index
    %get3A_73 = arith.constant 0 : index
    %get3A_74 = vector.load %arg3[%get3A_72, %get3A_73] : memref<1x16xf32, #tpu.memory_space<vmem>>, vector<1x16xf32>
    %mul3A_75 = vector.broadcast %get3A_74 : vector<1x16xf32> to vector<10000x16xf32>
    %mul3A_76 = arith.mulf %dot_general3A_71, %mul3A_75 : vector<10000x16xf32>
    %broadcast_in_dim3A = arith.constant 1.000000e+00 : f32
    %broadcast_in_dim3A_77 = vector.broadcast %broadcast_in_dim3A : f32 to vector<16x1xf32>
    %dot_general3A_78 = arith.constant dense<0.000000e+00> : vector<10000x1xf32>
    %dot_general3A_79 = tpu.matmul %mul3A_76, %broadcast_in_dim3A_77, %dot_general3A_78 {dimension_numbers = #tpu.dot_dimension_numbers<[1], [0], [0], [1], [0, 0, 1, 1], [], []>, transpose_lhs_hint = false} : vector<10000x16xf32>, vector<16x1xf32>, vector<10000x1xf32> -> vector<10000x1xf32>
    %exp3A = math.exp %dot_general3A_79 : vector<10000x1xf32>
    %mul3A_80 = vector.broadcast %exp3A : vector<10000x1xf32> to vector<10000x16xf32>
    %mul3A_81 = arith.mulf %dot_general3A_71, %mul3A_80 : vector<10000x16xf32>
    %broadcast_in_dim3A_82 = arith.constant 0.000000e+00 : f32
    %broadcast_in_dim3A_83 = vector.broadcast %broadcast_in_dim3A_82 : f32 to vector<10000x15xf32>
    %concatenate3A = tpu.concatenate %mul3A_81, %exp3A, %broadcast_in_dim3A_83 in 1 : vector<10000x16xf32>, vector<10000x1xf32>, vector<10000x15xf32> -> vector<10000x32xf32>
    %swap3A = arith.constant 0 : index
    %swap3A_84 = arith.constant 0 : index
    %swap3A_85 = vector.load %arg4[%swap3A, %swap3A_84] : memref<10000x32xf32, #tpu.memory_space<vmem>>, vector<10000x32xf32>
    tpu.vector_store %arg4[%swap3A, %swap3A_84], %concatenate3A {strides = array<i32>} : memref<10000x32xf32, #tpu.memory_space<vmem>>, vector<10000x32xf32>,
    return
  }
}

module attributes {stable_mosaic.version = 14 : i64} {
  func.func @_fin2_body(%arg0: memref<42240x32xf32, #tpu.memory_space<vmem>>, %arg1: memref<1x16xf32, #tpu.memory_space<vmem>>, %arg2: memref<10000x16xf32, #tpu.memory_space<vmem>>) attributes {dimension_semantics = [], scalar_prefetch = 0 : i64, scratch_operands = 0 : i64, tpu.core_type = #tpu.core_type<tc>} {
    %get3A = arith.constant 0 : index
    %get3A_0 = arith.constant 0 : index
    %get3A_1 = vector.load %arg0[%get3A, %get3A_0] : memref<42240x32xf32, #tpu.memory_space<vmem>>, vector<10000x32xf32>
    %get3A_2 = arith.constant 21120 : index
    %get3A_3 = arith.constant 0 : index
    %get3A_4 = vector.load %arg0[%get3A_2, %get3A_3] : memref<42240x32xf32, #tpu.memory_space<vmem>>, vector<10000x32xf32>
    %add3A = arith.addf %get3A_1, %get3A_4 : vector<10000x32xf32>
    %get3A_5 = arith.constant 10000 : index
    %get3A_6 = arith.constant 0 : index
    %get3A_7 = vector.load %arg0[%get3A_5, %get3A_6] : memref<42240x32xf32, #tpu.memory_space<vmem>>, vector<10000x32xf32>
    %get3A_8 = arith.constant 31120 : index
    %get3A_9 = arith.constant 0 : index
    %get3A_10 = vector.load %arg0[%get3A_8, %get3A_9] : memref<42240x32xf32, #tpu.memory_space<vmem>>, vector<10000x32xf32>
    %add3A_11 = arith.addf %get3A_7, %get3A_10 : vector<10000x32xf32>
    %iota3A = tpu.iota {dimensions = array<i32: 0>} : vector<32x16xi32>
    %iota3A_12 = tpu.iota {dimensions = array<i32: 1>} : vector<32x16xi32>
    %eq3A = arith.cmpi eq, %iota3A, %iota3A_12 : vector<32x16xi32>
    %convert_element_type3A = arith.extui %eq3A : vector<32x16xi1> to vector<32x16xi32>
    %convert_element_type3A_13 = arith.sitofp %convert_element_type3A : vector<32x16xi32> to vector<32x16xf32>
    %iota3A_14 = tpu.iota {dimensions = array<i32: 0>} : vector<32x16xi32>
    %iota3A_15 = tpu.iota {dimensions = array<i32: 1>} : vector<32x16xi32>
    %jit3A = arith.constant 16 : i32
    %div3A = vector.broadcast %jit3A : i32 to vector<32x16xi32>
    %div3A_16 = arith.divsi %iota3A_15, %div3A : vector<32x16xi32>
    %sign3A = arith.constant 0 : i32
    %sign3A_17 = vector.broadcast %sign3A : i32 to vector<32x16xi32>
    %sign3A_18 = arith.cmpi sgt, %iota3A_15, %sign3A_17 : vector<32x16xi32>
    %sign3A_19 = arith.extui %sign3A_18 : vector<32x16xi1> to vector<32x16xi32>
    %sign3A_20 = arith.constant 0 : i32
    %sign3A_21 = vector.broadcast %sign3A_20 : i32 to vector<32x16xi32>
    %sign3A_22 = arith.cmpi slt, %iota3A_15, %sign3A_21 : vector<32x16xi32>
    %sign3A_23 = arith.extui %sign3A_22 : vector<32x16xi1> to vector<32x16xi32>
    %sign3A_24 = arith.subi %sign3A_19, %sign3A_23 : vector<32x16xi32>
    %sign3A_25 = arith.constant 0 : i32
    %sign3A_26 = arith.cmpi sgt, %jit3A, %sign3A_25 : i32
    %sign3A_27 = arith.extui %sign3A_26 : i1 to i32
    %sign3A_28 = arith.constant 0 : i32
    %sign3A_29 = arith.cmpi slt, %jit3A, %sign3A_28 : i32
    %sign3A_30 = arith.extui %sign3A_29 : i1 to i32
    %sign3A_31 = arith.subi %sign3A_27, %sign3A_30 : i32
    %ne3A = vector.broadcast %sign3A_31 : i32 to vector<32x16xi32>
    %ne3A_32 = arith.cmpi ne, %sign3A_24, %ne3A : vector<32x16xi32>
    %rem3A = vector.broadcast %jit3A : i32 to vector<32x16xi32>
    %rem3A_33 = arith.remsi %iota3A_15, %rem3A : vector<32x16xi32>
    %ne3A_34 = arith.constant 0 : i32
    %ne3A_35 = vector.broadcast %ne3A_34 : i32 to vector<32x16xi32>
    %ne3A_36 = arith.cmpi ne, %rem3A_33, %ne3A_35 : vector<32x16xi32>
    %and3A = arith.andi %ne3A_32, %ne3A_36 : vector<32x16xi1>
    %sub3A = arith.constant 1 : i32
    %sub3A_37 = vector.broadcast %sub3A : i32 to vector<32x16xi32>
    %sub3A_38 = arith.subi %div3A_16, %sub3A_37 : vector<32x16xi32>
    %select_n3A = arith.select %and3A, %sub3A_38, %div3A_16 : vector<32x16xi1>, vector<32x16xi32>
    %add3A_39 = arith.constant 16 : i32
    %add3A_40 = vector.broadcast %add3A_39 : i32 to vector<32x16xi32>
    %add3A_41 = arith.addi %add3A_40, %select_n3A : vector<32x16xi32>
    %eq3A_42 = arith.cmpi eq, %iota3A_14, %add3A_41 : vector<32x16xi32>
    %convert_element_type3A_43 = arith.extui %eq3A_42 : vector<32x16xi1> to vector<32x16xi32>
    %convert_element_type3A_44 = arith.sitofp %convert_element_type3A_43 : vector<32x16xi32> to vector<32x16xf32>
    %dot_general3A = arith.constant dense<0.000000e+00> : vector<10000x16xf32>
    %dot_general3A_45 = tpu.matmul %add3A, %convert_element_type3A_13, %dot_general3A {dimension_numbers = #tpu.dot_dimension_numbers<[1], [0], [0], [1], [0, 0, 1, 1], [], []>, transpose_lhs_hint = false} : vector<10000x32xf32>, vector<32x16xf32>, vector<10000x16xf32> -> vector<10000x16xf32>
    %dot_general3A_46 = arith.constant dense<0.000000e+00> : vector<10000x16xf32>
    %dot_general3A_47 = tpu.matmul %add3A, %convert_element_type3A_44, %dot_general3A_46 {dimension_numbers = #tpu.dot_dimension_numbers<[1], [0], [0], [1], [0, 0, 1, 1], [], []>, transpose_lhs_hint = false} : vector<10000x32xf32>, vector<32x16xf32>, vector<10000x16xf32> -> vector<10000x16xf32>
    %max3A = arith.constant 1.000000e-30 : f32
    %max3A_48 = vector.broadcast %max3A : f32 to vector<10000x16xf32>
    %max3A_49 = arith.maximumf %dot_general3A_47, %max3A_48 : vector<10000x16xf32>
    %div3A_50 = arith.divf %dot_general3A_45, %max3A_49 : vector<10000x16xf32>
    %dot_general3A_51 = arith.constant dense<0.000000e+00> : vector<10000x16xf32>
    %dot_general3A_52 = tpu.matmul %add3A_11, %convert_element_type3A_13, %dot_general3A_51 {dimension_numbers = #tpu.dot_dimension_numbers<[1], [0], [0], [1], [0, 0, 1, 1], [], []>, transpose_lhs_hint = false} : vector<10000x32xf32>, vector<32x16xf32>, vector<10000x16xf32> -> vector<10000x16xf32>
    %dot_general3A_53 = arith.constant dense<0.000000e+00> : vector<10000x16xf32>
    %dot_general3A_54 = tpu.matmul %add3A_11, %convert_element_type3A_44, %dot_general3A_53 {dimension_numbers = #tpu.dot_dimension_numbers<[1], [0], [0], [1], [0, 0, 1, 1], [], []>, transpose_lhs_hint = false} : vector<10000x32xf32>, vector<32x16xf32>, vector<10000x16xf32> -> vector<10000x16xf32>
    %max3A_55 = arith.constant 1.000000e-30 : f32
    %max3A_56 = vector.broadcast %max3A_55 : f32 to vector<10000x16xf32>
    %max3A_57 = arith.maximumf %dot_general3A_54, %max3A_56 : vector<10000x16xf32>
    %div3A_58 = arith.divf %dot_general3A_52, %max3A_57 : vector<10000x16xf32>
    %add3A_59 = arith.addf %div3A_50, %div3A_58 : vector<10000x16xf32>
    %get3A_60 = arith.constant 0 : index
    %get3A_61 = arith.constant 0 : index
    %get3A_62 = vector.load %arg1[%get3A_60, %get3A_61] : memref<1x16xf32, #tpu.memory_space<vmem>>, vector<1x16xf32>
    %mul3A = arith.constant 2.000000e+00 : f32
    %mul3A_63 = vector.broadcast %mul3A : f32 to vector<1x16xf32>
    %mul3A_64 = arith.mulf %mul3A_63, %get3A_62 : vector<1x16xf32>
    %add3A_65 = vector.broadcast %mul3A_64 : vector<1x16xf32> to vector<10000x16xf32>
    %add3A_66 = arith.addf %add3A_59, %add3A_65 : vector<10000x16xf32>
    %swap3A = arith.constant 0 : index
    %swap3A_67 = arith.constant 0 : index
    %swap3A_68 = vector.load %arg2[%swap3A, %swap3A_67] : memref<10000x16xf32, #tpu.memory_space<vmem>>, vector<10000x16xf32>
    tpu.vector_store %arg2[%swap3A, %swap3A_67], %add3A_66 {strides = array<i32>} : memref<10000x16xf32, #tpu.memory_space<vmem>>, vector<10000x16xf32>,
    return
  }
}

</mosaic_0001>

<sc_bundles>
// kernel: kernel.10.cloned.1.call-start
scs
__scs_entry_jumppad:
0x0: {  	(pc) =	sbr.rel $0x88, $3  }
0x1: {  	(tag) =	ssettag $0x0;
	lr =	simm.s32 $0x1  }
0x2: {  	[smem:$0x3F98] =	sst lr;
	_ =	strace $0xD0000000  }
0x3: {  	_ = 	snop  }
0x4: {  	_ = 	snop  }
0x5: {  	_ = 	snop  }
0x6: {  	_ = 	snop  }
0x7: {  	_ = 	snop  }
__scs_overlays_trampoline_lowered:
0x8: {  	[smem:$0x3FA7] =	sst s0  }
0x9: {  	[smem:$0x3FA8] =	sst s1  }
0xa: {  	[smem:$0x3FA9] =	sst s2  }
0xb: {  	[smem:$0x3FAA] =	sst s3  }
0xc: {  	[smem:$0x3FAB] =	sst s4  }
0xd: {  	[smem:$0x3FAC] =	sst s5  }
0xe: {  	[smem:$0x3FAD] =	sst s6  }
0xf: {  	[smem:$0x3FAE] =	sst s7  }
0x10: {  	[smem:$0x3FAF] =	sst s8  }
0x11: {  	[smem:$0x3FB0] =	sst s9;
	s0 =	simm.s32 @!p0 $0x0  }
0x12: {  	s1 =	sld [smem:$0x3F96];
	s0 =	simm.s32 @p0 $0x1  }
0x13: {  	[smem:$0x3FB1] =	sst s0;
	s0 =	simm.s32 @!p1 $0x0  }
0x14: {  	s2 =	sld [smem:$0x3F95];
	s0 =	simm.s32 @p1 $0x1  }
0x15: {  	[smem:$0x3FB2] =	sst s0;
	s0 =	simm.s32 @!p2 $0x0  }
0x16: {  	s3 =	sld [smem:$0x3FDB];
	s0 =	simm.s32 @p2 $0x1  }
0x17: {  	s4 =	simm.s32 $0x1BF5;
	[smem:$0x3FB4] =	sst s0  }
0x18: {  	s0 =	sld [smem:$0x3F97];
	_ =	swait.ge [sflag:s4], $0x0  }
0x19: {  	s7 =	sld [smem:$0x3F98]  }
0x1a: {  	s8 =	sadd.s32 $0xFFFFE003, lr  }
0x1b: {  	s9 =	sadd.s32 $0xFFFFFEF7, lr;
	s5 =	simm.s32 $0xFFFFFFFF;
	p2 =	slt.u32 s8, $0xFFFFF086  }
0x1c: {  	p1 =	slt.u32 s9, $0xF7A;
	s5 =	simm.s32 @!p2 $0x0  }
0x1d: {  	s5 =	simm.s32 @p1 $0x1;
	p0 =	seq.s32 s7, s2  }
0x1e: {  	s7 =	smul.u32 @!p0 $0xF7A, s2;
	p2 =	seq.s32 @!p0 s5, $0x0  }
0x1f: {  	s9 =	smul.u32 $0xF7A, s1;
	s8 =	simm.s32 @!p0 $0x1BF5;
	p2 =	por !p2, p0  }
0x20: {  	[sflag:s8] =	ssyncset.s32 @!p0 $0xFFFFF086;
	s6 =	sadd.s32 @!p0 s3, s7;
	s7 =	simm.s32 @!p0 $0x108  }
0x21: {  	s3 =	sadd.s32 s3, s9;
	s6 =	sadd.s32 @!p0 $0x88, s6;
	s7 =	simm.s32 @p2 $0x1082  }
0x22: {  	[simem:s7], [sflag:s8] =	dma.local @!p0 [hbm:s6], $0xF7A  }
0x23: {  	s9 =	sor.u32 $0xD0000000, s2;
	s6 =	simm.s32 $0x108;
	_ =	swait.ge @!p0 [sflag:s8], $0x0  }
0x24: {  	s3 =	sadd.s32 $0x88, s3;
	s6 =	simm.s32 @!p1 $0x1082;
	[sflag:s4] =	ssyncset.s32 $0xFFFFF086  }
0x25: {  	[simem:s6], [sflag:s4] =	dma.local [hbm:s3], $0xF7A  }
0x26: {  	[smem:$0x3F98] =	sst s1;
	(tag) =	ssettag s2;
	_ =	strace s9  }
0x27: {  	s1 =	sld [smem:$0x3FA8]  }
0x28: {  	s2 =	sld [smem:$0x3FA9]  }
0x29: {  	s4 =	sld [smem:$0x3FAB]  }
0x2a: {  	p0 =	seq.s32 s5, $0x0;
	s5 =	sld [smem:$0x3FAC]  }
0x2b: {  	s6 =	sld [smem:$0x3FAD]  }
0x2c: {  	s7 =	sld [smem:$0x3FAE]  }
0x2d: {  	s3 =	simm.s32 $0x108;
	s8 =	sld [smem:$0x3FAF]  }
0x2e: {  	s3 =	simm.s32 @!p0 $0x1082;
	s9 =	sld [smem:$0x3FB0]  }
0x2f: {  	lr =	sadd.s32 s0, s3;
	s0 =	sld [smem:$0x3FA7]  }
0x30: {  	s3 =	sld [smem:$0x3FAA]  }
0x31: {  	[smem:$0x3FB3] =	sst s10  }
0x32: {  	s10 =	sld [smem:$0x3FB1];
	_ =	sdelay $0x3  }
0x33: {  	p0 =	seq.s32 s10, $0x1;
	s10 =	sld [smem:$0x3FB3];
	_ =	sdelay $0x3  }
0x34: {  	[smem:$0x3FB3] =	sst s10  }
0x35: {  	s10 =	sld [smem:$0x3FB2];
	_ =	sdelay $0x3  }
0x36: {  	p1 =	seq.s32 s10, $0x1;
	s10 =	sld [smem:$0x3FB3];
	_ =	sdelay $0x3  }
0x37: {  	[smem:$0x3FB3] =	sst s10  }
0x38: {  	s10 =	sld [smem:$0x3FB4]  }
0x39: {  	_ = 	snop;
	(pc) =	sbr.ind lr, $3  }
0x3a: {  	_ = 	snop  }
0x3b: {  	_ = 	snop  }
0x3c: {  	p2 =	seq.s32 s10, $0x1;
	s10 =	sld [smem:$0x3FB3]  }
0x3d: {  	_ =	shalt  }
0x3e: {  	_ =	shalt  }
0x3f: {  	_ =	shalt  }
0x40: {  	_ =	shalt  }
0x41: {  	_ =	shalt  }
0x42: {  	_ =	shalt  }
0x43: {  	_ =	shalt  }
0x44: {  	_ =	shalt  }
0x45: {  	_ =	shalt  }
0x46: {  	_ =	shalt  }
0x47: {  	_ =	shalt  }
0x48: {  	_ =	shalt  }
0x49: {  	_ =	shalt  }
0x4a: {  	_ =	shalt  }
0x4b: {  	_ =	shalt  }
0x4c: {  	_ =	shalt  }
0x4d: {  	_ =	shalt  }
0x4e: {  	_ =	shalt  }
0x4f: {  	_ =	shalt  }
0x50: {  	_ =	shalt  }
0x51: {  	_ =	shalt  }
0x52: {  	_ =	shalt  }
0x53: {  	_ =	shalt  }
0x54: {  	_ =	shalt  }
0x55: {  	_ =	shalt  }
0x56: {  	_ =	shalt  }
0x57: {  	_ =	shalt  }
0x58: {  	_ =	shalt  }
0x59: {  	_ =	shalt  }
0x5a: {  	_ =	shalt  }
0x5b: {  	_ =	shalt  }
0x5c: {  	_ =	shalt  }
0x5d: {  	_ =	shalt  }
0x5e: {  	_ =	shalt  }
0x5f: {  	_ =	shalt  }
0x60: {  	_ =	shalt  }
0x61: {  	_ =	shalt  }
0x62: {  	_ =	shalt  }
0x63: {  	_ =	shalt  }
0x64: {  	_ =	shalt  }
0x65: {  	_ =	shalt  }
0x66: {  	_ =	shalt  }
0x67: {  	_ =	shalt  }
0x68: {  	_ =	shalt  }
0x69: {  	_ =	shalt  }
0x6a: {  	_ =	shalt  }
0x6b: {  	_ =	shalt  }
0x6c: {  	_ =	shalt  }
0x6d: {  	_ =	shalt  }
0x6e: {  	_ =	shalt  }
0x6f: {  	_ =	shalt  }
0x70: {  	_ =	shalt  }
0x71: {  	_ =	shalt  }
0x72: {  	_ =	shalt  }
0x73: {  	_ =	shalt  }
0x74: {  	_ =	shalt  }
0x75: {  	_ =	shalt  }
0x76: {  	_ =	shalt  }
0x77: {  	_ =	shalt  }
0x78: {  	_ =	shalt  }
0x79: {  	_ =	shalt  }
0x7a: {  	_ =	shalt  }
0x7b: {  	_ =	shalt  }
0x7c: {  	_ =	shalt  }
0x7d: {  	_ =	shalt  }
0x7e: {  	_ =	shalt  }
0x7f: {  	_ =	shalt  }
0x80: {  	_ =	shalt  }
0x81: {  	_ =	shalt  }
0x82: {  	_ =	shalt  }
0x83: {  	_ =	shalt  }
0x84: {  	_ =	shalt  }
0x85: {  	_ =	shalt  }
0x86: {  	_ =	shalt  }
0x87: {  	_ =	shalt  }
.Lfunc_end0:
.L_simem_size_0:
called_computation.1_lowered:
.L_overlay_start_0:
0x88: {  	s2 =	sld [smem:$0x3FD9]  }
0x89: {  	s3 =	sld [smem:$0x3FFE];
	_ =	sdelay $0x1  }
0x8a: {  	s1 =	srdreg.scid  }
0x8b: {  	s0 =	sand.u32 $0x1, s1  }
0x8c: {  	s17 =	sshll.u32 s0, $0xA;
	s2 =	sadd.s32 s3, s2  }
0x8d: {  	s2 =	sadd.s32 s2, s17  }
0x8e: {  	[smem:$0x3FBF] =	sst s2  }
0x8f: {  	_ = 	snop  }
0x90: {  	s2 =	sld [smem:$0x3FD0];
	(tm) =	ssettm $0x1  }
0x91: {  	s18 =	sld [smem:$0x3FFB];
	_ =	sdelay $0x3  }
0x92: {  	_ =	strace s18  }
0x93: {  	s3 =	sld [smem:$0x3FFC];
	_ =	sdelay $0x3  }
0x94: {  	_ =	strace s3  }
0x95: {  	s3 =	sld [smem:$0x3FFD];
	_ =	sdelay $0x3  }
0x96: {  	_ =	strace s3  }
0x97: {  	_ =	strace $0x8FFFFFFF  }
0x98: {  	s19 =	sld [smem:$0x3FDB];
	_ =	sdelay $0x1  }
0x99: {  	s4 =	simm.s32 $_scs_section_size  }
0x9a: {  	s5 =	simm.s32 $_size__tile_overlayer_lowered;
	s6 =	simm.s32 $_tile_overlayer_lowered  }
0x9b: {  	s22 =	simm.s32 $0x1BFF;
	s21 =	sshll.u32 s6, $0x1;
	s3 =	sadd.s32 s4, s19  }
0x9c: {  	s7 =	simm.s32 $0x0;
	s20 =	sshll.u32 s5, $0x1;
	s5 =	sadd.s32 s21, s3  }
0x9d: {  	[timem:s7], [sflag:s22] =	dma.local [hbm:s5], s20  }
0x9e: {  	_ =	swait.ge [sflag:s22], s20  }
0x9f: {  	s4 =	ssub.s32 $0x0, s20;
	[sflag:s22] =	ssyncset.done $0x0  }
0xa0: {  	[sflag:s22] =	ssyncadd.s32 s4;
	_ =	sdelay $0x1  }
0xa1: {  	s23 =	simm.s32 $0x1B8B  }
0xa2: {  	_ =	swait.ge [sflag:s23], $0x1  }
0xa3: {  	[sflag:s23] =	ssyncset.done $0x0  }
0xa4: {  	s25 =	simm.s32 $0x1B8E;
	s24 =	sld [smem:$0x3FFE];
	[sflag:s23] =	ssyncadd.s32 $0xFFFFFFFF  }
0xa5: {  	s26 =	simm.s32 $execute0_lowered;
	[smem:$0x3FD2] =	sst s25  }
0xa6: {  	s5 =	sshll.u32 s26, $0x1;
	_ =	strace $0x80000049;
	[dreg:$0x1] =	wrdreg $0xFFFFFFFF  }
0xa7: {  	s28 =	simm.s32 $_size_execute0_lowered;
	s3 =	sadd.s32 s3, s5;
	[dreg:$0x0] =	wrdreg $0x0  }
0xa8: {  	s5 =	sshll.u32 s28, $0x1;
	[dreg:$0x2] =	wrdreg s3  }
0xa9: {  	[dreg:$0x3] =	wrdreg s5  }
0xaa: {  	[dreg:$0x4] =	wrdreg $0xC0  }
0xab: {  	_ =	task [dreg:s7], $0x5FFFF  }
0xac: {  	[dreg:$0x1] =	wrdreg $0xFFFFFFFF  }
0xad: {  	[dreg:$0x0] =	wrdreg $0x60  }
0xae: {  	[dreg:$0x2] =	wrdreg s24  }
0xaf: {  	[dreg:$0x3] =	wrdreg s2  }
0xb0: {  	[dreg:$0x4] =	wrdreg $0x48000  }
0xb1: {  	[dreg:$0x5] =	wrdreg $0x96200  }
0xb2: {  	[dreg:$0x6] =	wrdreg $0x9  }
0xb3: {  	_ =	task.clear_ibuf [dreg:s7], $0x7FFFF;
	_ =	strace $0x90000049  }
0xb4: {  	s29 =	simm.s32 $0x9;
	_ =	strace $0x8000004B  }
0xb5: {  	_ =	swait.ge [sflag:s29], $0x1  }
0xb6: {  	[sflag:s29] =	ssyncadd.s32 $0xFFFFFFFF  }
0xb7: {  	_ =	strace $0x9000004B  }
0xb8: {  	_ =	sfence  }
0xb9: {  	s30 =	sld [smem:$0x0];
	_ =	sdelay $0x2  }
0xba: {  	s31 =	sshll.u32 s1, $0xD;
	s1 =	sshrl.u32 s1, $0x2  }
0xbb: {  	s3 =	sand.u32 $0x4000, s31;
	s1 =	sadd.s32 s1, s30  }
0xbc: {  	s0 =	sor.u32 s3, s0;
	s1 =	sshll.u32 s1, $0x11  }
0xbd: {  	s0 =	sor.u32 s1, s0  }
0xbe: {  	s0 =	sadd.s32 $0x8F2B, s0  }
0xbf: {  	[sflag:s0] =	ssyncadd.remote.s32 $0x1  }
0xc0: {  	_ =	sfence.sel $0xFFFF  }
0xc1: {  	[dreg:$0x0] =	wrdreg $0xFFFFFFFF;
	(pc) =	sbr.abs _section_cstart, $3  }
0xc2: {  	[dreg:$0x1] =	wrdreg $0xFFFFFFFF  }
0xc3: {  	_ =	task.clear_ibuf [dreg:s7], $0x2FFFF;
	_ =	strace $0x9FFFFFFF  }
0xc4: {  	(tm) =	ssettm $0x7FFFFFFF  }
0xc5: {  	_ =	shalt  }
tec
execute0_lowered:
.L_overlay_start_1:
0x0: {  	(tag) =	ssettag $0x1  }
0x1: {  	s0 =	rddreg [dreg:$0x0];
	s1 =	stileid.u32  }
0x2: {  	s2 =	srdreg.scid;
	s6 =	smul.u32 $0x4E20, s1  }
0x3: {  	s2 =	sand.u32 $0x1, s2;
	s3 =	smul.u32 $0x14A0, s1;
	s4 =	sshll.u32 s1, $0x1  }
0x4: {  	s7 =	simm.s32 $0x0;
	s8 =	smul.u32 $0x14A00, s2;
	s4 =	sor.u32 s2, s4  }
0x5: {  	[smem:$0x7FF] =	sst s7;
	s5 =	sshrl.u32 s6, $0x3;
	s9 =	smul.u32 $0x5000, s4  }
0x6: {  	s10 =	ssub.s32 $0x2, s2;
	s4 =	sadd.s32 $0x2D400, s0;
	s7 =	sadd.s32 s5, s0  }
0x7: {  	s5 =	sadd.s32 $0x19400, s0;
	s3 =	sadd.s32 s3, s8;
	s12 =	sshrl.u32 s9, $0x3  }
0x8: {  	s11 =	sshrl.u32 s10, $0x1;
	s8 =	sadd.s32 s3, s0;
	s29 =	sadd.s32 s5, s12  }
0x9: {  	s28 =	sor.u32 $0x10, s12;
	s30 =	sadd.s32 s4, s12;
	[dreg:$0x5] =	wrdreg s29  }
0xa: {  	s9 =	ssub.s32 s10, s11;
	[dreg:$0x6] =	wrdreg s30;
	s31 =	sadd.s32 s5, s28  }
0xb: {  	s3 =	sor.u32 $0x20, s12;
	s0 =	sadd.s32 s4, s28;
	[dreg:$0x7] =	wrdreg s31  }
0xc: {  	s11 =	sor.u32 $0x30, s12;
	s13 =	sadd.s32 s5, s3;
	[dreg:$0x8] =	wrdreg s0  }
0xd: {  	s14 =	sadd.s32 s5, s11;
	[dreg:$0x9] =	wrdreg s13  }
0xe: {  	s16 =	sor.u32 $0x40, s12;
	s15 =	sadd.s32 s4, s11;
	[dreg:$0xb] =	wrdreg s14  }
0xf: {  	s19 =	sor.u32 $0x50, s12;
	s18 =	sadd.s32 s5, s16;
	[dreg:$0xc] =	wrdreg s15  }
0x10: {  	s17 =	smul.u32 $0xA000, s1;
	s20 =	sadd.s32 s5, s19;
	[dreg:$0xd] =	wrdreg s18  }
0x11: {  	s21 =	sor.u32 $0x60, s12;
	s10 =	sadd.s32 s4, s19;
	[dreg:$0xf] =	wrdreg s20  }
0x12: {  	s23 =	sor.u32 $0x70, s12;
	s22 =	sadd.s32 s5, s21;
	[dreg:$0x10] =	wrdreg s10  }
0x13: {  	s2 =	smul.u32 $0x5000, s2;
	s24 =	sadd.s32 s5, s23;
	[dreg:$0x11] =	wrdreg s22  }
0x14: {  	s0 =	sadd.s32 s4, s3;
	[dreg:$0x13] =	wrdreg s24  }
0x15: {  	s3 =	sadd.s32 s2, s17;
	[dreg:$0xa] =	wrdreg s0;
	s0 =	sadd.s32 s4, s16  }
0x16: {  	s2 =	sor.u32 $0x780, s3;
	s25 =	sor.u32 $0x700, s3;
	s30 =	sor.u32 $0x680, s3  }
0x17: {  	s11 =	sor.u32 $0x600, s3;
	s13 =	sor.u32 $0x580, s3;
	s17 =	sor.u32 $0x500, s3  }
0x18: {  	s19 =	sor.u32 $0x480, s3;
	s22 =	sor.u32 $0x400, s3;
	s3 =	rddreg [dreg:$0x3]  }
0x19: {  	[dreg:$0xe] =	wrdreg s0;
	s0 =	sadd.s32 s4, s21  }
0x1a: {  	s2 =	sshrl.u32 s2, $0x3;
	s26 =	sshrl.u32 s25, $0x3;
	s31 =	sshrl.u32 s30, $0x3  }
0x1b: {  	s14 =	sshrl.u32 s13, $0x3;
	s18 =	sshrl.u32 s17, $0x3;
	s10 =	sshrl.u32 s22, $0x3  }
0x1c: {  	s25 =	sshll.u32 s1, $0x6;
	[dreg:$0x12] =	wrdreg s0;
	s0 =	sadd.s32 s4, s23  }
0x1d: {  	s30 =	smax.u32 s9, $0x1;
	s28 =	sadd.s32 s2, s4;
	[dreg:$0x14] =	wrdreg s0  }
0x1e: {  	s13 =	simm.s32 $0x80;
	s2 =	sadd.s32 s2, s5;
	[dreg:$0x15] =	wrdreg s28  }
0x1f: {  	s17 =	simm.s32 $0x2800;
	s29 =	sadd.s32 s26, s4;
	[dreg:$0x16] =	wrdreg s2  }
0x20: {  	s9 =	simm.s32 $0x1;
	s12 =	sadd.s32 s31, s4;
	[dreg:$0x17] =	wrdreg s29  }
0x21: {  	s22 =	simm.s32 $0xC;
	s16 =	sadd.s32 s14, s4;
	[dreg:$0x19] =	wrdreg s12  }
0x22: {  	s20 =	sadd.s32 s18, s4;
	s23 =	smul.u32 $0x29400, s1;
	[dreg:$0x1d] =	wrdreg s16  }
0x23: {  	s0 =	sadd.s32 s26, s5;
	s2 =	sshrl.u32 s11, $0x3;
	[dreg:$0x1f] =	wrdreg s20  }
0x24: {  	s26 =	sadd.s32 $0xC00, s7;
	s29 =	sadd.s32 $0x41400, s8;
	s11 =	simm.s32 $0x380  }
0x25: {  	s7 =	simm.s32 $0x780;
	[dreg:$0x18] =	wrdreg s0;
	s0 =	sadd.s32 s31, s5  }
0x26: {  	s12 =	simm.s32 $0xD;
	s15 =	sadd.s32 s2, s4;
	[dreg:$0x1a] =	wrdreg s0  }
0x27: {  	s16 =	simm.s32 $0x1800;
	s2 =	sadd.s32 s2, s5;
	[dreg:$0x1b] =	wrdreg s15  }
0x28: {  	s8 =	simm.s32 $0x3800;
	[dreg:$0x1c] =	wrdreg s2;
	s0 =	sadd.s32 s14, s5  }
0x29: {  	s20 =	simm.s32 $0xB;
	[dreg:$0x1e] =	wrdreg s0;
	s0 =	sadd.s32 s18, s5  }
0x2a: {  	s24 =	sshrl.u32 s23, $0x2;
	s2 =	sshrl.u32 s19, $0x3;
	[smem:$0x7F5] =	sst s0  }
0x2b: {  	s23 =	sor.u32 $0x1C0D, s25;
	s21 =	sadd.s32 s2, s4;
	s0 =	rddreg [dreg:$0x2]  }
0x2c: {  	s28 =	sadd.s32 s24, s3;
	s2 =	sadd.s32 s2, s5;
	[smem:$0x7F6] =	sst s21  }
0x2d: {  	s14 =	simm.s32 $0x800;
	s15 =	simm.s32 $0x2;
	[smem:$0x7F7] =	sst s2  }
0x2e: {  	s19 =	simm.s32 $0x3;
	_ =	strace $0x8000004A;
	[smem:$0x7F8] =	sst s26  }
.Ltmp0:
0x2f: {  	s4 =	sadd.s32 s10, s4;
	[smem:$0x7F9] =	sst s28;
	(pc) =	sbr.rel .LBB2_1-.Ltmp0, $4  }
0x30: {  	s5 =	sadd.s32 s10, s5;
	s10 =	simm.s32 $0x9;
	[smem:$0x7FA] =	sst s29  }
0x31: {  	s18 =	simm.s32 $0xA;
	s6 =	sadd.s32 s6, s0;
	[smem:$0x7FB] =	sst s30  }
0x32: {  	s21 =	simm.s32 $0x4;
	[smem:$0x7FD] =	sst s23;
	s31 =	sshrl.u32 s6, $0x3  }
0x33: {  	s2 =	simm.s32 $0x0;
	s6 =	simm.s32 $0x8;
	[smem:$0x7FC] =	sst s31  }
.LBB2_4:
0x34: {  	[bflag:$0x0] =	sbarrier.arrive $0xFFFF  }
0x35: {  	s23 =	sld [smem:$0x7FD]  }
0x36: {  	s1 =	sld [smem:$0x7FA]  }
0x37: {  	s2 =	sld [smem:$0x7F4];
	_ =	sdelay $0x2  }
0x38: {  	[hbm:s1], [sflag:s23] =	dma.local [spmem:s2], $0x14A0  }
0x39: {  	_ =	swait.ge [sflag:s12], $0x14A0  }
0x3a: {  	s30 =	sld [smem:$0x7F3]  }
0x3b: {  	s31 =	sld [smem:$0x7FB];
	_ =	sdelay $0x1  }
0x3c: {  	s2 =	sadd.s32 $0x1, s30  }
0x3d: {  	p0 =	sne.s32 s2, s31  }
.Ltmp1:
0x3e: {  	_ = 	snop;
	(pc) =	sbr.rel @!p0 .LBB2_5-.Ltmp1, $3  }
0x3f: {  	_ =	sdelay $0x1  }
0x40: {  	[sflag:s12] =	ssyncset.done $0x0  }
0x41: {  	[sflag:s12] =	ssyncadd.s32 $0xFFFFEB60  }
.LBB2_1:
0x42: {  	[smem:$0x7F3] =	sst s2  }
0x43: {  	s26 =	rddreg [dreg:$0x5]  }
0x44: {  	s28 =	rddreg [dreg:$0x6]  }
0x45: {  	s1 =	simm.s32 $0x0;
	s29 =	rddreg [dreg:$0x7]  }
0x46: {  	[tilespmem:s1], [sflag:$0x5] =	stream.linear.gather [hbm4b:s26+s1], $0x80, $0x38;
	[tilespmem:$0x13B20] =	vst v63  }
0x47: {  	s24 =	simm.s32 $0x400;
	s30 =	rddreg [dreg:$0x8]  }
0x48: {  	[tilespmem:s24], [sflag:$0x5] =	stream.linear.gather [hbm4b:s28+s1], $0x80, $0x38;
	[tilespmem:$0x13B20] =	vst v63  }
0x49: {  	s26 =	rddreg [dreg:$0xa]  }
0x4a: {  	[tilespmem:s13], [sflag:$0x6] =	stream.linear.gather [hbm4b:s29+s1], $0x80, $0x38;
	[tilespmem:$0x13B20] =	vst v63  }
0x4b: {  	s31 =	simm.s32 $0x480;
	s24 =	rddreg [dreg:$0x9]  }
0x4c: {  	[tilespmem:s31], [sflag:$0x6] =	stream.linear.gather [hbm4b:s30+s1], $0x80, $0x38;
	[tilespmem:$0x13B20] =	vst v63  }
0x4d: {  	s25 =	simm.s32 $0x100;
	s29 =	rddreg [dreg:$0xb]  }
0x4e: {  	[tilespmem:s25], [sflag:$0x7] =	stream.linear.gather [hbm4b:s24+s1], $0x80, $0x38;
	[tilespmem:$0x13B20] =	vst v63  }
0x4f: {  	s28 =	simm.s32 $0x500;
	s30 =	rddreg [dreg:$0xc]  }
0x50: {  	[tilespmem:s28], [sflag:$0x7] =	stream.linear.gather [hbm4b:s26+s1], $0x80, $0x38;
	[tilespmem:$0x13B20] =	vst v63  }
0x51: {  	s24 =	rddreg [dreg:$0x13];
	s26 =	simm.s32 $0x180  }
0x52: {  	[tilespmem:s26], [sflag:$0x8] =	stream.linear.gather [hbm4b:s29+s1], $0x80, $0x38;
	[tilespmem:$0x13B20] =	vst v63  }
0x53: {  	s31 =	simm.s32 $0x580;
	s28 =	rddreg [dreg:$0xd]  }
0x54: {  	[tilespmem:s31], [sflag:$0x8] =	stream.linear.gather [hbm4b:s30+s1], $0x80, $0x38;
	[tilespmem:$0x13B20] =	vst v63  }
0x55: {  	s29 =	simm.s32 $0x200;
	s30 =	rddreg [dreg:$0xe]  }
0x56: {  	[tilespmem:s29], [sflag:$0x9] =	stream.linear.gather [hbm4b:s28+s1], $0x80, $0x38;
	[tilespmem:$0x13B20] =	vst v63  }
0x57: {  	s31 =	simm.s32 $0x600;
	s28 =	rddreg [dreg:$0xf]  }
0x58: {  	[tilespmem:s31], [sflag:$0x9] =	stream.linear.gather [hbm4b:s30+s1], $0x80, $0x38;
	[tilespmem:$0x13B20] =	vst v63  }
0x59: {  	s29 =	simm.s32 $0x280;
	s30 =	rddreg [dreg:$0x10]  }
0x5a: {  	[tilespmem:s29], [sflag:$0xA] =	stream.linear.gather [hbm4b:s28+s1], $0x80, $0x38;
	[tilespmem:$0x13B20] =	vst v63  }
0x5b: {  	s31 =	simm.s32 $0x680;
	s28 =	rddreg [dreg:$0x11]  }
0x5c: {  	[tilespmem:s31], [sflag:$0xA] =	stream.linear.gather [hbm4b:s30+s1], $0x80, $0x38;
	[tilespmem:$0x13B20] =	vst v63  }
0x5d: {  	s29 =	simm.s32 $0x300;
	s30 =	rddreg [dreg:$0x12]  }
0x5e: {  	[tilespmem:s29], [sflag:$0xB] =	stream.linear.gather [hbm4b:s28+s1], $0x80, $0x38;
	[tilespmem:$0x13B20] =	vst v63  }
0x5f: {  	s31 =	simm.s32 $0x700;
	s29 =	sld [smem:$0x7F8]  }
0x60: {  	[tilespmem:s31], [sflag:$0xB] =	stream.linear.gather [hbm4b:s30+s1], $0x80, $0x38;
	[tilespmem:$0x13B20] =	vst v63  }
0x61: {  	s30 =	sld [smem:$0x7FC]  }
0x62: {  	[tilespmem:s11], [sflag:$0xC] =	stream.linear.gather [hbm4b:s24+s1], $0x80, $0x38;
	[tilespmem:$0x13B20] =	vst v63  }
0x63: {  	s28 =	rddreg [dreg:$0x14]  }
0x64: {  	[tilespmem:s7], [sflag:$0xC] =	stream.linear.gather [hbm4b:s28+s1], $0x80, $0x38;
	[tilespmem:$0x13B20] =	vst v63  }
0x65: {  	[spmem:s30], [sflag:s23] =	dma.local [hbm:s29], $0x9C4  }
0x66: {  	_ =	swait.ge [sflag:s12], $0x9C4  }
0x67: {  	s31 =	sld [smem:$0x7F9]  }
0x68: {  	[sflag:s12] =	ssyncset.done $0x0  }
0x69: {  	[sflag:s12] =	ssyncadd.s32 $0xFFFFF63C  }
0x6a: {  	s28 =	rddreg [dreg:$0x1];
	s2 =	sshrl.u32 s31, $0x3  }
0x6b: {  	[smem:$0x7F4] =	sst s2  }
0x6c: {  	[spmem:s2], [sflag:s23] =	dma.local [hbm:s28], $0x14A0  }
0x6d: {  	_ =	swait.ge [sflag:s12], $0x14A0  }
0x6e: {  	[sflag:s12] =	ssyncset.done $0x0  }
0x6f: {  	[sflag:s12] =	ssyncadd.s32 $0xFFFFEB60  }
0x70: {  	s29 =	simm.s32 $0x5;
	[bflag:$0x0] =	sbarrier.arrive $0xFFFF  }
0x71: {  	_ =	swait.ge [sflag:s29], $0x80  }
0x72: {  	[sflag:s29] =	ssyncset.done $0x0  }
0x73: {  	[sflag:s29] =	ssyncadd.s32 $0xFFFFFF80  }
0x74: {  	_ =	swait.ge [sflag:s29], $0x80  }
0x75: {  	[sflag:s29] =	ssyncset.done $0x0  }
0x76: {  	s30 =	simm.s32 $0x6;
	[sflag:s29] =	ssyncadd.s32 $0xFFFFFF80  }
0x77: {  	[tilespmem:s14], [sflag:$0x1] =	stream.indirect.gather [spmem:s0], $0x20, s1, s13, $0xb8;
	[tilespmem:$0x13B20] =	vst v63  }
0x78: {  	_ =	swait.ge [sflag:s30], $0x80  }
0x79: {  	[sflag:s30] =	ssyncset.done $0x0  }
0x7a: {  	[sflag:s30] =	ssyncadd.s32 $0xFFFFFF80  }
0x7b: {  	_ =	swait.ge [sflag:s30], $0x80  }
0x7c: {  	[sflag:s30] =	ssyncset.done $0x0  }
0x7d: {  	s31 =	simm.s32 $0x7;
	[sflag:s30] =	ssyncadd.s32 $0xFFFFFF80  }
0x7e: {  	[tilespmem:s16], [sflag:$0x2] =	stream.indirect.gather [spmem:s0], $0x20, s13, s13, $0xb8;
	[tilespmem:$0x13B20] =	vst v63  }
0x7f: {  	_ =	swait.ge [sflag:s31], $0x80  }
0x80: {  	[sflag:s31] =	ssyncset.done $0x0  }
0x81: {  	[sflag:s31] =	ssyncadd.s32 $0xFFFFFF80  }
0x82: {  	_ =	swait.ge [sflag:s31], $0x80  }
0x83: {  	[sflag:s31] =	ssyncset.done $0x0  }
0x84: {  	[sflag:s31] =	ssyncadd.s32 $0xFFFFFF80  }
0x85: {  	[tilespmem:s17], [sflag:$0x3] =	stream.indirect.gather [spmem:s0], $0x20, s25, s13, $0xb8;
	[tilespmem:$0x13B20] =	vst v63  }
0x86: {  	_ =	swait.ge [sflag:s6], $0x80  }
0x87: {  	[sflag:s6] =	ssyncset.done $0x0  }
0x88: {  	[sflag:s6] =	ssyncadd.s32 $0xFFFFFF80  }
0x89: {  	_ =	swait.ge [sflag:s6], $0x80  }
0x8a: {  	[sflag:s6] =	ssyncset.done $0x0  }
0x8b: {  	s23 =	simm.s32 $0x0;
	[sflag:s6] =	ssyncadd.s32 $0xFFFFFF80  }
0x8c: {  	[tilespmem:s8], [sflag:$0x4] =	stream.indirect.gather [spmem:s0], $0x20, s26, s13, $0xb8;
	[tilespmem:$0x13B20] =	vst v63  }
.LBB2_2:
0x8d: {  	_ =	swait.ge [sflag:s9], $0x1000  }
0x8e: {  	[sflag:s9] =	ssyncset.done $0x0  }
0x8f: {  	s1 =	simm.s32 $0x400;
	[sflag:s9] =	ssyncadd.s32 $0xFFFFF000  }
0x90: {  	[spmem:s3] =	stream.indirect.scatter.add.f32 [tilespmem:s14], [sflag:$0xD], $0x20, s1, s13, $0xb8;
	[tilespmem:$0x13B20] =	vst v63  }
0x91: {  	_ =	swait.ge [sflag:s12], $0x1000  }
0x92: {  	[sflag:s12] =	ssyncset.done $0x0  }
0x93: {  	[sflag:s12] =	ssyncadd.s32 $0xFFFFF000  }
0x94: {  	_ =	swait.ge [sflag:s10], $0x80  }
0x95: {  	[sflag:s10] =	ssyncset.done $0x0  }
0x96: {  	[sflag:s10] =	ssyncadd.s32 $0xFFFFFF80  }
0x97: {  	_ =	swait.ge [sflag:s10], $0x80  }
0x98: {  	[sflag:s10] =	ssyncset.done $0x0  }
0x99: {  	s24 =	simm.s32 $0x200;
	p0 =	seq.s32 s23, $0x980;
	[sflag:s10] =	ssyncadd.s32 $0xFFFFFF80  }
0x9a: {  	[tilespmem:s14], [sflag:$0x1] =	stream.indirect.gather [spmem:s0], $0x20, s24, s13, $0xb8;
	[tilespmem:$0x13B20] =	vst v63  }
0x9b: {  	s25 =	sadd.s32 @!p0 s23, s5;
	s24 =	simm.s32 @!p0 $0x0  }
0x9c: {  	[tilespmem:s24], [sflag:$0x5] =	stream.linear.gather @!p0 [hbm4b:s25+s24], $0x80, $0x38;
	[tilespmem:$0x13B20] =	vst v63  }
0x9d: {  	s26 =	simm.s32 @!p0 $0x400;
	s25 =	sadd.s32 @!p0 s23, s4  }
0x9e: {  	[tilespmem:s26], [sflag:$0x5] =	stream.linear.gather @!p0 [hbm4b:s25+s24], $0x80, $0x38;
	[tilespmem:$0x13B20] =	vst v63  }
0x9f: {  	_ =	swait.ge [sflag:s15], $0x1000  }
0xa0: {  	[sflag:s15] =	ssyncset.done $0x0  }
0xa1: {  	s25 =	simm.s32 $0x480;
	[sflag:s15] =	ssyncadd.s32 $0xFFFFF000  }
0xa2: {  	[spmem:s3] =	stream.indirect.scatter.add.f32 [tilespmem:s16], [sflag:$0xD], $0x20, s25, s13, $0xb8;
	[tilespmem:$0x13B20] =	vst v63  }
0xa3: {  	_ =	swait.ge [sflag:s12], $0x1000  }
0xa4: {  	[sflag:s12] =	ssyncset.done $0x0  }
0xa5: {  	[sflag:s12] =	ssyncadd.s32 $0xFFFFF000  }
0xa6: {  	_ =	swait.ge [sflag:s18], $0x80  }
0xa7: {  	[sflag:s18] =	ssyncset.done $0x0  }
0xa8: {  	[sflag:s18] =	ssyncadd.s32 $0xFFFFFF80  }
0xa9: {  	_ =	swait.ge [sflag:s18], $0x80  }
0xaa: {  	[sflag:s18] =	ssyncset.done $0x0;
	s1 =	sld [smem:$0x7F7]  }
0xab: {  	s26 =	simm.s32 $0x280;
	[sflag:s18] =	ssyncadd.s32 $0xFFFFFF80  }
0xac: {  	[tilespmem:s16], [sflag:$0x2] =	stream.indirect.gather [spmem:s0], $0x20, s26, s13, $0xb8;
	[tilespmem:$0x13B20] =	vst v63  }
0xad: {  	s26 =	sadd.s32 @!p0 s23, s1;
	s1 =	sld [smem:$0x7F6]  }
0xae: {  	s25 =	simm.s32 @!p0 $0x80  }
0xaf: {  	[tilespmem:s25], [sflag:$0x6] =	stream.linear.gather @!p0 [hbm4b:s26+s24], $0x80, $0x38;
	[tilespmem:$0x13B20] =	vst v63  }
0xb0: {  	s28 =	simm.s32 @!p0 $0x480;
	s26 =	sadd.s32 @!p0 s23, s1  }
0xb1: {  	[tilespmem:s28], [sflag:$0x6] =	stream.linear.gather @!p0 [hbm4b:s26+s24], $0x80, $0x38;
	[tilespmem:$0x13B20] =	vst v63  }
0xb2: {  	_ =	swait.ge [sflag:s19], $0x1000  }
0xb3: {  	[sflag:s19] =	ssyncset.done $0x0  }
0xb4: {  	s28 =	simm.s32 $0x500;
	[sflag:s19] =	ssyncadd.s32 $0xFFFFF000  }
0xb5: {  	[spmem:s3] =	stream.indirect.scatter.add.f32 [tilespmem:s17], [sflag:$0xD], $0x20, s28, s13, $0xb8;
	[tilespmem:$0x13B20] =	vst v63  }
0xb6: {  	_ =	swait.ge [sflag:s12], $0x1000  }
0xb7: {  	[sflag:s12] =	ssyncset.done $0x0  }
0xb8: {  	[sflag:s12] =	ssyncadd.s32 $0xFFFFF000  }
0xb9: {  	_ =	swait.ge [sflag:s20], $0x80  }
0xba: {  	[sflag:s20] =	ssyncset.done $0x0  }
0xbb: {  	[sflag:s20] =	ssyncadd.s32 $0xFFFFFF80  }
0xbc: {  	_ =	swait.ge [sflag:s20], $0x80  }
0xbd: {  	[sflag:s20] =	ssyncset.done $0x0;
	s1 =	sld [smem:$0x7F5]  }
0xbe: {  	s29 =	simm.s32 $0x300;
	[sflag:s20] =	ssyncadd.s32 $0xFFFFFF80  }
0xbf: {  	[tilespmem:s17], [sflag:$0x3] =	stream.indirect.gather [spmem:s0], $0x20, s29, s13, $0xb8;
	[tilespmem:$0x13B20] =	vst v63  }
0xc0: {  	s26 =	simm.s32 @!p0 $0x100;
	s28 =	sadd.s32 @!p0 s23, s1;
	s1 =	rddreg [dreg:$0x1f]  }
0xc1: {  	[tilespmem:s26], [sflag:$0x7] =	stream.linear.gather @!p0 [hbm4b:s28+s24], $0x80, $0x38;
	[tilespmem:$0x13B20] =	vst v63  }
0xc2: {  	s30 =	simm.s32 @!p0 $0x500;
	s28 =	sadd.s32 @!p0 s23, s1  }
0xc3: {  	[tilespmem:s30], [sflag:$0x7] =	stream.linear.gather @!p0 [hbm4b:s28+s24], $0x80, $0x38;
	[tilespmem:$0x13B20] =	vst v63  }
0xc4: {  	_ =	swait.ge [sflag:s21], $0x1000  }
0xc5: {  	[sflag:s21] =	ssyncset.done $0x0  }
0xc6: {  	s30 =	simm.s32 $0x580;
	[sflag:s21] =	ssyncadd.s32 $0xFFFFF000  }
0xc7: {  	[spmem:s3] =	stream.indirect.scatter.add.f32 [tilespmem:s8], [sflag:$0xD], $0x20, s30, s13, $0xb8;
	[tilespmem:$0x13B20] =	vst v63  }
0xc8: {  	_ =	swait.ge [sflag:s12], $0x1000  }
0xc9: {  	[sflag:s12] =	ssyncset.done $0x0  }
0xca: {  	[sflag:s12] =	ssyncadd.s32 $0xFFFFF000  }
0xcb: {  	_ =	swait.ge [sflag:s22], $0x80  }
0xcc: {  	[sflag:s22] =	ssyncset.done $0x0  }
0xcd: {  	[sflag:s22] =	ssyncadd.s32 $0xFFFFFF80  }
0xce: {  	_ =	swait.ge [sflag:s22], $0x80  }
0xcf: {  	[sflag:s22] =	ssyncset.done $0x0  }
0xd0: {  	s28 =	simm.s32 @p0 $0x1;
	[sflag:s22] =	ssyncadd.s32 $0xFFFFFF80  }
0xd1: {  	[tilespmem:s8], [sflag:$0x4] =	stream.indirect.gather [spmem:s0], $0x20, s11, s13, $0xb8;
	[tilespmem:$0x13B20] =	vst v63  }
0xd2: {  	_ =	swait.ge @p0 [sflag:s28], $0x1000  }
0xd3: {  	s31 =	simm.s32 @p0 $0x800;
	[sflag:s28] =	ssyncset.done @p0 $0x0  }
0xd4: {  	s30 =	simm.s32 @p0 $0x600;
	[sflag:s28] =	ssyncadd.s32 @p0 $0xFFFFF000;
	s28 =	simm.s32 @p0 $0x80  }
0xd5: {  	[spmem:s3] =	stream.indirect.scatter.add.f32 @p0 [tilespmem:s31], [sflag:$0xD], $0x20, s30, s28, $0xb8;
	[tilespmem:$0x13B20] =	vst v63  }
0xd6: {  	s30 =	simm.s32 @p0 $0xD  }
0xd7: {  	_ =	swait.ge @p0 [sflag:s30], $0x1000  }
0xd8: {  	s29 =	simm.s32 @!p0 $0x180;
	[sflag:s30] =	ssyncset.done @p0 $0x0;
	s1 =	rddreg [dreg:$0x1e]  }
0xd9: {  	[sflag:s30] =	ssyncadd.s32 @p0 $0xFFFFF000;
	s31 =	sadd.s32 @!p0 s23, s1;
	s1 =	rddreg [dreg:$0x1d]  }
0xda: {  	[tilespmem:s29], [sflag:$0x8] =	stream.linear.gather @!p0 [hbm4b:s31+s24], $0x80, $0x38;
	[tilespmem:$0x13B20] =	vst v63  }
0xdb: {  	s29 =	sadd.s32 @!p0 s23, s1;
	s31 =	simm.s32 @!p0 $0x580  }
0xdc: {  	[tilespmem:s31], [sflag:$0x8] =	stream.linear.gather @!p0 [hbm4b:s29+s24], $0x80, $0x38;
	[tilespmem:$0x13B20] =	vst v63  }
0xdd: {  	s29 =	simm.s32 @!p0 $0x1  }
0xde: {  	_ =	swait.ge @!p0 [sflag:s29], $0x1000  }
0xdf: {  	s2 =	simm.s32 @!p0 $0xD;
	[sflag:s29] =	ssyncset.done @!p0 $0x0  }
0xe0: {  	s31 =	simm.s32 @!p0 $0x800;
	[sflag:s29] =	ssyncadd.s32 @!p0 $0xFFFFF000;
	s29 =	simm.s32 @!p0 $0x600  }
0xe1: {  	[spmem:s3] =	stream.indirect.scatter.add.f32 @!p0 [tilespmem:s31], [sflag:$0xD], $0x20, s29, s25, $0xb8;
	[tilespmem:$0x13B20] =	vst v63  }
0xe2: {  	_ =	swait.ge @!p0 [sflag:s2], $0x1000  }
0xe3: {  	[sflag:s2] =	ssyncset.done @!p0 $0x0  }
0xe4: {  	s1 =	simm.s32 @!p0 $0x5;
	[sflag:s2] =	ssyncadd.s32 @!p0 $0xFFFFF000  }
0xe5: {  	_ =	swait.ge @!p0 [sflag:s1], $0x80  }
0xe6: {  	[sflag:s1] =	ssyncset.done @!p0 $0x0  }
0xe7: {  	[sflag:s1] =	ssyncadd.s32 @!p0 $0xFFFFFF80  }
0xe8: {  	_ =	swait.ge @!p0 [sflag:s1], $0x80  }
0xe9: {  	[sflag:s1] =	ssyncset.done @!p0 $0x0  }
0xea: {  	[sflag:s1] =	ssyncadd.s32 @!p0 $0xFFFFFF80;
	s1 =	rddreg [dreg:$0x1c]  }
0xeb: {  	[tilespmem:s31], [sflag:$0x1] =	stream.indirect.gather @!p0 [spmem:s0], $0x20, s24, s25, $0xb8;
	[tilespmem:$0x13B20] =	vst v63  }
0xec: {  	s1 =	sadd.s32 @!p0 s23, s1;
	s31 =	simm.s32 @!p0 $0x200  }
0xed: {  	[tilespmem:s31], [sflag:$0x9] =	stream.linear.gather @!p0 [hbm4b:s1+s24], $0x80, $0x38;
	[tilespmem:$0x13B20] =	vst v63  }
0xee: {  	s1 =	rddreg [dreg:$0x1b]  }
0xef: {  	s1 =	sadd.s32 @!p0 s23, s1  }
0xf0: {  	[tilespmem:s29], [sflag:$0x9] =	stream.linear.gather @!p0 [hbm4b:s1+s24], $0x80, $0x38;
	[tilespmem:$0x13B20] =	vst v63  }
0xf1: {  	_ =	swait.ge [sflag:s15], $0x1000  }
0xf2: {  	[sflag:s15] =	ssyncset.done $0x0  }
0xf3: {  	s31 =	simm.s32 $0x680;
	[sflag:s15] =	ssyncadd.s32 $0xFFFFF000  }
0xf4: {  	[spmem:s3] =	stream.indirect.scatter.add.f32 [tilespmem:s16], [sflag:$0xD], $0x20, s31, s13, $0xb8;
	[tilespmem:$0x13B20] =	vst v63  }
0xf5: {  	_ =	swait.ge [sflag:s12], $0x1000  }
0xf6: {  	[sflag:s12] =	ssyncset.done $0x0  }
0xf7: {  	s1 =	simm.s32 @p0 $0x3;
	[sflag:s12] =	ssyncadd.s32 $0xFFFFF000  }
0xf8: {  	_ =	swait.ge @p0 [sflag:s1], $0x1000  }
0xf9: {  	[sflag:s1] =	ssyncset.done @p0 $0x0  }
0xfa: {  	s29 =	simm.s32 @p0 $0x2800;
	[sflag:s1] =	ssyncadd.s32 @p0 $0xFFFFF000;
	s1 =	simm.s32 @p0 $0x700  }
0xfb: {  	[spmem:s3] =	stream.indirect.scatter.add.f32 @p0 [tilespmem:s29], [sflag:$0xD], $0x20, s1, s28, $0xb8;
	[tilespmem:$0x13B20] =	vst v63  }
0xfc: {  	_ =	swait.ge @p0 [sflag:s30], $0x1000  }
0xfd: {  	[sflag:s30] =	ssyncset.done @p0 $0x0  }
0xfe: {  	s1 =	simm.s32 @!p0 $0x6;
	[sflag:s30] =	ssyncadd.s32 @p0 $0xFFFFF000  }
0xff: {  	_ =	swait.ge @!p0 [sflag:s1], $0x80  }
0x100: {  	[sflag:s1] =	ssyncset.done @!p0 $0x0  }
0x101: {  	[sflag:s1] =	ssyncadd.s32 @!p0 $0xFFFFFF80  }
0x102: {  	_ =	swait.ge @!p0 [sflag:s1], $0x80  }
0x103: {  	[sflag:s1] =	ssyncset.done @!p0 $0x0  }
0x104: {  	[sflag:s1] =	ssyncadd.s32 @!p0 $0xFFFFFF80;
	s1 =	simm.s32 @!p0 $0x1800  }
0x105: {  	[tilespmem:s1], [sflag:$0x2] =	stream.indirect.gather @!p0 [spmem:s0], $0x20, s25, s25, $0xb8;
	[tilespmem:$0x13B20] =	vst v63  }
0x106: {  	s1 =	rddreg [dreg:$0x1a]  }
0x107: {  	s28 =	simm.s32 @!p0 $0x280;
	s1 =	sadd.s32 @!p0 s23, s1  }
0x108: {  	[tilespmem:s28], [sflag:$0xA] =	stream.linear.gather @!p0 [hbm4b:s1+s24], $0x80, $0x38;
	[tilespmem:$0x13B20] =	vst v63  }
0x109: {  	s1 =	rddreg [dreg:$0x19]  }
0x10a: {  	s28 =	simm.s32 @!p0 $0x680;
	s1 =	sadd.s32 @!p0 s23, s1  }
0x10b: {  	[tilespmem:s28], [sflag:$0xA] =	stream.linear.gather @!p0 [hbm4b:s1+s24], $0x80, $0x38;
	[tilespmem:$0x13B20] =	vst v63  }
0x10c: {  	s1 =	simm.s32 @!p0 $0x3  }
0x10d: {  	_ =	swait.ge @!p0 [sflag:s1], $0x1000  }
0x10e: {  	[sflag:s1] =	ssyncset.done @!p0 $0x0  }
0x10f: {  	s28 =	simm.s32 @!p0 $0x2800;
	[sflag:s1] =	ssyncadd.s32 @!p0 $0xFFFFF000;
	s1 =	simm.s32 @!p0 $0x700  }
0x110: {  	[spmem:s3] =	stream.indirect.scatter.add.f32 @!p0 [tilespmem:s28], [sflag:$0xD], $0x20, s1, s25, $0xb8;
	[tilespmem:$0x13B20] =	vst v63  }
0x111: {  	_ =	swait.ge @!p0 [sflag:s2], $0x1000  }
0x112: {  	[sflag:s2] =	ssyncset.done @!p0 $0x0  }
0x113: {  	[sflag:s2] =	ssyncadd.s32 @!p0 $0xFFFFF000;
	s2 =	simm.s32 @!p0 $0x7  }
0x114: {  	_ =	swait.ge @!p0 [sflag:s2], $0x80  }
0x115: {  	[sflag:s2] =	ssyncset.done @!p0 $0x0  }
0x116: {  	[sflag:s2] =	ssyncadd.s32 @!p0 $0xFFFFFF80  }
0x117: {  	_ =	swait.ge @!p0 [sflag:s2], $0x80  }
0x118: {  	[sflag:s2] =	ssyncset.done @!p0 $0x0  }
0x119: {  	[sflag:s2] =	ssyncadd.s32 @!p0 $0xFFFFFF80;
	s2 =	rddreg [dreg:$0x18]  }
0x11a: {  	[tilespmem:s28], [sflag:$0x3] =	stream.indirect.gather @!p0 [spmem:s0], $0x20, s26, s25, $0xb8;
	[tilespmem:$0x13B20] =	vst v63  }
0x11b: {  	s2 =	sadd.s32 @!p0 s23, s2;
	s25 =	simm.s32 @!p0 $0x300  }
0x11c: {  	[tilespmem:s25], [sflag:$0xB] =	stream.linear.gather @!p0 [hbm4b:s2+s24], $0x80, $0x38;
	[tilespmem:$0x13B20] =	vst v63  }
0x11d: {  	s2 =	rddreg [dreg:$0x17]  }
0x11e: {  	s2 =	sadd.s32 @!p0 s23, s2  }
0x11f: {  	[tilespmem:s1], [sflag:$0xB] =	stream.linear.gather @!p0 [hbm4b:s2+s24], $0x80, $0x38;
	[tilespmem:$0x13B20] =	vst v63  }
0x120: {  	_ =	swait.ge [sflag:s21], $0x1000  }
0x121: {  	[sflag:s21] =	ssyncset.done $0x0  }
.Ltmp2:
0x122: {  	[sflag:s21] =	ssyncadd.s32 $0xFFFFF000;
	(pc) =	sbr.rel @p0 .LBB2_4-.Ltmp2, $4  }
0x123: {  	[spmem:s3] =	stream.indirect.scatter.add.f32 [tilespmem:s8], [sflag:$0xD], $0x20, s7, s13, $0xb8;
	[tilespmem:$0x13B20] =	vst v63  }
0x124: {  	_ =	swait.ge [sflag:s12], $0x1000  }
0x125: {  	[sflag:s12] =	ssyncset.done $0x0  }
0x126: {  	[sflag:s12] =	ssyncadd.s32 $0xFFFFF000  }
0x127: {  	_ =	swait.ge [sflag:s6], $0x80  }
0x128: {  	[sflag:s6] =	ssyncset.done $0x0  }
0x129: {  	[sflag:s6] =	ssyncadd.s32 $0xFFFFFF80  }
0x12a: {  	_ =	swait.ge [sflag:s6], $0x80  }
0x12b: {  	[sflag:s6] =	ssyncset.done $0x0  }
0x12c: {  	s1 =	simm.s32 $0x180;
	[sflag:s6] =	ssyncadd.s32 $0xFFFFFF80  }
0x12d: {  	[tilespmem:s8], [sflag:$0x4] =	stream.indirect.gather [spmem:s0], $0x20, s1, s13, $0xb8;
	[tilespmem:$0x13B20] =	vst v63  }
.Ltmp3:
0x12e: {  	s30 =	rddreg [dreg:$0x16];
	(pc) =	sbr.rel .LBB2_2-.Ltmp3, $4  }
0x12f: {  	s2 =	simm.s32 $0x0;
	s31 =	rddreg [dreg:$0x15];
	s1 =	sadd.s32 s23, s30  }
0x130: {  	[tilespmem:s11], [sflag:$0xC] =	stream.linear.gather [hbm4b:s1+s2], $0x80, $0x38;
	[tilespmem:$0x13B20] =	vst v63  }
0x131: {  	s1 =	sadd.s32 s23, s31;
	s23 =	sadd.s32 $0x80, s23  }
0x132: {  	[tilespmem:s7], [sflag:$0xC] =	stream.linear.gather [hbm4b:s1+s2], $0x80, $0x38;
	[tilespmem:$0x13B20] =	vst v63  }
.LBB2_5:
0x133: {  	_ =	sfence.sel $0x180000  }
0x134: {  	[bflag:$0x0] =	sbarrier.arrive $0xFFFF  }
0x135: {  	_ =	strace $0x9000004A  }
0x136: {  	s0 =	stileid.u32;
	[bflag:$0x2] =	sbarrier.arrive $0xFFFF  }
0x137: {  	p0 =	sne.s32 s0, $0x0;
	s0 =	rddreg [dreg:$0x4]  }
0x138: {  	s0 =	sadd.s32 @!p0 $0x100000, s0  }
0x139: {  	[sflag:s0] =	ssyncadd.tile.s32 @!p0 $0x1;
	_ =	shalt  }
.Lfunc_end2:
_tile_overlayer_lowered:
.L_overlay_start_2:
0x13a: {  	(tag) =	ssettag $0x2  }
0x13b: {  	s0 =	rddreg [dreg:$0x0];
	s2 =	stileid.u32  }
0x13c: {  	s1 =	rddreg [dreg:$0x1];
	p0 =	sne.s32 s2, $0x0  }
0x13d: {  	s3 =	rddreg [dreg:$0x2];
	[bflag:$0x3] =	sbarrier.arrive $0xFFFF;
	s2 =	simm.s32 @!p0 $0x1C0D  }
0x13e: {  	[timem:s3], [sflag:s2] =	dma.local @!p0 [hbm:s0], s1  }
0x13f: {  	s0 =	simm.s32 @!p0 $0xD  }
0x140: {  	_ =	swait.ge @!p0 [sflag:s0], s1  }
0x141: {  	s1 =	ssub.s32 @!p0 $0x0, s1;
	[sflag:s0] =	ssyncset.done @!p0 $0x0  }
0x142: {  	[sflag:s0] =	ssyncadd.s32 @!p0 s1  }
0x143: {  	[bflag:$0x3] =	sbarrier.arrive $0xFFFF  }
0x144: {  	_ =	shalt  }

// kernel: kernel.7.cloned.1.call-start
scs
__scs_entry_jumppad:
0x0: {  	(pc) =	sbr.rel $0x88, $3  }
0x1: {  	(tag) =	ssettag $0x0;
	lr =	simm.s32 $0x1  }
0x2: {  	[smem:$0x3F98] =	sst lr;
	_ =	strace $0xD0000000  }
0x3: {  	_ = 	snop  }
0x4: {  	_ = 	snop  }
0x5: {  	_ = 	snop  }
0x6: {  	_ = 	snop  }
0x7: {  	_ = 	snop  }
__scs_overlays_trampoline_lowered:
0x8: {  	[smem:$0x3FA7] =	sst s0  }
0x9: {  	[smem:$0x3FA8] =	sst s1  }
0xa: {  	[smem:$0x3FA9] =	sst s2  }
0xb: {  	[smem:$0x3FAA] =	sst s3  }
0xc: {  	[smem:$0x3FAB] =	sst s4  }
0xd: {  	[smem:$0x3FAC] =	sst s5  }
0xe: {  	[smem:$0x3FAD] =	sst s6  }
0xf: {  	[smem:$0x3FAE] =	sst s7  }
0x10: {  	[smem:$0x3FAF] =	sst s8  }
0x11: {  	[smem:$0x3FB0] =	sst s9;
	s0 =	simm.s32 @!p0 $0x0  }
0x12: {  	s1 =	sld [smem:$0x3F96];
	s0 =	simm.s32 @p0 $0x1  }
0x13: {  	[smem:$0x3FB1] =	sst s0;
	s0 =	simm.s32 @!p1 $0x0  }
0x14: {  	s2 =	sld [smem:$0x3F95];
	s0 =	simm.s32 @p1 $0x1  }
0x15: {  	[smem:$0x3FB2] =	sst s0;
	s0 =	simm.s32 @!p2 $0x0  }
0x16: {  	s3 =	sld [smem:$0x3FDB];
	s0 =	simm.s32 @p2 $0x1  }
0x17: {  	s4 =	simm.s32 $0x1BF5;
	[smem:$0x3FB4] =	sst s0  }
0x18: {  	s0 =	sld [smem:$0x3F97];
	_ =	swait.ge [sflag:s4], $0x0  }
0x19: {  	s7 =	sld [smem:$0x3F98]  }
0x1a: {  	s8 =	sadd.s32 $0xFFFFE003, lr  }
0x1b: {  	s9 =	sadd.s32 $0xFFFFFEF7, lr;
	s5 =	simm.s32 $0xFFFFFFFF;
	p2 =	slt.u32 s8, $0xFFFFF086  }
0x1c: {  	p1 =	slt.u32 s9, $0xF7A;
	s5 =	simm.s32 @!p2 $0x0  }
0x1d: {  	s5 =	simm.s32 @p1 $0x1;
	p0 =	seq.s32 s7, s2  }
0x1e: {  	s7 =	smul.u32 @!p0 $0xF7A, s2;
	p2 =	seq.s32 @!p0 s5, $0x0  }
0x1f: {  	s9 =	smul.u32 $0xF7A, s1;
	s8 =	simm.s32 @!p0 $0x1BF5;
	p2 =	por !p2, p0  }
0x20: {  	[sflag:s8] =	ssyncset.s32 @!p0 $0xFFFFF086;
	s6 =	sadd.s32 @!p0 s3, s7;
	s7 =	simm.s32 @!p0 $0x108  }
0x21: {  	s3 =	sadd.s32 s3, s9;
	s6 =	sadd.s32 @!p0 $0x88, s6;
	s7 =	simm.s32 @p2 $0x1082  }
0x22: {  	[simem:s7], [sflag:s8] =	dma.local @!p0 [hbm:s6], $0xF7A  }
0x23: {  	s9 =	sor.u32 $0xD0000000, s2;
	s6 =	simm.s32 $0x108;
	_ =	swait.ge @!p0 [sflag:s8], $0x0  }
0x24: {  	s3 =	sadd.s32 $0x88, s3;
	s6 =	simm.s32 @!p1 $0x1082;
	[sflag:s4] =	ssyncset.s32 $0xFFFFF086  }
0x25: {  	[simem:s6], [sflag:s4] =	dma.local [hbm:s3], $0xF7A  }
0x26: {  	[smem:$0x3F98] =	sst s1;
	(tag) =	ssettag s2;
	_ =	strace s9  }
0x27: {  	s1 =	sld [smem:$0x3FA8]  }
0x28: {  	s2 =	sld [smem:$0x3FA9]  }
0x29: {  	s4 =	sld [smem:$0x3FAB]  }
0x2a: {  	p0 =	seq.s32 s5, $0x0;
	s5 =	sld [smem:$0x3FAC]  }
0x2b: {  	s6 =	sld [smem:$0x3FAD]  }
0x2c: {  	s7 =	sld [smem:$0x3FAE]  }
0x2d: {  	s3 =	simm.s32 $0x108;
	s8 =	sld [smem:$0x3FAF]  }
0x2e: {  	s3 =	simm.s32 @!p0 $0x1082;
	s9 =	sld [smem:$0x3FB0]  }
0x2f: {  	lr =	sadd.s32 s0, s3;
	s0 =	sld [smem:$0x3FA7]  }
0x30: {  	s3 =	sld [smem:$0x3FAA]  }
0x31: {  	[smem:$0x3FB3] =	sst s10  }
0x32: {  	s10 =	sld [smem:$0x3FB1];
	_ =	sdelay $0x3  }
0x33: {  	p0 =	seq.s32 s10, $0x1;
	s10 =	sld [smem:$0x3FB3];
	_ =	sdelay $0x3  }
0x34: {  	[smem:$0x3FB3] =	sst s10  }
0x35: {  	s10 =	sld [smem:$0x3FB2];
	_ =	sdelay $0x3  }
0x36: {  	p1 =	seq.s32 s10, $0x1;
	s10 =	sld [smem:$0x3FB3];
	_ =	sdelay $0x3  }
0x37: {  	[smem:$0x3FB3] =	sst s10  }
0x38: {  	s10 =	sld [smem:$0x3FB4]  }
0x39: {  	_ = 	snop;
	(pc) =	sbr.ind lr, $3  }
0x3a: {  	_ = 	snop  }
0x3b: {  	_ = 	snop  }
0x3c: {  	p2 =	seq.s32 s10, $0x1;
	s10 =	sld [smem:$0x3FB3]  }
0x3d: {  	_ =	shalt  }
0x3e: {  	_ =	shalt  }
0x3f: {  	_ =	shalt  }
0x40: {  	_ =	shalt  }
0x41: {  	_ =	shalt  }
0x42: {  	_ =	shalt  }
0x43: {  	_ =	shalt  }
0x44: {  	_ =	shalt  }
0x45: {  	_ =	shalt  }
0x46: {  	_ =	shalt  }
0x47: {  	_ =	shalt  }
0x48: {  	_ =	shalt  }
0x49: {  	_ =	shalt  }
0x4a: {  	_ =	shalt  }
0x4b: {  	_ =	shalt  }
0x4c: {  	_ =	shalt  }
0x4d: {  	_ =	shalt  }
0x4e: {  	_ =	shalt  }
0x4f: {  	_ =	shalt  }
0x50: {  	_ =	shalt  }
0x51: {  	_ =	shalt  }
0x52: {  	_ =	shalt  }
0x53: {  	_ =	shalt  }
0x54: {  	_ =	shalt  }
0x55: {  	_ =	shalt  }
0x56: {  	_ =	shalt  }
0x57: {  	_ =	shalt  }
0x58: {  	_ =	shalt  }
0x59: {  	_ =	shalt  }
0x5a: {  	_ =	shalt  }
0x5b: {  	_ =	shalt  }
0x5c: {  	_ =	shalt  }
0x5d: {  	_ =	shalt  }
0x5e: {  	_ =	shalt  }
0x5f: {  	_ =	shalt  }
0x60: {  	_ =	shalt  }
0x61: {  	_ =	shalt  }
0x62: {  	_ =	shalt  }
0x63: {  	_ =	shalt  }
0x64: {  	_ =	shalt  }
0x65: {  	_ =	shalt  }
0x66: {  	_ =	shalt  }
0x67: {  	_ =	shalt  }
0x68: {  	_ =	shalt  }
0x69: {  	_ =	shalt  }
0x6a: {  	_ =	shalt  }
0x6b: {  	_ =	shalt  }
0x6c: {  	_ =	shalt  }
0x6d: {  	_ =	shalt  }
0x6e: {  	_ =	shalt  }
0x6f: {  	_ =	shalt  }
0x70: {  	_ =	shalt  }
0x71: {  	_ =	shalt  }
0x72: {  	_ =	shalt  }
0x73: {  	_ =	shalt  }
0x74: {  	_ =	shalt  }
0x75: {  	_ =	shalt  }
0x76: {  	_ =	shalt  }
0x77: {  	_ =	shalt  }
0x78: {  	_ =	shalt  }
0x79: {  	_ =	shalt  }
0x7a: {  	_ =	shalt  }
0x7b: {  	_ =	shalt  }
0x7c: {  	_ =	shalt  }
0x7d: {  	_ =	shalt  }
0x7e: {  	_ =	shalt  }
0x7f: {  	_ =	shalt  }
0x80: {  	_ =	shalt  }
0x81: {  	_ =	shalt  }
0x82: {  	_ =	shalt  }
0x83: {  	_ =	shalt  }
0x84: {  	_ =	shalt  }
0x85: {  	_ =	shalt  }
0x86: {  	_ =	shalt  }
0x87: {  	_ =	shalt  }
.Lfunc_end0:
.L_simem_size_0:
called_computation_lowered:
.L_overlay_start_0:
0x88: {  	s2 =	sld [smem:$0x3FD9]  }
0x89: {  	s3 =	sld [smem:$0x3FFE];
	_ =	sdelay $0x1  }
0x8a: {  	s1 =	srdreg.scid  }
0x8b: {  	s0 =	sand.u32 $0x1, s1  }
0x8c: {  	s17 =	sshll.u32 s0, $0xA;
	s2 =	sadd.s32 s3, s2  }
0x8d: {  	s2 =	sadd.s32 s2, s17  }
0x8e: {  	[smem:$0x3FBF] =	sst s2  }
0x8f: {  	_ = 	snop  }
0x90: {  	s2 =	sld [smem:$0x3FD0];
	(tm) =	ssettm $0x1  }
0x91: {  	s18 =	sld [smem:$0x3FFB];
	_ =	sdelay $0x3  }
0x92: {  	_ =	strace s18  }
0x93: {  	s3 =	sld [smem:$0x3FFC];
	_ =	sdelay $0x3  }
0x94: {  	_ =	strace s3  }
0x95: {  	s3 =	sld [smem:$0x3FFD];
	_ =	sdelay $0x3  }
0x96: {  	_ =	strace s3  }
0x97: {  	_ =	strace $0x8FFFFFFF  }
0x98: {  	s19 =	sld [smem:$0x3FDB];
	_ =	sdelay $0x1  }
0x99: {  	s4 =	simm.s32 $_scs_section_size  }
0x9a: {  	s5 =	simm.s32 $_size__tile_overlayer_lowered;
	s6 =	simm.s32 $_tile_overlayer_lowered  }
0x9b: {  	s22 =	simm.s32 $0x1BFF;
	s21 =	sshll.u32 s6, $0x1;
	s3 =	sadd.s32 s4, s19  }
0x9c: {  	s7 =	simm.s32 $0x0;
	s20 =	sshll.u32 s5, $0x1;
	s5 =	sadd.s32 s21, s3  }
0x9d: {  	[timem:s7], [sflag:s22] =	dma.local [hbm:s5], s20  }
0x9e: {  	_ =	swait.ge [sflag:s22], s20  }
0x9f: {  	s4 =	ssub.s32 $0x0, s20;
	[sflag:s22] =	ssyncset.done $0x0  }
0xa0: {  	[sflag:s22] =	ssyncadd.s32 s4;
	_ =	sdelay $0x1  }
0xa1: {  	s23 =	simm.s32 $0x1B8B  }
0xa2: {  	_ =	swait.ge [sflag:s23], $0x1  }
0xa3: {  	[sflag:s23] =	ssyncset.done $0x0  }
0xa4: {  	s25 =	simm.s32 $0x1B8E;
	s24 =	sld [smem:$0x3FFE];
	[sflag:s23] =	ssyncadd.s32 $0xFFFFFFFF  }
0xa5: {  	s26 =	simm.s32 $execute0_lowered;
	[smem:$0x3FD2] =	sst s25  }
0xa6: {  	s5 =	sshll.u32 s26, $0x1;
	_ =	strace $0x80000046;
	[dreg:$0x1] =	wrdreg $0xFFFFFFFF  }
0xa7: {  	s28 =	simm.s32 $_size_execute0_lowered;
	s3 =	sadd.s32 s3, s5;
	[dreg:$0x0] =	wrdreg $0x0  }
0xa8: {  	s5 =	sshll.u32 s28, $0x1;
	[dreg:$0x2] =	wrdreg s3  }
0xa9: {  	[dreg:$0x3] =	wrdreg s5  }
0xaa: {  	[dreg:$0x4] =	wrdreg $0xC0  }
0xab: {  	_ =	task [dreg:s7], $0x5FFFF  }
0xac: {  	[dreg:$0x1] =	wrdreg $0xFFFFFFFF  }
0xad: {  	[dreg:$0x0] =	wrdreg $0x60  }
0xae: {  	[dreg:$0x2] =	wrdreg s24  }
0xaf: {  	[dreg:$0x3] =	wrdreg s2  }
0xb0: {  	[dreg:$0x4] =	wrdreg $0x54000  }
0xb1: {  	[dreg:$0x5] =	wrdreg $0x9  }
0xb2: {  	_ =	task.clear_ibuf [dreg:s7], $0x6FFFF;
	_ =	strace $0x90000046  }
0xb3: {  	s29 =	simm.s32 $0x9;
	_ =	strace $0x80000048  }
0xb4: {  	_ =	swait.ge [sflag:s29], $0x1  }
0xb5: {  	[sflag:s29] =	ssyncadd.s32 $0xFFFFFFFF  }
0xb6: {  	_ =	strace $0x90000048  }
0xb7: {  	_ =	sfence  }
0xb8: {  	s30 =	sld [smem:$0x0];
	_ =	sdelay $0x2  }
0xb9: {  	s31 =	sshll.u32 s1, $0xD;
	s1 =	sshrl.u32 s1, $0x2  }
0xba: {  	s3 =	sand.u32 $0x4000, s31;
	s1 =	sadd.s32 s1, s30  }
0xbb: {  	s0 =	sor.u32 s3, s0;
	s1 =	sshll.u32 s1, $0x11  }
0xbc: {  	s0 =	sor.u32 s1, s0  }
0xbd: {  	s0 =	sadd.s32 $0x8F2B, s0  }
0xbe: {  	[sflag:s0] =	ssyncadd.remote.s32 $0x1  }
0xbf: {  	_ =	sfence.sel $0xFFFF  }
0xc0: {  	[dreg:$0x0] =	wrdreg $0xFFFFFFFF;
	(pc) =	sbr.abs _section_cstart, $3  }
0xc1: {  	[dreg:$0x1] =	wrdreg $0xFFFFFFFF  }
0xc2: {  	_ =	task.clear_ibuf [dreg:s7], $0x2FFFF;
	_ =	strace $0x9FFFFFFF  }
0xc3: {  	(tm) =	ssettm $0x7FFFFFFF  }
tec
execute0_lowered:
.L_overlay_start_1:
0x0: {  	(tag) =	ssettag $0x1  }
0x1: {  	s0 =	rddreg [dreg:$0x0]  }
0x2: {  	s2 =	rddreg [dreg:$0x2];
	s4 =	simm.s32 $0x0  }
0x3: {  	s1 =	srdreg.scid;
	s12 =	stileid.u32;
	s28 =	simm.s32 $0x80  }
0x4: {  	s29 =	simm.s32 $0x280;
	s30 =	simm.s32 $0x100;
	[smem:$0x7FF] =	sst s4  }
0x5: {  	s1 =	sand.u32 $0x1, s1;
	s3 =	smul.u32 $0x3390, s12;
	s6 =	sshll.u32 s12, $0x1  }
0x6: {  	s5 =	sadd.s32 $0xC00, s0;
	s8 =	sadd.s32 $0x19400, s0;
	s15 =	smul.u32 $0xA000, s12  }
0x7: {  	s10 =	sadd.s32 $0x2D400, s0;
	s20 =	smul.u32 $0x67200, s12;
	s25 =	sshll.u32 s12, $0x6  }
0x8: {  	s12 =	simm.s32 $0x6;
	_ =	strace $0x80000047;
	s7 =	smul.u32 $0x33900, s1  }
0x9: {  	s6 =	sor.u32 s1, s6;
	s9 =	ssub.s32 $0x2, s1;
	s1 =	smul.u32 $0x5000, s1  }
0xa: {  	s6 =	smul.u32 $0x5000, s6;
	s26 =	sshrl.u32 s9, $0x1;
	s3 =	sadd.s32 s3, s7  }
0xb: {  	s31 =	ssub.s32 s9, s26;
	s1 =	sadd.s32 s1, s15;
	s7 =	sshrl.u32 s20, $0x2  }
0xc: {  	s0 =	sadd.s32 s3, s0;
	s6 =	sshrl.u32 s6, $0x3;
	s21 =	sor.u32 $0x380, s1  }
0xd: {  	s23 =	sor.u32 $0x300, s1;
	s24 =	sor.u32 $0x280, s1;
	s1 =	sor.u32 $0x200, s1  }
0xe: {  	s26 =	sadd.s32 s7, s2;
	s31 =	smax.u32 s31, $0x1;
	s3 =	simm.s32 $0x380  }
0xf: {  	s7 =	simm.s32 $0x4;
	s13 =	sadd.s32 s8, s6;
	s14 =	sadd.s32 s10, s6  }
0x10: {  	s16 =	sor.u32 $0x10, s6;
	s11 =	sor.u32 $0x20, s6;
	[dreg:$0xc] =	wrdreg s26  }
0x11: {  	s6 =	sor.u32 $0x30, s6;
	s22 =	sshrl.u32 s21, $0x3;
	[dreg:$0xf] =	wrdreg s31  }
0x12: {  	s1 =	sshrl.u32 s1, $0x3;
	s0 =	sadd.s32 $0x41400, s0;
	[dreg:$0x4] =	wrdreg s13  }
0x13: {  	s26 =	simm.s32 $0x200;
	[dreg:$0x5] =	wrdreg s14;
	s13 =	sadd.s32 s8, s16  }
0x14: {  	s9 =	sadd.s32 s10, s16;
	s17 =	sadd.s32 s8, s11;
	[dreg:$0xe] =	wrdreg s0  }
0x15: {  	s18 =	sadd.s32 s10, s11;
	s19 =	sadd.s32 s8, s6;
	[dreg:$0x6] =	wrdreg s13  }
0x16: {  	s6 =	sadd.s32 s10, s6;
	s14 =	sadd.s32 s22, s10;
	[dreg:$0x7] =	wrdreg s9  }
0x17: {  	s15 =	sadd.s32 s22, s8;
	s20 =	sadd.s32 s1, s10;
	[dreg:$0x8] =	wrdreg s17  }
0x18: {  	s21 =	sadd.s32 s1, s8;
	s22 =	sor.u32 $0x1C07, s25;
	[dreg:$0x9] =	wrdreg s18  }
0x19: {  	s0 =	simm.s32 $0x180;
	s1 =	simm.s32 $0x7;
	[dreg:$0xa] =	wrdreg s19  }
.Ltmp0:
0x1a: {  	s11 =	simm.s32 $0x2;
	[dreg:$0xb] =	wrdreg s6;
	(pc) =	sbr.rel .LBB2_1-.Ltmp0, $4  }
0x1b: {  	s9 =	sshrl.u32 s23, $0x3;
	s6 =	sshrl.u32 s24, $0x3;
	s23 =	simm.s32 $0x0  }
0x1c: {  	[dreg:$0xd] =	wrdreg s22;
	s16 =	sadd.s32 s9, s10;
	s17 =	sadd.s32 s9, s8  }
0x1d: {  	s18 =	sadd.s32 s6, s10;
	s19 =	sadd.s32 s6, s8;
	s6 =	simm.s32 $0x400  }
0x1e: {  	s8 =	simm.s32 $0x2C00;
	s9 =	simm.s32 $0x1;
	s10 =	simm.s32 $0x5  }
.LBB2_4:
0x1f: {  	[bflag:$0x0] =	sbarrier.arrive $0xFFFF  }
0x20: {  	s22 =	rddreg [dreg:$0xd]  }
0x21: {  	s13 =	rddreg [dreg:$0xe]  }
0x22: {  	s23 =	rddreg [dreg:$0x11]  }
0x23: {  	[hbm:s13], [sflag:s22] =	dma.local [spmem:s23], $0x3390  }
0x24: {  	_ =	swait.ge [sflag:s1], $0x3390  }
0x25: {  	s25 =	rddreg [dreg:$0x10]  }
0x26: {  	s31 =	rddreg [dreg:$0xf];
	s23 =	sadd.s32 $0x1, s25  }
0x27: {  	p0 =	sne.s32 s23, s31  }
.Ltmp1:
0x28: {  	_ = 	snop;
	(pc) =	sbr.rel @!p0 .LBB2_5-.Ltmp1, $3  }
0x29: {  	_ =	sdelay $0x1  }
0x2a: {  	[sflag:s1] =	ssyncset.done $0x0  }
0x2b: {  	[sflag:s1] =	ssyncadd.s32 $0xFFFFCC70  }
.LBB2_1:
0x2c: {  	[dreg:$0x10] =	wrdreg s23  }
0x2d: {  	s13 =	rddreg [dreg:$0x4]  }
0x2e: {  	s23 =	rddreg [dreg:$0x5]  }
0x2f: {  	s24 =	rddreg [dreg:$0x6]  }
0x30: {  	[tilespmem:s4], [sflag:$0x3] =	stream.linear.gather [hbm4b:s13+s4], $0x80, $0x38;
	[tilespmem:$0x1F080] =	vst v63  }
0x31: {  	s25 =	rddreg [dreg:$0x7]  }
0x32: {  	[tilespmem:s26], [sflag:$0x3] =	stream.linear.gather [hbm4b:s23+s4], $0x80, $0x38;
	[tilespmem:$0x1F080] =	vst v63  }
0x33: {  	s31 =	rddreg [dreg:$0x8]  }
0x34: {  	[tilespmem:s28], [sflag:$0x4] =	stream.linear.gather [hbm4b:s24+s4], $0x80, $0x38;
	[tilespmem:$0x1F080] =	vst v63  }
0x35: {  	s23 =	rddreg [dreg:$0x9]  }
0x36: {  	[tilespmem:s29], [sflag:$0x4] =	stream.linear.gather [hbm4b:s25+s4], $0x80, $0x38;
	[tilespmem:$0x1F080] =	vst v63  }
0x37: {  	s25 =	rddreg [dreg:$0xa]  }
0x38: {  	[tilespmem:s30], [sflag:$0x5] =	stream.linear.gather [hbm4b:s31+s4], $0x80, $0x38;
	[tilespmem:$0x1F080] =	vst v63  }
0x39: {  	s24 =	simm.s32 $0x300;
	s31 =	rddreg [dreg:$0xb]  }
0x3a: {  	[tilespmem:s24], [sflag:$0x5] =	stream.linear.gather [hbm4b:s23+s4], $0x80, $0x38;
	[tilespmem:$0x1F080] =	vst v63  }
0x3b: {  	s23 =	rddreg [dreg:$0xc]  }
0x3c: {  	[tilespmem:s0], [sflag:$0x6] =	stream.linear.gather [hbm4b:s25+s4], $0x80, $0x38;
	[tilespmem:$0x1F080] =	vst v63  }
0x3d: {  	s24 =	sshrl.u32 s23, $0x3;
	s25 =	rddreg [dreg:$0x1]  }
0x3e: {  	[dreg:$0x11] =	wrdreg s24  }
0x3f: {  	[tilespmem:s3], [sflag:$0x6] =	stream.linear.gather [hbm4b:s31+s4], $0x80, $0x38;
	[tilespmem:$0x1F080] =	vst v63  }
0x40: {  	[spmem:s24], [sflag:s22] =	dma.local [hbm:s25], $0x3390  }
0x41: {  	_ =	swait.ge [sflag:s1], $0x3390  }
0x42: {  	[sflag:s1] =	ssyncset.done $0x0  }
0x43: {  	s31 =	simm.s32 $0x3;
	[sflag:s1] =	ssyncadd.s32 $0xFFFFCC70  }
0x44: {  	_ =	swait.ge [sflag:s31], $0x80  }
0x45: {  	[sflag:s31] =	ssyncset.done $0x0  }
0x46: {  	[sflag:s31] =	ssyncadd.s32 $0xFFFFFF80  }
0x47: {  	_ =	swait.ge [sflag:s31], $0x80  }
0x48: {  	[sflag:s31] =	ssyncset.done $0x0  }
0x49: {  	[sflag:s31] =	ssyncadd.s32 $0xFFFFFF80  }
0x4a: {  	[tilespmem:s6], [sflag:$0x1] =	stream.indirect.gather [hbm4b:s5+s28], $0x50, s4, s28, $0xb8;
	[tilespmem:$0x1F080] =	vst v63  }
0x4b: {  	_ =	swait.ge [sflag:s7], $0x80  }
0x4c: {  	[sflag:s7] =	ssyncset.done $0x0  }
0x4d: {  	[sflag:s7] =	ssyncadd.s32 $0xFFFFFF80  }
0x4e: {  	_ =	swait.ge [sflag:s7], $0x80  }
0x4f: {  	[sflag:s7] =	ssyncset.done $0x0  }
0x50: {  	[sflag:s7] =	ssyncadd.s32 $0xFFFFFF80  }
0x51: {  	[tilespmem:s8], [sflag:$0x2] =	stream.indirect.gather [hbm4b:s5+s28], $0x50, s28, s28, $0xb8;
	[tilespmem:$0x1F080] =	vst v63  }
0x52: {  	s24 =	simm.s32 $0x0;
	[bflag:$0x0] =	sbarrier.arrive $0xFFFF  }
.LBB2_2:
0x53: {  	_ =	swait.ge [sflag:s9], $0x2800  }
0x54: {  	[sflag:s9] =	ssyncset.done $0x0  }
0x55: {  	[sflag:s9] =	ssyncadd.s32 $0xFFFFD800  }
0x56: {  	[spmem:s2] =	stream.indirect.scatter.add.f32 [tilespmem:s6], [sflag:$0x7], $0x50, s26, s28, $0xb8;
	[tilespmem:$0x1F080] =	vst v63  }
0x57: {  	_ =	swait.ge [sflag:s1], $0x2800  }
0x58: {  	[sflag:s1] =	ssyncset.done $0x0  }
0x59: {  	[sflag:s1] =	ssyncadd.s32 $0xFFFFD800  }
0x5a: {  	_ =	swait.ge [sflag:s10], $0x80  }
0x5b: {  	[sflag:s10] =	ssyncset.done $0x0  }
0x5c: {  	[sflag:s10] =	ssyncadd.s32 $0xFFFFFF80  }
0x5d: {  	_ =	swait.ge [sflag:s10], $0x80  }
0x5e: {  	[sflag:s10] =	ssyncset.done $0x0  }
0x5f: {  	p0 =	seq.s32 s24, $0x9C0;
	[sflag:s10] =	ssyncadd.s32 $0xFFFFFF80  }
0x60: {  	[tilespmem:s6], [sflag:$0x1] =	stream.indirect.gather [hbm4b:s5+s28], $0x50, s30, s28, $0xb8;
	[tilespmem:$0x1F080] =	vst v63  }
0x61: {  	s25 =	sadd.s32 @!p0 s24, s21;
	s23 =	simm.s32 @!p0 $0x0  }
0x62: {  	[tilespmem:s23], [sflag:$0x3] =	stream.linear.gather @!p0 [hbm4b:s25+s23], $0x80, $0x38;
	[tilespmem:$0x1F080] =	vst v63  }
0x63: {  	s31 =	simm.s32 @!p0 $0x200;
	s25 =	sadd.s32 @!p0 s24, s20  }
0x64: {  	[tilespmem:s31], [sflag:$0x3] =	stream.linear.gather @!p0 [hbm4b:s25+s23], $0x80, $0x38;
	[tilespmem:$0x1F080] =	vst v63  }
0x65: {  	_ =	swait.ge [sflag:s11], $0x2800  }
0x66: {  	[sflag:s11] =	ssyncset.done $0x0  }
0x67: {  	[sflag:s11] =	ssyncadd.s32 $0xFFFFD800  }
0x68: {  	[spmem:s2] =	stream.indirect.scatter.add.f32 [tilespmem:s8], [sflag:$0x7], $0x50, s29, s28, $0xb8;
	[tilespmem:$0x1F080] =	vst v63  }
0x69: {  	_ =	swait.ge [sflag:s1], $0x2800  }
0x6a: {  	[sflag:s1] =	ssyncset.done $0x0  }
0x6b: {  	[sflag:s1] =	ssyncadd.s32 $0xFFFFD800  }
0x6c: {  	_ =	swait.ge [sflag:s12], $0x80  }
0x6d: {  	[sflag:s12] =	ssyncset.done $0x0  }
0x6e: {  	[sflag:s12] =	ssyncadd.s32 $0xFFFFFF80  }
0x6f: {  	_ =	swait.ge [sflag:s12], $0x80  }
0x70: {  	[sflag:s12] =	ssyncset.done $0x0  }
0x71: {  	s25 =	simm.s32 @p0 $0x1;
	[sflag:s12] =	ssyncadd.s32 $0xFFFFFF80  }
0x72: {  	[tilespmem:s8], [sflag:$0x2] =	stream.indirect.gather [hbm4b:s5+s28], $0x50, s0, s28, $0xb8;
	[tilespmem:$0x1F080] =	vst v63  }
0x73: {  	_ =	swait.ge @p0 [sflag:s25], $0x2800  }
0x74: {  	s22 =	simm.s32 @p0 $0x400;
	[sflag:s25] =	ssyncset.done @p0 $0x0  }
0x75: {  	s31 =	simm.s32 @p0 $0x300;
	[sflag:s25] =	ssyncadd.s32 @p0 $0xFFFFD800;
	s25 =	simm.s32 @p0 $0x80  }
0x76: {  	[spmem:s2] =	stream.indirect.scatter.add.f32 @p0 [tilespmem:s22], [sflag:$0x7], $0x50, s31, s25, $0xb8;
	[tilespmem:$0x1F080] =	vst v63  }
0x77: {  	s22 =	simm.s32 @p0 $0x7  }
0x78: {  	_ =	swait.ge @p0 [sflag:s22], $0x2800  }
0x79: {  	[sflag:s22] =	ssyncset.done @p0 $0x0  }
0x7a: {  	s25 =	simm.s32 @!p0 $0x80;
	[sflag:s22] =	ssyncadd.s32 @p0 $0xFFFFD800;
	s22 =	sadd.s32 @!p0 s24, s19  }
0x7b: {  	[tilespmem:s25], [sflag:$0x4] =	stream.linear.gather @!p0 [hbm4b:s22+s23], $0x80, $0x38;
	[tilespmem:$0x1F080] =	vst v63  }
0x7c: {  	s31 =	simm.s32 @!p0 $0x280;
	s22 =	sadd.s32 @!p0 s24, s18  }
0x7d: {  	[tilespmem:s31], [sflag:$0x4] =	stream.linear.gather @!p0 [hbm4b:s22+s23], $0x80, $0x38;
	[tilespmem:$0x1F080] =	vst v63  }
0x7e: {  	s22 =	simm.s32 @!p0 $0x1  }
0x7f: {  	_ =	swait.ge @!p0 [sflag:s22], $0x2800  }
0x80: {  	s13 =	simm.s32 @!p0 $0x7;
	[sflag:s22] =	ssyncset.done @!p0 $0x0  }
0x81: {  	s31 =	simm.s32 @!p0 $0x400;
	[sflag:s22] =	ssyncadd.s32 @!p0 $0xFFFFD800;
	s22 =	simm.s32 @!p0 $0x300  }
0x82: {  	[spmem:s2] =	stream.indirect.scatter.add.f32 @!p0 [tilespmem:s31], [sflag:$0x7], $0x50, s22, s25, $0xb8;
	[tilespmem:$0x1F080] =	vst v63  }
0x83: {  	_ =	swait.ge @!p0 [sflag:s13], $0x2800  }
0x84: {  	[sflag:s13] =	ssyncset.done @!p0 $0x0  }
0x85: {  	[sflag:s13] =	ssyncadd.s32 @!p0 $0xFFFFD800;
	s13 =	simm.s32 @!p0 $0x3  }
0x86: {  	_ =	swait.ge @!p0 [sflag:s13], $0x80  }
0x87: {  	[sflag:s13] =	ssyncset.done @!p0 $0x0  }
0x88: {  	[sflag:s13] =	ssyncadd.s32 @!p0 $0xFFFFFF80  }
0x89: {  	_ =	swait.ge @!p0 [sflag:s13], $0x80  }
0x8a: {  	[sflag:s13] =	ssyncset.done @!p0 $0x0  }
0x8b: {  	[sflag:s13] =	ssyncadd.s32 @!p0 $0xFFFFFF80  }
0x8c: {  	[tilespmem:s31], [sflag:$0x1] =	stream.indirect.gather @!p0 [hbm4b:s5+s25], $0x50, s23, s25, $0xb8;
	[tilespmem:$0x1F080] =	vst v63  }
0x8d: {  	s13 =	sadd.s32 @!p0 s24, s17;
	s25 =	simm.s32 @!p0 $0x100  }
0x8e: {  	[tilespmem:s25], [sflag:$0x5] =	stream.linear.gather @!p0 [hbm4b:s13+s23], $0x80, $0x38;
	[tilespmem:$0x1F080] =	vst v63  }
0x8f: {  	s13 =	sadd.s32 @!p0 s24, s16  }
0x90: {  	[tilespmem:s22], [sflag:$0x5] =	stream.linear.gather @!p0 [hbm4b:s13+s23], $0x80, $0x38;
	[tilespmem:$0x1F080] =	vst v63  }
0x91: {  	_ =	swait.ge [sflag:s11], $0x2800  }
0x92: {  	[sflag:s11] =	ssyncset.done $0x0  }
.Ltmp2:
0x93: {  	[sflag:s11] =	ssyncadd.s32 $0xFFFFD800;
	(pc) =	sbr.rel @p0 .LBB2_4-.Ltmp2, $4  }
0x94: {  	[spmem:s2] =	stream.indirect.scatter.add.f32 [tilespmem:s8], [sflag:$0x7], $0x50, s3, s28, $0xb8;
	[tilespmem:$0x1F080] =	vst v63  }
0x95: {  	_ =	swait.ge [sflag:s1], $0x2800  }
0x96: {  	[sflag:s1] =	ssyncset.done $0x0  }
0x97: {  	[sflag:s1] =	ssyncadd.s32 $0xFFFFD800  }
0x98: {  	_ =	swait.ge [sflag:s7], $0x80  }
0x99: {  	[sflag:s7] =	ssyncset.done $0x0  }
0x9a: {  	[sflag:s7] =	ssyncadd.s32 $0xFFFFFF80  }
0x9b: {  	_ =	swait.ge [sflag:s7], $0x80  }
0x9c: {  	[sflag:s7] =	ssyncset.done $0x0  }
0x9d: {  	[sflag:s7] =	ssyncadd.s32 $0xFFFFFF80  }
0x9e: {  	[tilespmem:s8], [sflag:$0x2] =	stream.indirect.gather [hbm4b:s5+s28], $0x50, s28, s28, $0xb8;
	[tilespmem:$0x1F080] =	vst v63  }
.Ltmp3:
0x9f: {  	_ = 	snop;
	(pc) =	sbr.rel .LBB2_2-.Ltmp3, $4  }
0xa0: {  	s13 =	sadd.s32 s24, s15  }
0xa1: {  	[tilespmem:s0], [sflag:$0x6] =	stream.linear.gather [hbm4b:s13+s4], $0x80, $0x38;
	[tilespmem:$0x1F080] =	vst v63  }
0xa2: {  	s31 =	sadd.s32 s24, s14;
	s24 =	sadd.s32 $0x40, s24  }
0xa3: {  	[tilespmem:s3], [sflag:$0x6] =	stream.linear.gather [hbm4b:s31+s4], $0x80, $0x38;
	[tilespmem:$0x1F080] =	vst v63  }
.LBB2_5:
0xa4: {  	_ =	sfence.sel $0x180000  }
0xa5: {  	[bflag:$0x0] =	sbarrier.arrive $0xFFFF  }
0xa6: {  	_ =	strace $0x90000047  }
0xa7: {  	s0 =	stileid.u32;
	[bflag:$0x2] =	sbarrier.arrive $0xFFFF  }
0xa8: {  	p0 =	sne.s32 s0, $0x0;
	s0 =	rddreg [dreg:$0x3]  }
0xa9: {  	s0 =	sadd.s32 @!p0 $0x100000, s0  }
0xaa: {  	[sflag:s0] =	ssyncadd.tile.s32 @!p0 $0x1;
	_ =	shalt  }
.Lfunc_end2:
_tile_overlayer_lowered:
.L_overlay_start_2:
0xab: {  	(tag) =	ssettag $0x2  }
0xac: {  	s0 =	rddreg [dreg:$0x0];
	s2 =	stileid.u32  }
0xad: {  	s1 =	rddreg [dreg:$0x1];
	p0 =	sne.s32 s2, $0x0  }
0xae: {  	s3 =	rddreg [dreg:$0x2];
	[bflag:$0x3] =	sbarrier.arrive $0xFFFF;
	s2 =	simm.s32 @!p0 $0x1C07  }
0xaf: {  	[timem:s3], [sflag:s2] =	dma.local @!p0 [hbm:s0], s1  }
0xb0: {  	s0 =	simm.s32 @!p0 $0x7  }
0xb1: {  	_ =	swait.ge @!p0 [sflag:s0], s1  }
0xb2: {  	s1 =	ssub.s32 @!p0 $0x0, s1;
	[sflag:s0] =	ssyncset.done @!p0 $0x0  }
0xb3: {  	[sflag:s0] =	ssyncadd.s32 @!p0 s1  }
0xb4: {  	[bflag:$0x3] =	sbarrier.arrive $0xFFFF  }
0xb5: {  	_ =	shalt  }

</sc_bundles>
